<compile_context>
chip_gen: v7x
topology: tpu7x:2x2x1
jax: 0.10.2.dev20260603
libtpu: 0.0.44.dev20260713+nightly
codegen_flags: <defaults>
</compile_context>

<pallas_src>
import functools

import jax
import jax.numpy as jnp
from jax import lax
from jax.experimental import pallas as pl
from jax.experimental.pallas import tpu as pltpu
from jax.experimental.pallas import tpu_sc as plsc


def kernel(x, groups):
    B, C, H, W = x.shape
    G, GS = groups.shape
    S = H * W
    P = B * G
    L = 16
    SH, SW = 8, S // 8

    info = plsc.get_sparse_core_info()
    NC, NS = info.num_cores, info.num_subcores
    NW = NC * NS
    PPW = P // NW
    NPAIR = PPW // 2

    COLS = [c * L for c in range(SW // L)] + ([SW - L] if SW % L else [])

    GPAD = G + L + 7

    first = groups[:, 0].astype(jnp.int32)
    glen = jnp.sum((groups >= 0).astype(jnp.int32), axis=1)
    start_cl = jnp.minimum(first, C - GS)
    rows = (first - start_cl)[:, None] + jnp.minimum(
        jnp.arange(GS, dtype=jnp.int32), glen[:, None] - 1)
    meta_arr = jnp.concatenate(
        [jnp.pad(start_cl, (0, GPAD - G))]
        + [jnp.pad(rows[:, j], (0, GPAD - G)) for j in range(GS)])

    x4 = x.reshape(B, C, SH, SW)

    mesh = plsc.VectorSubcoreMesh(core_axis_name="c", subcore_axis_name="s")

    @functools.partial(
        pl.kernel,
        mesh=mesh,
        out_type=jax.ShapeDtypeStruct((B, G, SH, SW), jnp.float32),
        scratch_types=[
            pltpu.VMEM(((GS + 1) * GPAD,), jnp.int32),
            pltpu.VMEM((GS, SH, SW), jnp.float32),
            pltpu.VMEM((GS, SH, SW), jnp.float32),
            pltpu.VMEM((SH, SW), jnp.float32),
            pltpu.VMEM((SH, SW), jnp.float32),
            pltpu.SemaphoreType.DMA,
            pltpu.SemaphoreType.DMA,
            pltpu.SemaphoreType.DMA,
            pltpu.SemaphoreType.DMA,
        ],
    )
    def run(x_hbm, meta_hbm, out_hbm, meta_v, rows0, rows1, out0, out1,
            gsem0, gsem1, ssem0, ssem1):
        wid = lax.axis_index("s") * NC + lax.axis_index("c")
        base = wid * PPW
        pltpu.sync_copy(meta_hbm, meta_v)

        def extract(vec_off, g):
            return meta_v[pl.ds(vec_off + g, L)][0]

        def plane_bg(p):
            pg = base + p
            return pg // G, pg % G

        def start_gather(p, buf, sem):
            b, g = plane_bg(p)
            s = extract(0, g)
            pltpu.async_copy(x_hbm.at[b, pl.ds(s, GS)], buf, sem)

        def wait_gather(buf, sem):
            pltpu.make_async_copy(x_hbm.at[0, pl.ds(0, GS)], buf, sem).wait()

        def start_store(p, buf, sem):
            b, g = plane_bg(p)
            pltpu.async_copy(buf, out_hbm.at[b, g], sem)

        def wait_store(buf, sem):
            pltpu.make_async_copy(buf, out_hbm.at[0, 0], sem).wait()

        def compute(p, rows_v, out_v):
            _, g = plane_bg(p)
            r = [extract((1 + j) * GPAD, g) for j in range(GS)]

            def row_body(rr, _):
                for col in COLS:
                    acc = rows_v[r[0], rr, pl.ds(col, L)]
                    for j in range(1, GS):
                        acc = jnp.maximum(
                            acc, rows_v[r[j], rr, pl.ds(col, L)])
                    out_v[rr, pl.ds(col, L)] = acc
                return 0

            lax.fori_loop(0, SH, row_body, 0)

        start_gather(0, rows0, gsem0)

        def pair_body(i, _):
            p0 = 2 * i
            start_gather(p0 + 1, rows1, gsem1)
            wait_gather(rows0, gsem0)

            @pl.when(i > 0)
            def _():
                wait_store(out0, ssem0)

            compute(p0, rows0, out0)
            start_store(p0, out0, ssem0)

            @pl.when(i < NPAIR - 1)
            def _():
                start_gather(p0 + 2, rows0, gsem0)

            wait_gather(rows1, gsem1)

            @pl.when(i > 0)
            def _():
                wait_store(out1, ssem1)

            compute(p0 + 1, rows1, out1)
            start_store(p0 + 1, out1, ssem1)
            return 0

        lax.fori_loop(0, NPAIR, pair_body, 0)
        wait_store(out0, ssem0)
        wait_store(out1, ssem1)

    out = run(x4, meta_arr)
    return out.reshape(B, G, H, W)

# --- scband reference (transcript-rebuilt; emitter-appended) ---
"""Pipeline reference for scband-static-cgm-67465346285680 (READ-ONLY COPY).

The authoritative reference and input builder live on the scoring server;
editing this copy changes nothing except your own understanding.
"""

import jax, jax.numpy as jnp
import numpy as np


def _build_groups():
    # Mirrors StaticCGM.__init__: ragged channel groups padded with -1 to max group size
    groups = [[4 * i + j for j in range(4)] for i in range(23)] + [[92, 93, 94], [95]]
    max_gs = max(len(g) for g in groups)
    padded = np.full((len(groups), max_gs), -1, dtype=np.int32)
    for i, g in enumerate(groups):
        padded[i, :len(g)] = g
    return jnp.asarray(padded)


def setup_inputs(seed: int = 0) -> dict:
    key = jax.random.key(seed)
    x = jax.random.normal(key, (64, 96, 56, 56), dtype=jnp.float32)
    groups = _build_groups()  # int32 [G=25, gs=4], padded with -1
    return {"x": x, "groups": groups}


def reference(x, groups):
    # Static coarse-grained channel-group max reduction (segment max over channel groups).
    # Padded entries (-1) are masked to -inf so they never win the max.
    C = x.shape[1]
    safe_idx = jnp.clip(groups, 0, C - 1)               # safe gather indices
    gathered = jnp.take(x, safe_idx, axis=1)            # [B, G, gs, H, W]
    mask = (groups >= 0)[None, :, :, None, None]        # [1, G, gs, 1, 1]
    vals = jnp.where(mask, gathered, jnp.float32(-jnp.inf))
    out = jnp.max(vals, axis=2)                         # [B, G, H, W]
    return out

if __name__ == "__main__":
    import jax
    _d = setup_inputs()
    print(jax.jit(kernel)(*tuple(_d.values())))

</pallas_src>

<mosaic_0001>
#map = affine_map<(d0, d1) -> (0, 0, 0, 0)>
#map1 = affine_map<(d0, d1) -> (0)>
module attributes {stable_mosaic.version = 14 : i64} {
  func.func @run(%arg0: i32, %arg1: i32, %arg2: memref<64x96x8x392xf32, #tpu.memory_space<hbm>>, %arg3: memref<240xi32, #tpu.memory_space<hbm>>, %arg4: memref<64x25x8x392xf32, #tpu.memory_space<hbm>>, %arg5: memref<240xi32, #tpu.memory_space<vmem>>, %arg6: memref<4x8x392xf32, #tpu.memory_space<vmem>>, %arg7: memref<4x8x392xf32, #tpu.memory_space<vmem>>, %arg8: memref<8x392xf32, #tpu.memory_space<vmem>>, %arg9: memref<8x392xf32, #tpu.memory_space<vmem>>, %arg10: memref<!tpu.dma_semaphore, #tpu.memory_space<semaphore_mem>>, %arg11: memref<!tpu.dma_semaphore, #tpu.memory_space<semaphore_mem>>, %arg12: memref<!tpu.dma_semaphore, #tpu.memory_space<semaphore_mem>>, %arg13: memref<!tpu.dma_semaphore, #tpu.memory_space<semaphore_mem>>) attributes {dimension_semantics = [#tpu.dimension_semantics<core_parallel>, #tpu.dimension_semantics<subcore_parallel>], iteration_bounds = array<i64: 2, 16>, scalar_prefetch = 0 : i64, scratch_operands = 9 : i64, tpu.core_type = #tpu.core_type<sc_vector_subcore>, window_params = [{transform_indices = #map}, {transform_indices = #map1}, {transform_indices = #map}]} {
    %mul3A = arith.constant 2 : i32
    %mul3A_0 = arith.muli %arg1, %mul3A : i32
    %add3A = arith.addi %mul3A_0, %arg0 : i32
    %mul3A_1 = arith.constant 50 : i32
    %mul3A_2 = arith.muli %add3A, %mul3A_1 : i32
    "tpu.region"() ({
      %run_scoped3A = tpu.sem_alloc : memref<!tpu.dma_semaphore, #tpu.memory_space<semaphore_mem>>
      tpu.enqueue_dma source(%arg3 : memref<240xi32, #tpu.memory_space<hbm>>) target(%arg5 : memref<240xi32, #tpu.memory_space<vmem>>) target_semaphore(%run_scoped3A : memref<!tpu.dma_semaphore, #tpu.memory_space<semaphore_mem>>)
      tpu.wait_dma2 semaphore(%run_scoped3A : memref<!tpu.dma_semaphore, #tpu.memory_space<semaphore_mem>>) src(%arg3 : memref<240xi32, #tpu.memory_space<hbm>>) dst(%arg5 : memref<240xi32, #tpu.memory_space<vmem>>)
      tpu.yield
    }) : () -> ()
    %add3A_3 = arith.constant 0 : i32
    %add3A_4 = arith.addi %mul3A_2, %add3A_3 : i32
    %jit3A = arith.constant 25 : i32
    %div3A = arith.divsi %add3A_4, %jit3A : i32
    %sign3A = arith.constant 0 : i32
    %sign3A_5 = arith.cmpi sgt, %add3A_4, %sign3A : i32
    %sign3A_6 = arith.extui %sign3A_5 : i1 to i32
    %sign3A_7 = arith.constant 0 : i32
    %sign3A_8 = arith.cmpi slt, %add3A_4, %sign3A_7 : i32
    %sign3A_9 = arith.extui %sign3A_8 : i1 to i32
    %sign3A_10 = arith.subi %sign3A_6, %sign3A_9 : i32
    %sign3A_11 = arith.constant 0 : i32
    %sign3A_12 = arith.cmpi sgt, %jit3A, %sign3A_11 : i32
    %sign3A_13 = arith.extui %sign3A_12 : i1 to i32
    %sign3A_14 = arith.constant 0 : i32
    %sign3A_15 = arith.cmpi slt, %jit3A, %sign3A_14 : i32
    %sign3A_16 = arith.extui %sign3A_15 : i1 to i32
    %sign3A_17 = arith.subi %sign3A_13, %sign3A_16 : i32
    %ne3A = arith.cmpi ne, %sign3A_10, %sign3A_17 : i32
    %rem3A = arith.remsi %add3A_4, %jit3A : i32
    %ne3A_18 = arith.constant 0 : i32
    %ne3A_19 = arith.cmpi ne, %rem3A, %ne3A_18 : i32
    %and3A = arith.andi %ne3A, %ne3A_19 : i1
    %sub3A = arith.constant 1 : i32
    %sub3A_20 = arith.subi %div3A, %sub3A : i32
    %select_n3A = arith.select %and3A, %sub3A_20, %div3A : i32
    %jit3A_21 = arith.constant 25 : i32
    %eq3A = arith.constant 0 : i32
    %eq3A_22 = arith.cmpi eq, %jit3A_21, %eq3A : i32
    %jit3A_23 = arith.constant 1 : i32
    %select_n3A_24 = arith.select %eq3A_22, %jit3A_23, %jit3A_21 : i32
    %rem3A_25 = arith.remsi %add3A_4, %select_n3A_24 : i32
    %ne3A_26 = arith.constant 0 : i32
    %ne3A_27 = arith.cmpi ne, %rem3A_25, %ne3A_26 : i32
    %lt3A = arith.constant 0 : i32
    %lt3A_28 = arith.cmpi slt, %rem3A_25, %lt3A : i32
    %lt3A_29 = arith.constant 0 : i32
    %lt3A_30 = arith.cmpi slt, %select_n3A_24, %lt3A_29 : i32
    %ne3A_31 = arith.xori %lt3A_28, %lt3A_30 : i1
    %and3A_32 = arith.andi %ne3A_31, %ne3A_27 : i1
    %add3A_33 = arith.addi %rem3A_25, %select_n3A_24 : i32
    %select_n3A_34 = arith.select %and3A_32, %add3A_33, %rem3A_25 : i32
    %add3A_35 = arith.constant 0 : i32
    %add3A_36 = arith.addi %add3A_35, %select_n3A_34 : i32
    %get3A = arith.index_cast %add3A_36 : i32 to index
    %get3A_37 = tpu.vector_load %arg5[%get3A] {strides = array<i32>} : memref<240xi32, #tpu.memory_space<vmem>>, vector<16xi32>,
    %get3A_38 = vector.shape_cast %get3A_37 : vector<16xi32> to vector<16xi32>
    %slice3A = vector.extract_strided_slice %get3A_38 {offsets = [0], sizes = [1], strides = [1]} : vector<16xi32> to vector<1xi32>
    %squeeze3A = vector.extract %slice3A[0] : i32 from vector<1xi32>
    %dma_start3A = arith.constant 0 : i32
    %dma_start3A_39 = arith.constant 0 : i32
    %dma_start3A_40 = tpu.memref_slice %arg2[%select_n3A, %squeeze3A, %dma_start3A, %dma_start3A_39] : memref<64x96x8x392xf32, #tpu.memory_space<hbm>> -> memref<1x4x8x392xf32, #tpu.memory_space<hbm>>
    %dma_start3A_41 = tpu.memref_squeeze %dma_start3A_40 : memref<1x4x8x392xf32, #tpu.memory_space<hbm>> -> memref<4x8x392xf32, #tpu.memory_space<hbm>>
    %dma_start3A_42 = arith.constant 0 : i32
    %dma_start3A_43 = arith.constant 0 : i32
    %dma_start3A_44 = tpu.memref_slice %arg2[%select_n3A, %squeeze3A, %dma_start3A_42, %dma_start3A_43] : memref<64x96x8x392xf32, #tpu.memory_space<hbm>> -> memref<1x4x8x392xf32, #tpu.memory_space<hbm>>
    %dma_start3A_45 = tpu.memref_squeeze %dma_start3A_44 : memref<1x4x8x392xf32, #tpu.memory_space<hbm>> -> memref<4x8x392xf32, #tpu.memory_space<hbm>>
    tpu.enqueue_dma source(%dma_start3A_45 : memref<4x8x392xf32, #tpu.memory_space<hbm>>) target(%arg6 : memref<4x8x392xf32, #tpu.memory_space<vmem>>) target_semaphore(%arg10 : memref<!tpu.dma_semaphore, #tpu.memory_space<semaphore_mem>>)
    %scan3A = arith.constant 0 : i32
    %scan3A_46 = arith.constant 0 : i32
    %scan3A_47 = arith.constant 25 : i32
    %scan3A_48 = arith.addi %scan3A_46, %scan3A_47 : i32
    %scan3A_49 = arith.constant 1 : i32
    %scan3A_50 = scf.for %scan3A_71 = %scan3A_46 to %scan3A_48 step %scan3A_49 iter_args(%scan3A_72 = %scan3A) -> (i32)  : i32 {
      %mul3A_73 = arith.constant 2 : i32
      %mul3A_74 = arith.muli %mul3A_73, %scan3A_71 : i32
      %add3A_75 = arith.constant 1 : i32
      %add3A_76 = arith.addi %mul3A_74, %add3A_75 : i32
      %add3A_77 = arith.addi %mul3A_2, %add3A_76 : i32
      %jit3A_78 = arith.constant 25 : i32
      %div3A_79 = arith.divsi %add3A_77, %jit3A_78 : i32
      %sign3A_80 = arith.constant 0 : i32
      %sign3A_81 = arith.cmpi sgt, %add3A_77, %sign3A_80 : i32
      %sign3A_82 = arith.extui %sign3A_81 : i1 to i32
      %sign3A_83 = arith.constant 0 : i32
      %sign3A_84 = arith.cmpi slt, %add3A_77, %sign3A_83 : i32
      %sign3A_85 = arith.extui %sign3A_84 : i1 to i32
      %sign3A_86 = arith.subi %sign3A_82, %sign3A_85 : i32
      %sign3A_87 = arith.constant 0 : i32
      %sign3A_88 = arith.cmpi sgt, %jit3A_78, %sign3A_87 : i32
      %sign3A_89 = arith.extui %sign3A_88 : i1 to i32
      %sign3A_90 = arith.constant 0 : i32
      %sign3A_91 = arith.cmpi slt, %jit3A_78, %sign3A_90 : i32
      %sign3A_92 = arith.extui %sign3A_91 : i1 to i32
      %sign3A_93 = arith.subi %sign3A_89, %sign3A_92 : i32
      %ne3A_94 = arith.cmpi ne, %sign3A_86, %sign3A_93 : i32
      %rem3A_95 = arith.remsi %add3A_77, %jit3A_78 : i32
      %ne3A_96 = arith.constant 0 : i32
      %ne3A_97 = arith.cmpi ne, %rem3A_95, %ne3A_96 : i32
      %and3A_98 = arith.andi %ne3A_94, %ne3A_97 : i1
      %sub3A_99 = arith.constant 1 : i32
      %sub3A_100 = arith.subi %div3A_79, %sub3A_99 : i32
      %select_n3A_101 = arith.select %and3A_98, %sub3A_100, %div3A_79 : i32
      %jit3A_102 = arith.constant 25 : i32
      %eq3A_103 = arith.constant 0 : i32
      %eq3A_104 = arith.cmpi eq, %jit3A_102, %eq3A_103 : i32
      %jit3A_105 = arith.constant 1 : i32
      %select_n3A_106 = arith.select %eq3A_104, %jit3A_105, %jit3A_102 : i32
      %rem3A_107 = arith.remsi %add3A_77, %select_n3A_106 : i32
      %ne3A_108 = arith.constant 0 : i32
      %ne3A_109 = arith.cmpi ne, %rem3A_107, %ne3A_108 : i32
      %lt3A_110 = arith.constant 0 : i32
      %lt3A_111 = arith.cmpi slt, %rem3A_107, %lt3A_110 : i32
      %lt3A_112 = arith.constant 0 : i32
      %lt3A_113 = arith.cmpi slt, %select_n3A_106, %lt3A_112 : i32
      %ne3A_114 = arith.xori %lt3A_111, %lt3A_113 : i1
      %and3A_115 = arith.andi %ne3A_114, %ne3A_109 : i1
      %add3A_116 = arith.addi %rem3A_107, %select_n3A_106 : i32
      %select_n3A_117 = arith.select %and3A_115, %add3A_116, %rem3A_107 : i32
      %add3A_118 = arith.constant 0 : i32
      %add3A_119 = arith.addi %add3A_118, %select_n3A_117 : i32
      %get3A_120 = arith.index_cast %add3A_119 : i32 to index
      %get3A_121 = tpu.vector_load %arg5[%get3A_120] {strides = array<i32>} : memref<240xi32, #tpu.memory_space<vmem>>, vector<16xi32>,
      %get3A_122 = vector.shape_cast %get3A_121 : vector<16xi32> to vector<16xi32>
      %slice3A_123 = vector.extract_strided_slice %get3A_122 {offsets = [0], sizes = [1], strides = [1]} : vector<16xi32> to vector<1xi32>
      %squeeze3A_124 = vector.extract %slice3A_123[0] : i32 from vector<1xi32>
      %dma_start3A_125 = arith.constant 0 : i32
      %dma_start3A_126 = arith.constant 0 : i32
      %dma_start3A_127 = tpu.memref_slice %arg2[%select_n3A_101, %squeeze3A_124, %dma_start3A_125, %dma_start3A_126] : memref<64x96x8x392xf32, #tpu.memory_space<hbm>> -> memref<1x4x8x392xf32, #tpu.memory_space<hbm>>
      %dma_start3A_128 = tpu.memref_squeeze %dma_start3A_127 : memref<1x4x8x392xf32, #tpu.memory_space<hbm>> -> memref<4x8x392xf32, #tpu.memory_space<hbm>>
      %dma_start3A_129 = arith.constant 0 : i32
      %dma_start3A_130 = arith.constant 0 : i32
      %dma_start3A_131 = tpu.memref_slice %arg2[%select_n3A_101, %squeeze3A_124, %dma_start3A_129, %dma_start3A_130] : memref<64x96x8x392xf32, #tpu.memory_space<hbm>> -> memref<1x4x8x392xf32, #tpu.memory_space<hbm>>
      %dma_start3A_132 = tpu.memref_squeeze %dma_start3A_131 : memref<1x4x8x392xf32, #tpu.memory_space<hbm>> -> memref<4x8x392xf32, #tpu.memory_space<hbm>>
      tpu.enqueue_dma source(%dma_start3A_132 : memref<4x8x392xf32, #tpu.memory_space<hbm>>) target(%arg7 : memref<4x8x392xf32, #tpu.memory_space<vmem>>) target_semaphore(%arg11 : memref<!tpu.dma_semaphore, #tpu.memory_space<semaphore_mem>>)
      %dma_wait3A_133 = arith.constant 0 : i32
      %dma_wait3A_134 = arith.constant 0 : i32
      %dma_wait3A_135 = arith.constant 0 : i32
      %dma_wait3A_136 = arith.constant 0 : i32
      %dma_wait3A_137 = tpu.memref_slice %arg2[%dma_wait3A_133, %dma_wait3A_134, %dma_wait3A_135, %dma_wait3A_136] : memref<64x96x8x392xf32, #tpu.memory_space<hbm>> -> memref<1x4x8x392xf32, #tpu.memory_space<hbm>>
      %dma_wait3A_138 = tpu.memref_squeeze %dma_wait3A_137 : memref<1x4x8x392xf32, #tpu.memory_space<hbm>> -> memref<4x8x392xf32, #tpu.memory_space<hbm>>
      %dma_wait3A_139 = arith.constant 0 : i32
      %dma_wait3A_140 = arith.constant 0 : i32
      %dma_wait3A_141 = arith.constant 0 : i32
      %dma_wait3A_142 = tpu.memref_slice %arg2[%dma_wait3A_133, %dma_wait3A_139, %dma_wait3A_140, %dma_wait3A_141] : memref<64x96x8x392xf32, #tpu.memory_space<hbm>> -> memref<1x4x8x392xf32, #tpu.memory_space<hbm>>
      %dma_wait3A_143 = tpu.memref_squeeze %dma_wait3A_142 : memref<1x4x8x392xf32, #tpu.memory_space<hbm>> -> memref<4x8x392xf32, #tpu.memory_space<hbm>>
      tpu.wait_dma2 semaphore(%arg10 : memref<!tpu.dma_semaphore, #tpu.memory_space<semaphore_mem>>) src(%dma_wait3A_143 : memref<4x8x392xf32, #tpu.memory_space<hbm>>) dst(%arg6 : memref<4x8x392xf32, #tpu.memory_space<vmem>>)
      %gt3A = arith.constant 0 : i32
      %gt3A_144 = arith.cmpi sgt, %scan3A_71, %gt3A : i32
      %convert_element_type3A = arith.extui %gt3A_144 : i1 to i32
      %cond3A = arith.constant 0 : i32
      %cond3A_145 = arith.cmpi ne, %convert_element_type3A, %cond3A : i32
      scf.if %cond3A_145 {
        %dma_wait3A_422 = arith.constant 0 : i32
        %dma_wait3A_423 = arith.constant 0 : i32
        %dma_wait3A_424 = arith.constant 0 : i32
        %dma_wait3A_425 = arith.constant 0 : i32
        %dma_wait3A_426 = tpu.memref_slice %arg4[%dma_wait3A_422, %dma_wait3A_423, %dma_wait3A_424, %dma_wait3A_425] : memref<64x25x8x392xf32, #tpu.memory_space<hbm>> -> memref<1x1x8x392xf32, #tpu.memory_space<hbm>>
        %dma_wait3A_427 = tpu.memref_squeeze %dma_wait3A_426 : memref<1x1x8x392xf32, #tpu.memory_space<hbm>> -> memref<8x392xf32, #tpu.memory_space<hbm>>
        %dma_wait3A_428 = arith.constant 0 : i32
        %dma_wait3A_429 = arith.constant 0 : i32
        %dma_wait3A_430 = tpu.memref_slice %arg4[%dma_wait3A_422, %dma_wait3A_423, %dma_wait3A_428, %dma_wait3A_429] : memref<64x25x8x392xf32, #tpu.memory_space<hbm>> -> memref<1x1x8x392xf32, #tpu.memory_space<hbm>>
        %dma_wait3A_431 = tpu.memref_squeeze %dma_wait3A_430 : memref<1x1x8x392xf32, #tpu.memory_space<hbm>> -> memref<8x392xf32, #tpu.memory_space<hbm>>
        tpu.wait_dma2 semaphore(%arg12 : memref<!tpu.dma_semaphore, #tpu.memory_space<semaphore_mem>>) src(%arg8 : memref<8x392xf32, #tpu.memory_space<vmem>>) dst(%dma_wait3A_431 : memref<8x392xf32, #tpu.memory_space<hbm>>)
      } else {
      }
      %add3A_146 = arith.addi %mul3A_2, %mul3A_74 : i32
      %jit3A_147 = arith.constant 25 : i32
      %div3A_148 = arith.divsi %add3A_146, %jit3A_147 : i32
      %sign3A_149 = arith.constant 0 : i32
      %sign3A_150 = arith.cmpi sgt, %add3A_146, %sign3A_149 : i32
      %sign3A_151 = arith.extui %sign3A_150 : i1 to i32
      %sign3A_152 = arith.constant 0 : i32
      %sign3A_153 = arith.cmpi slt, %add3A_146, %sign3A_152 : i32
      %sign3A_154 = arith.extui %sign3A_153 : i1 to i32
      %sign3A_155 = arith.subi %sign3A_151, %sign3A_154 : i32
      %sign3A_156 = arith.constant 0 : i32
      %sign3A_157 = arith.cmpi sgt, %jit3A_147, %sign3A_156 : i32
      %sign3A_158 = arith.extui %sign3A_157 : i1 to i32
      %sign3A_159 = arith.constant 0 : i32
      %sign3A_160 = arith.cmpi slt, %jit3A_147, %sign3A_159 : i32
      %sign3A_161 = arith.extui %sign3A_160 : i1 to i32
      %sign3A_162 = arith.subi %sign3A_158, %sign3A_161 : i32
      %ne3A_163 = arith.cmpi ne, %sign3A_155, %sign3A_162 : i32
      %rem3A_164 = arith.remsi %add3A_146, %jit3A_147 : i32
      %ne3A_165 = arith.constant 0 : i32
      %ne3A_166 = arith.cmpi ne, %rem3A_164, %ne3A_165 : i32
      %and3A_167 = arith.andi %ne3A_163, %ne3A_166 : i1
      %sub3A_168 = arith.constant 1 : i32
      %sub3A_169 = arith.subi %div3A_148, %sub3A_168 : i32
      %select_n3A_170 = arith.select %and3A_167, %sub3A_169, %div3A_148 : i32
      %jit3A_171 = arith.constant 25 : i32
      %eq3A_172 = arith.constant 0 : i32
      %eq3A_173 = arith.cmpi eq, %jit3A_171, %eq3A_172 : i32
      %jit3A_174 = arith.constant 1 : i32
      %select_n3A_175 = arith.select %eq3A_173, %jit3A_174, %jit3A_171 : i32
      %rem3A_176 = arith.remsi %add3A_146, %select_n3A_175 : i32
      %ne3A_177 = arith.constant 0 : i32
      %ne3A_178 = arith.cmpi ne, %rem3A_176, %ne3A_177 : i32
      %lt3A_179 = arith.constant 0 : i32
      %lt3A_180 = arith.cmpi slt, %rem3A_176, %lt3A_179 : i32
      %lt3A_181 = arith.constant 0 : i32
      %lt3A_182 = arith.cmpi slt, %select_n3A_175, %lt3A_181 : i32
      %ne3A_183 = arith.xori %lt3A_180, %lt3A_182 : i1
      %and3A_184 = arith.andi %ne3A_183, %ne3A_178 : i1
      %add3A_185 = arith.addi %rem3A_176, %select_n3A_175 : i32
      %select_n3A_186 = arith.select %and3A_184, %add3A_185, %rem3A_176 : i32
      %add3A_187 = arith.constant 48 : i32
      %add3A_188 = arith.addi %add3A_187, %select_n3A_186 : i32
      %get3A_189 = arith.index_cast %add3A_188 : i32 to index
      %get3A_190 = tpu.vector_load %arg5[%get3A_189] {strides = array<i32>} : memref<240xi32, #tpu.memory_space<vmem>>, vector<16xi32>,
      %get3A_191 = vector.shape_cast %get3A_190 : vector<16xi32> to vector<16xi32>
      %slice3A_192 = vector.extract_strided_slice %get3A_191 {offsets = [0], sizes = [1], strides = [1]} : vector<16xi32> to vector<1xi32>
      %squeeze3A_193 = vector.extract %slice3A_192[0] : i32 from vector<1xi32>
      %add3A_194 = arith.constant 96 : i32
      %add3A_195 = arith.addi %add3A_194, %select_n3A_186 : i32
      %get3A_196 = arith.index_cast %add3A_195 : i32 to index
      %get3A_197 = tpu.vector_load %arg5[%get3A_196] {strides = array<i32>} : memref<240xi32, #tpu.memory_space<vmem>>, vector<16xi32>,
      %get3A_198 = vector.shape_cast %get3A_197 : vector<16xi32> to vector<16xi32>
      %slice3A_199 = vector.extract_strided_slice %get3A_198 {offsets = [0], sizes = [1], strides = [1]} : vector<16xi32> to vector<1xi32>
      %squeeze3A_200 = vector.extract %slice3A_199[0] : i32 from vector<1xi32>
      %add3A_201 = arith.constant 144 : i32
      %add3A_202 = arith.addi %add3A_201, %select_n3A_186 : i32
      %get3A_203 = arith.index_cast %add3A_202 : i32 to index
      %get3A_204 = tpu.vector_load %arg5[%get3A_203] {strides = array<i32>} : memref<240xi32, #tpu.memory_space<vmem>>, vector<16xi32>,
      %get3A_205 = vector.shape_cast %get3A_204 : vector<16xi32> to vector<16xi32>
      %slice3A_206 = vector.extract_strided_slice %get3A_205 {offsets = [0], sizes = [1], strides = [1]} : vector<16xi32> to vector<1xi32>
      %squeeze3A_207 = vector.extract %slice3A_206[0] : i32 from vector<1xi32>
      %add3A_208 = arith.constant 192 : i32
      %add3A_209 = arith.addi %add3A_208, %select_n3A_186 : i32
      %get3A_210 = arith.index_cast %add3A_209 : i32 to index
      %get3A_211 = tpu.vector_load %arg5[%get3A_210] {strides = array<i32>} : memref<240xi32, #tpu.memory_space<vmem>>, vector<16xi32>,
      %get3A_212 = vector.shape_cast %get3A_211 : vector<16xi32> to vector<16xi32>
      %slice3A_213 = vector.extract_strided_slice %get3A_212 {offsets = [0], sizes = [1], strides = [1]} : vector<16xi32> to vector<1xi32>
      %squeeze3A_214 = vector.extract %slice3A_213[0] : i32 from vector<1xi32>
      %scan3A_215 = arith.constant 0 : i32
      %scan3A_216 = arith.constant 0 : i32
      %scan3A_217 = arith.constant 8 : i32
      %scan3A_218 = arith.addi %scan3A_216, %scan3A_217 : i32
      %scan3A_219 = arith.constant 1 : i32
      %scan3A_220 = scf.for %scan3A_422 = %scan3A_216 to %scan3A_218 step %scan3A_219 iter_args(%scan3A_423 = %scan3A_215) -> (i32)  : i32 {
        %get3A_424 = arith.index_cast %squeeze3A_193 : i32 to index
        %get3A_425 = arith.index_cast %scan3A_422 : i32 to index
        %get3A_426 = arith.constant 0 : index
        %get3A_427 = tpu.vector_load %arg6[%get3A_424, %get3A_425, %get3A_426] {strides = array<i32>} : memref<4x8x392xf32, #tpu.memory_space<vmem>>, vector<1x1x16xf32>,
        %get3A_428 = vector.shape_cast %get3A_427 : vector<1x1x16xf32> to vector<16xf32>
        %get3A_429 = arith.index_cast %squeeze3A_200 : i32 to index
        %get3A_430 = arith.index_cast %scan3A_422 : i32 to index
        %get3A_431 = arith.constant 0 : index
        %get3A_432 = tpu.vector_load %arg6[%get3A_429, %get3A_430, %get3A_431] {strides = array<i32>} : memref<4x8x392xf32, #tpu.memory_space<vmem>>, vector<1x1x16xf32>,
        %get3A_433 = vector.shape_cast %get3A_432 : vector<1x1x16xf32> to vector<16xf32>
        %max3A = arith.maximumf %get3A_428, %get3A_433 : vector<16xf32>
        %get3A_434 = arith.index_cast %squeeze3A_207 : i32 to index
        %get3A_435 = arith.index_cast %scan3A_422 : i32 to index
        %get3A_436 = arith.constant 0 : index
        %get3A_437 = tpu.vector_load %arg6[%get3A_434, %get3A_435, %get3A_436] {strides = array<i32>} : memref<4x8x392xf32, #tpu.memory_space<vmem>>, vector<1x1x16xf32>,
        %get3A_438 = vector.shape_cast %get3A_437 : vector<1x1x16xf32> to vector<16xf32>
        %max3A_439 = arith.maximumf %max3A, %get3A_438 : vector<16xf32>
        %get3A_440 = arith.index_cast %squeeze3A_214 : i32 to index
        %get3A_441 = arith.index_cast %scan3A_422 : i32 to index
        %get3A_442 = arith.constant 0 : index
        %get3A_443 = tpu.vector_load %arg6[%get3A_440, %get3A_441, %get3A_442] {strides = array<i32>} : memref<4x8x392xf32, #tpu.memory_space<vmem>>, vector<1x1x16xf32>,
        %get3A_444 = vector.shape_cast %get3A_443 : vector<1x1x16xf32> to vector<16xf32>
        %max3A_445 = arith.maximumf %max3A_439, %get3A_444 : vector<16xf32>
        %swap3A = arith.index_cast %scan3A_422 : i32 to index
        %swap3A_446 = arith.constant 0 : index
        %swap3A_447 = tpu.vector_load %arg8[%swap3A, %swap3A_446] {strides = array<i32>} : memref<8x392xf32, #tpu.memory_space<vmem>>, vector<1x16xf32>,
        %swap3A_448 = vector.shape_cast %swap3A_447 : vector<1x16xf32> to vector<16xf32>
        %swap3A_449 = vector.shape_cast %max3A_445 : vector<16xf32> to vector<1x16xf32>
        tpu.vector_store %arg8[%swap3A, %swap3A_446], %swap3A_449 {strides = array<i32>} : memref<8x392xf32, #tpu.memory_space<vmem>>, vector<1x16xf32>,
        %get3A_450 = arith.index_cast %squeeze3A_193 : i32 to index
        %get3A_451 = arith.index_cast %scan3A_422 : i32 to index
        %get3A_452 = arith.constant 16 : index
        %get3A_453 = tpu.vector_load %arg6[%get3A_450, %get3A_451, %get3A_452] {strides = array<i32>} : memref<4x8x392xf32, #tpu.memory_space<vmem>>, vector<1x1x16xf32>,
        %get3A_454 = vector.shape_cast %get3A_453 : vector<1x1x16xf32> to vector<16xf32>
        %get3A_455 = arith.index_cast %squeeze3A_200 : i32 to index
        %get3A_456 = arith.index_cast %scan3A_422 : i32 to index
        %get3A_457 = arith.constant 16 : index
        %get3A_458 = tpu.vector_load %arg6[%get3A_455, %get3A_456, %get3A_457] {strides = array<i32>} : memref<4x8x392xf32, #tpu.memory_space<vmem>>, vector<1x1x16xf32>,
        %get3A_459 = vector.shape_cast %get3A_458 : vector<1x1x16xf32> to vector<16xf32>
        %max3A_460 = arith.maximumf %get3A_454, %get3A_459 : vector<16xf32>
        %get3A_461 = arith.index_cast %squeeze3A_207 : i32 to index
        %get3A_462 = arith.index_cast %scan3A_422 : i32 to index
        %get3A_463 = arith.constant 16 : index
        %get3A_464 = tpu.vector_load %arg6[%get3A_461, %get3A_462, %get3A_463] {strides = array<i32>} : memref<4x8x392xf32, #tpu.memory_space<vmem>>, vector<1x1x16xf32>,
        %get3A_465 = vector.shape_cast %get3A_464 : vector<1x1x16xf32> to vector<16xf32>
        %max3A_466 = arith.maximumf %max3A_460, %get3A_465 : vector<16xf32>
        %get3A_467 = arith.index_cast %squeeze3A_214 : i32 to index
        %get3A_468 = arith.index_cast %scan3A_422 : i32 to index
        %get3A_469 = arith.constant 16 : index
        %get3A_470 = tpu.vector_load %arg6[%get3A_467, %get3A_468, %get3A_469] {strides = array<i32>} : memref<4x8x392xf32, #tpu.memory_space<vmem>>, vector<1x1x16xf32>,
        %get3A_471 = vector.shape_cast %get3A_470 : vector<1x1x16xf32> to vector<16xf32>
        %max3A_472 = arith.maximumf %max3A_466, %get3A_471 : vector<16xf32>
        %swap3A_473 = arith.index_cast %scan3A_422 : i32 to index
        %swap3A_474 = arith.constant 16 : index
        %swap3A_475 = tpu.vector_load %arg8[%swap3A_473, %swap3A_474] {strides = array<i32>} : memref<8x392xf32, #tpu.memory_space<vmem>>, vector<1x16xf32>,
        %swap3A_476 = vector.shape_cast %swap3A_475 : vector<1x16xf32> to vector<16xf32>
        %swap3A_477 = vector.shape_cast %max3A_472 : vector<16xf32> to vector<1x16xf32>
        tpu.vector_store %arg8[%swap3A_473, %swap3A_474], %swap3A_477 {strides = array<i32>} : memref<8x392xf32, #tpu.memory_space<vmem>>, vector<1x16xf32>,
        %get3A_478 = arith.index_cast %squeeze3A_193 : i32 to index
        %get3A_479 = arith.index_cast %scan3A_422 : i32 to index
        %get3A_480 = arith.constant 32 : index
        %get3A_481 = tpu.vector_load %arg6[%get3A_478, %get3A_479, %get3A_480] {strides = array<i32>} : memref<4x8x392xf32, #tpu.memory_space<vmem>>, vector<1x1x16xf32>,
        %get3A_482 = vector.shape_cast %get3A_481 : vector<1x1x16xf32> to vector<16xf32>
        %get3A_483 = arith.index_cast %squeeze3A_200 : i32 to index
        %get3A_484 = arith.index_cast %scan3A_422 : i32 to index
        %get3A_485 = arith.constant 32 : index
        %get3A_486 = tpu.vector_load %arg6[%get3A_483, %get3A_484, %get3A_485] {strides = array<i32>} : memref<4x8x392xf32, #tpu.memory_space<vmem>>, vector<1x1x16xf32>,
        %get3A_487 = vector.shape_cast %get3A_486 : vector<1x1x16xf32> to vector<16xf32>
        %max3A_488 = arith.maximumf %get3A_482, %get3A_487 : vector<16xf32>
        %get3A_489 = arith.index_cast %squeeze3A_207 : i32 to index
        %get3A_490 = arith.index_cast %scan3A_422 : i32 to index
        %get3A_491 = arith.constant 32 : index
        %get3A_492 = tpu.vector_load %arg6[%get3A_489, %get3A_490, %get3A_491] {strides = array<i32>} : memref<4x8x392xf32, #tpu.memory_space<vmem>>, vector<1x1x16xf32>,
        %get3A_493 = vector.shape_cast %get3A_492 : vector<1x1x16xf32> to vector<16xf32>
        %max3A_494 = arith.maximumf %max3A_488, %get3A_493 : vector<16xf32>
        %get3A_495 = arith.index_cast %squeeze3A_214 : i32 to index
        %get3A_496 = arith.index_cast %scan3A_422 : i32 to index
        %get3A_497 = arith.constant 32 : index
        %get3A_498 = tpu.vector_load %arg6[%get3A_495, %get3A_496, %get3A_497] {strides = array<i32>} : memref<4x8x392xf32, #tpu.memory_space<vmem>>, vector<1x1x16xf32>,
        %get3A_499 = vector.shape_cast %get3A_498 : vector<1x1x16xf32> to vector<16xf32>
        %max3A_500 = arith.maximumf %max3A_494, %get3A_499 : vector<16xf32>
        %swap3A_501 = arith.index_cast %scan3A_422 : i32 to index
        %swap3A_502 = arith.constant 32 : index
        %swap3A_503 = tpu.vector_load %arg8[%swap3A_501, %swap3A_502] {strides = array<i32>} : memref<8x392xf32, #tpu.memory_space<vmem>>, vector<1x16xf32>,
        %swap3A_504 = vector.shape_cast %swap3A_503 : vector<1x16xf32> to vector<16xf32>
        %swap3A_505 = vector.shape_cast %max3A_500 : vector<16xf32> to vector<1x16xf32>
        tpu.vector_store %arg8[%swap3A_501, %swap3A_502], %swap3A_505 {strides = array<i32>} : memref<8x392xf32, #tpu.memory_space<vmem>>, vector<1x16xf32>,
        %get3A_506 = arith.index_cast %squeeze3A_193 : i32 to index
        %get3A_507 = arith.index_cast %scan3A_422 : i32 to index
        %get3A_508 = arith.constant 48 : index
        %get3A_509 = tpu.vector_load %arg6[%get3A_506, %get3A_507, %get3A_508] {strides = array<i32>} : memref<4x8x392xf32, #tpu.memory_space<vmem>>, vector<1x1x16xf32>,
        %get3A_510 = vector.shape_cast %get3A_509 : vector<1x1x16xf32> to vector<16xf32>
        %get3A_511 = arith.index_cast %squeeze3A_200 : i32 to index
        %get3A_512 = arith.index_cast %scan3A_422 : i32 to index
        %get3A_513 = arith.constant 48 : index
        %get3A_514 = tpu.vector_load %arg6[%get3A_511, %get3A_512, %get3A_513] {strides = array<i32>} : memref<4x8x392xf32, #tpu.memory_space<vmem>>, vector<1x1x16xf32>,
        %get3A_515 = vector.shape_cast %get3A_514 : vector<1x1x16xf32> to vector<16xf32>
        %max3A_516 = arith.maximumf %get3A_510, %get3A_515 : vector<16xf32>
        %get3A_517 = arith.index_cast %squeeze3A_207 : i32 to index
        %get3A_518 = arith.index_cast %scan3A_422 : i32 to index
        %get3A_519 = arith.constant 48 : index
        %get3A_520 = tpu.vector_load %arg6[%get3A_517, %get3A_518, %get3A_519] {strides = array<i32>} : memref<4x8x392xf32, #tpu.memory_space<vmem>>, vector<1x1x16xf32>,
        %get3A_521 = vector.shape_cast %get3A_520 : vector<1x1x16xf32> to vector<16xf32>
        %max3A_522 = arith.maximumf %max3A_516, %get3A_521 : vector<16xf32>
        %get3A_523 = arith.index_cast %squeeze3A_214 : i32 to index
        %get3A_524 = arith.index_cast %scan3A_422 : i32 to index
        %get3A_525 = arith.constant 48 : index
        %get3A_526 = tpu.vector_load %arg6[%get3A_523, %get3A_524, %get3A_525] {strides = array<i32>} : memref<4x8x392xf32, #tpu.memory_space<vmem>>, vector<1x1x16xf32>,
        %get3A_527 = vector.shape_cast %get3A_526 : vector<1x1x16xf32> to vector<16xf32>
        %max3A_528 = arith.maximumf %max3A_522, %get3A_527 : vector<16xf32>
        %swap3A_529 = arith.index_cast %scan3A_422 : i32 to index
        %swap3A_530 = arith.constant 48 : index
        %swap3A_531 = tpu.vector_load %arg8[%swap3A_529, %swap3A_530] {strides = array<i32>} : memref<8x392xf32, #tpu.memory_space<vmem>>, vector<1x16xf32>,
        %swap3A_532 = vector.shape_cast %swap3A_531 : vector<1x16xf32> to vector<16xf32>
        %swap3A_533 = vector.shape_cast %max3A_528 : vector<16xf32> to vector<1x16xf32>
        tpu.vector_store %arg8[%swap3A_529, %swap3A_530], %swap3A_533 {strides = array<i32>} : memref<8x392xf32, #tpu.memory_space<vmem>>, vector<1x16xf32>,
        %get3A_534 = arith.index_cast %squeeze3A_193 : i32 to index
        %get3A_535 = arith.index_cast %scan3A_422 : i32 to index
        %get3A_536 = arith.constant 64 : index
        %get3A_537 = tpu.vector_load %arg6[%get3A_534, %get3A_535, %get3A_536] {strides = array<i32>} : memref<4x8x392xf32, #tpu.memory_space<vmem>>, vector<1x1x16xf32>,
        %get3A_538 = vector.shape_cast %get3A_537 : vector<1x1x16xf32> to vector<16xf32>
        %get3A_539 = arith.index_cast %squeeze3A_200 : i32 to index
        %get3A_540 = arith.index_cast %scan3A_422 : i32 to index
        %get3A_541 = arith.constant 64 : index
        %get3A_542 = tpu.vector_load %arg6[%get3A_539, %get3A_540, %get3A_541] {strides = array<i32>} : memref<4x8x392xf32, #tpu.memory_space<vmem>>, vector<1x1x16xf32>,
        %get3A_543 = vector.shape_cast %get3A_542 : vector<1x1x16xf32> to vector<16xf32>
        %max3A_544 = arith.maximumf %get3A_538, %get3A_543 : vector<16xf32>
        %get3A_545 = arith.index_cast %squeeze3A_207 : i32 to index
        %get3A_546 = arith.index_cast %scan3A_422 : i32 to index
        %get3A_547 = arith.constant 64 : index
        %get3A_548 = tpu.vector_load %arg6[%get3A_545, %get3A_546, %get3A_547] {strides = array<i32>} : memref<4x8x392xf32, #tpu.memory_space<vmem>>, vector<1x1x16xf32>,
        %get3A_549 = vector.shape_cast %get3A_548 : vector<1x1x16xf32> to vector<16xf32>
        %max3A_550 = arith.maximumf %max3A_544, %get3A_549 : vector<16xf32>
        %get3A_551 = arith.index_cast %squeeze3A_214 : i32 to index
        %get3A_552 = arith.index_cast %scan3A_422 : i32 to index
        %get3A_553 = arith.constant 64 : index
        %get3A_554 = tpu.vector_load %arg6[%get3A_551, %get3A_552, %get3A_553] {strides = array<i32>} : memref<4x8x392xf32, #tpu.memory_space<vmem>>, vector<1x1x16xf32>,
        %get3A_555 = vector.shape_cast %get3A_554 : vector<1x1x16xf32> to vector<16xf32>
        %max3A_556 = arith.maximumf %max3A_550, %get3A_555 : vector<16xf32>
        %swap3A_557 = arith.index_cast %scan3A_422 : i32 to index
        %swap3A_558 = arith.constant 64 : index
        %swap3A_559 = tpu.vector_load %arg8[%swap3A_557, %swap3A_558] {strides = array<i32>} : memref<8x392xf32, #tpu.memory_space<vmem>>, vector<1x16xf32>,
        %swap3A_560 = vector.shape_cast %swap3A_559 : vector<1x16xf32> to vector<16xf32>
        %swap3A_561 = vector.shape_cast %max3A_556 : vector<16xf32> to vector<1x16xf32>
        tpu.vector_store %arg8[%swap3A_557, %swap3A_558], %swap3A_561 {strides = array<i32>} : memref<8x392xf32, #tpu.memory_space<vmem>>, vector<1x16xf32>,
        %get3A_562 = arith.index_cast %squeeze3A_193 : i32 to index
        %get3A_563 = arith.index_cast %scan3A_422 : i32 to index
        %get3A_564 = arith.constant 80 : index
        %get3A_565 = tpu.vector_load %arg6[%get3A_562, %get3A_563, %get3A_564] {strides = array<i32>} : memref<4x8x392xf32, #tpu.memory_space<vmem>>, vector<1x1x16xf32>,
        %get3A_566 = vector.shape_cast %get3A_565 : vector<1x1x16xf32> to vector<16xf32>
        %get3A_567 = arith.index_cast %squeeze3A_200 : i32 to index
        %get3A_568 = arith.index_cast %scan3A_422 : i32 to index
        %get3A_569 = arith.constant 80 : index
        %get3A_570 = tpu.vector_load %arg6[%get3A_567, %get3A_568, %get3A_569] {strides = array<i32>} : memref<4x8x392xf32, #tpu.memory_space<vmem>>, vector<1x1x16xf32>,
        %get3A_571 = vector.shape_cast %get3A_570 : vector<1x1x16xf32> to vector<16xf32>
        %max3A_572 = arith.maximumf %get3A_566, %get3A_571 : vector<16xf32>
        %get3A_573 = arith.index_cast %squeeze3A_207 : i32 to index
        %get3A_574 = arith.index_cast %scan3A_422 : i32 to index
        %get3A_575 = arith.constant 80 : index
        %get3A_576 = tpu.vector_load %arg6[%get3A_573, %get3A_574, %get3A_575] {strides = array<i32>} : memref<4x8x392xf32, #tpu.memory_space<vmem>>, vector<1x1x16xf32>,
        %get3A_577 = vector.shape_cast %get3A_576 : vector<1x1x16xf32> to vector<16xf32>
        %max3A_578 = arith.maximumf %max3A_572, %get3A_577 : vector<16xf32>
        %get3A_579 = arith.index_cast %squeeze3A_214 : i32 to index
        %get3A_580 = arith.index_cast %scan3A_422 : i32 to index
        %get3A_581 = arith.constant 80 : index
        %get3A_582 = tpu.vector_load %arg6[%get3A_579, %get3A_580, %get3A_581] {strides = array<i32>} : memref<4x8x392xf32, #tpu.memory_space<vmem>>, vector<1x1x16xf32>,
        %get3A_583 = vector.shape_cast %get3A_582 : vector<1x1x16xf32> to vector<16xf32>
        %max3A_584 = arith.maximumf %max3A_578, %get3A_583 : vector<16xf32>
        %swap3A_585 = arith.index_cast %scan3A_422 : i32 to index
        %swap3A_586 = arith.constant 80 : index
        %swap3A_587 = tpu.vector_load %arg8[%swap3A_585, %swap3A_586] {strides = array<i32>} : memref<8x392xf32, #tpu.memory_space<vmem>>, vector<1x16xf32>,
        %swap3A_588 = vector.shape_cast %swap3A_587 : vector<1x16xf32> to vector<16xf32>
        %swap3A_589 = vector.shape_cast %max3A_584 : vector<16xf32> to vector<1x16xf32>
        tpu.vector_store %arg8[%swap3A_585, %swap3A_586], %swap3A_589 {strides = array<i32>} : memref<8x392xf32, #tpu.memory_space<vmem>>, vector<1x16xf32>,
        %get3A_590 = arith.index_cast %squeeze3A_193 : i32 to index
        %get3A_591 = arith.index_cast %scan3A_422 : i32 to index
        %get3A_592 = arith.constant 96 : index
        %get3A_593 = tpu.vector_load %arg6[%get3A_590, %get3A_591, %get3A_592] {strides = array<i32>} : memref<4x8x392xf32, #tpu.memory_space<vmem>>, vector<1x1x16xf32>,
        %get3A_594 = vector.shape_cast %get3A_593 : vector<1x1x16xf32> to vector<16xf32>
        %get3A_595 = arith.index_cast %squeeze3A_200 : i32 to index
        %get3A_596 = arith.index_cast %scan3A_422 : i32 to index
        %get3A_597 = arith.constant 96 : index
        %get3A_598 = tpu.vector_load %arg6[%get3A_595, %get3A_596, %get3A_597] {strides = array<i32>} : memref<4x8x392xf32, #tpu.memory_space<vmem>>, vector<1x1x16xf32>,
        %get3A_599 = vector.shape_cast %get3A_598 : vector<1x1x16xf32> to vector<16xf32>
        %max3A_600 = arith.maximumf %get3A_594, %get3A_599 : vector<16xf32>
        %get3A_601 = arith.index_cast %squeeze3A_207 : i32 to index
        %get3A_602 = arith.index_cast %scan3A_422 : i32 to index
        %get3A_603 = arith.constant 96 : index
        %get3A_604 = tpu.vector_load %arg6[%get3A_601, %get3A_602, %get3A_603] {strides = array<i32>} : memref<4x8x392xf32, #tpu.memory_space<vmem>>, vector<1x1x16xf32>,
        %get3A_605 = vector.shape_cast %get3A_604 : vector<1x1x16xf32> to vector<16xf32>
        %max3A_606 = arith.maximumf %max3A_600, %get3A_605 : vector<16xf32>
        %get3A_607 = arith.index_cast %squeeze3A_214 : i32 to index
        %get3A_608 = arith.index_cast %scan3A_422 : i32 to index
        %get3A_609 = arith.constant 96 : index
        %get3A_610 = tpu.vector_load %arg6[%get3A_607, %get3A_608, %get3A_609] {strides = array<i32>} : memref<4x8x392xf32, #tpu.memory_space<vmem>>, vector<1x1x16xf32>,
        %get3A_611 = vector.shape_cast %get3A_610 : vector<1x1x16xf32> to vector<16xf32>
        %max3A_612 = arith.maximumf %max3A_606, %get3A_611 : vector<16xf32>
        %swap3A_613 = arith.index_cast %scan3A_422 : i32 to index
        %swap3A_614 = arith.constant 96 : index
        %swap3A_615 = tpu.vector_load %arg8[%swap3A_613, %swap3A_614] {strides = array<i32>} : memref<8x392xf32, #tpu.memory_space<vmem>>, vector<1x16xf32>,
        %swap3A_616 = vector.shape_cast %swap3A_615 : vector<1x16xf32> to vector<16xf32>
        %swap3A_617 = vector.shape_cast %max3A_612 : vector<16xf32> to vector<1x16xf32>
        tpu.vector_store %arg8[%swap3A_613, %swap3A_614], %swap3A_617 {strides = array<i32>} : memref<8x392xf32, #tpu.memory_space<vmem>>, vector<1x16xf32>,
        %get3A_618 = arith.index_cast %squeeze3A_193 : i32 to index
        %get3A_619 = arith.index_cast %scan3A_422 : i32 to index
        %get3A_620 = arith.constant 112 : index
        %get3A_621 = tpu.vector_load %arg6[%get3A_618, %get3A_619, %get3A_620] {strides = array<i32>} : memref<4x8x392xf32, #tpu.memory_space<vmem>>, vector<1x1x16xf32>,
        %get3A_622 = vector.shape_cast %get3A_621 : vector<1x1x16xf32> to vector<16xf32>
        %get3A_623 = arith.index_cast %squeeze3A_200 : i32 to index
        %get3A_624 = arith.index_cast %scan3A_422 : i32 to index
        %get3A_625 = arith.constant 112 : index
        %get3A_626 = tpu.vector_load %arg6[%get3A_623, %get3A_624, %get3A_625] {strides = array<i32>} : memref<4x8x392xf32, #tpu.memory_space<vmem>>, vector<1x1x16xf32>,
        %get3A_627 = vector.shape_cast %get3A_626 : vector<1x1x16xf32> to vector<16xf32>
        %max3A_628 = arith.maximumf %get3A_622, %get3A_627 : vector<16xf32>
        %get3A_629 = arith.index_cast %squeeze3A_207 : i32 to index
        %get3A_630 = arith.index_cast %scan3A_422 : i32 to index
        %get3A_631 = arith.constant 112 : index
        %get3A_632 = tpu.vector_load %arg6[%get3A_629, %get3A_630, %get3A_631] {strides = array<i32>} : memref<4x8x392xf32, #tpu.memory_space<vmem>>, vector<1x1x16xf32>,
        %get3A_633 = vector.shape_cast %get3A_632 : vector<1x1x16xf32> to vector<16xf32>
        %max3A_634 = arith.maximumf %max3A_628, %get3A_633 : vector<16xf32>
        %get3A_635 = arith.index_cast %squeeze3A_214 : i32 to index
        %get3A_636 = arith.index_cast %scan3A_422 : i32 to index
        %get3A_637 = arith.constant 112 : index
        %get3A_638 = tpu.vector_load %arg6[%get3A_635, %get3A_636, %get3A_637] {strides = array<i32>} : memref<4x8x392xf32, #tpu.memory_space<vmem>>, vector<1x1x16xf32>,
        %get3A_639 = vector.shape_cast %get3A_638 : vector<1x1x16xf32> to vector<16xf32>
        %max3A_640 = arith.maximumf %max3A_634, %get3A_639 : vector<16xf32>
        %swap3A_641 = arith.index_cast %scan3A_422 : i32 to index
        %swap3A_642 = arith.constant 112 : index
        %swap3A_643 = tpu.vector_load %arg8[%swap3A_641, %swap3A_642] {strides = array<i32>} : memref<8x392xf32, #tpu.memory_space<vmem>>, vector<1x16xf32>,
        %swap3A_644 = vector.shape_cast %swap3A_643 : vector<1x16xf32> to vector<16xf32>
        %swap3A_645 = vector.shape_cast %max3A_640 : vector<16xf32> to vector<1x16xf32>
        tpu.vector_store %arg8[%swap3A_641, %swap3A_642], %swap3A_645 {strides = array<i32>} : memref<8x392xf32, #tpu.memory_space<vmem>>, vector<1x16xf32>,
        %get3A_646 = arith.index_cast %squeeze3A_193 : i32 to index
        %get3A_647 = arith.index_cast %scan3A_422 : i32 to index
        %get3A_648 = arith.constant 128 : index
        %get3A_649 = tpu.vector_load %arg6[%get3A_646, %get3A_647, %get3A_648] {strides = array<i32>} : memref<4x8x392xf32, #tpu.memory_space<vmem>>, vector<1x1x16xf32>,
        %get3A_650 = vector.shape_cast %get3A_649 : vector<1x1x16xf32> to vector<16xf32>
        %get3A_651 = arith.index_cast %squeeze3A_200 : i32 to index
        %get3A_652 = arith.index_cast %scan3A_422 : i32 to index
        %get3A_653 = arith.constant 128 : index
        %get3A_654 = tpu.vector_load %arg6[%get3A_651, %get3A_652, %get3A_653] {strides = array<i32>} : memref<4x8x392xf32, #tpu.memory_space<vmem>>, vector<1x1x16xf32>,
        %get3A_655 = vector.shape_cast %get3A_654 : vector<1x1x16xf32> to vector<16xf32>
        %max3A_656 = arith.maximumf %get3A_650, %get3A_655 : vector<16xf32>
        %get3A_657 = arith.index_cast %squeeze3A_207 : i32 to index
        %get3A_658 = arith.index_cast %scan3A_422 : i32 to index
        %get3A_659 = arith.constant 128 : index
        %get3A_660 = tpu.vector_load %arg6[%get3A_657, %get3A_658, %get3A_659] {strides = array<i32>} : memref<4x8x392xf32, #tpu.memory_space<vmem>>, vector<1x1x16xf32>,
        %get3A_661 = vector.shape_cast %get3A_660 : vector<1x1x16xf32> to vector<16xf32>
        %max3A_662 = arith.maximumf %max3A_656, %get3A_661 : vector<16xf32>
        %get3A_663 = arith.index_cast %squeeze3A_214 : i32 to index
        %get3A_664 = arith.index_cast %scan3A_422 : i32 to index
        %get3A_665 = arith.constant 128 : index
        %get3A_666 = tpu.vector_load %arg6[%get3A_663, %get3A_664, %get3A_665] {strides = array<i32>} : memref<4x8x392xf32, #tpu.memory_space<vmem>>, vector<1x1x16xf32>,
        %get3A_667 = vector.shape_cast %get3A_666 : vector<1x1x16xf32> to vector<16xf32>
        %max3A_668 = arith.maximumf %max3A_662, %get3A_667 : vector<16xf32>
        %swap3A_669 = arith.index_cast %scan3A_422 : i32 to index
        %swap3A_670 = arith.constant 128 : index
        %swap3A_671 = tpu.vector_load %arg8[%swap3A_669, %swap3A_670] {strides = array<i32>} : memref<8x392xf32, #tpu.memory_space<vmem>>, vector<1x16xf32>,
        %swap3A_672 = vector.shape_cast %swap3A_671 : vector<1x16xf32> to vector<16xf32>
        %swap3A_673 = vector.shape_cast %max3A_668 : vector<16xf32> to vector<1x16xf32>
        tpu.vector_store %arg8[%swap3A_669, %swap3A_670], %swap3A_673 {strides = array<i32>} : memref<8x392xf32, #tpu.memory_space<vmem>>, vector<1x16xf32>,
        %get3A_674 = arith.index_cast %squeeze3A_193 : i32 to index
        %get3A_675 = arith.index_cast %scan3A_422 : i32 to index
        %get3A_676 = arith.constant 144 : index
        %get3A_677 = tpu.vector_load %arg6[%get3A_674, %get3A_675, %get3A_676] {strides = array<i32>} : memref<4x8x392xf32, #tpu.memory_space<vmem>>, vector<1x1x16xf32>,
        %get3A_678 = vector.shape_cast %get3A_677 : vector<1x1x16xf32> to vector<16xf32>
        %get3A_679 = arith.index_cast %squeeze3A_200 : i32 to index
        %get3A_680 = arith.index_cast %scan3A_422 : i32 to index
        %get3A_681 = arith.constant 144 : index
        %get3A_682 = tpu.vector_load %arg6[%get3A_679, %get3A_680, %get3A_681] {strides = array<i32>} : memref<4x8x392xf32, #tpu.memory_space<vmem>>, vector<1x1x16xf32>,
        %get3A_683 = vector.shape_cast %get3A_682 : vector<1x1x16xf32> to vector<16xf32>
        %max3A_684 = arith.maximumf %get3A_678, %get3A_683 : vector<16xf32>
        %get3A_685 = arith.index_cast %squeeze3A_207 : i32 to index
        %get3A_686 = arith.index_cast %scan3A_422 : i32 to index
        %get3A_687 = arith.constant 144 : index
        %get3A_688 = tpu.vector_load %arg6[%get3A_685, %get3A_686, %get3A_687] {strides = array<i32>} : memref<4x8x392xf32, #tpu.memory_space<vmem>>, vector<1x1x16xf32>,
        %get3A_689 = vector.shape_cast %get3A_688 : vector<1x1x16xf32> to vector<16xf32>
        %max3A_690 = arith.maximumf %max3A_684, %get3A_689 : vector<16xf32>
        %get3A_691 = arith.index_cast %squeeze3A_214 : i32 to index
        %get3A_692 = arith.index_cast %scan3A_422 : i32 to index
        %get3A_693 = arith.constant 144 : index
        %get3A_694 = tpu.vector_load %arg6[%get3A_691, %get3A_692, %get3A_693] {strides = array<i32>} : memref<4x8x392xf32, #tpu.memory_space<vmem>>, vector<1x1x16xf32>,
        %get3A_695 = vector.shape_cast %get3A_694 : vector<1x1x16xf32> to vector<16xf32>
        %max3A_696 = arith.maximumf %max3A_690, %get3A_695 : vector<16xf32>
        %swap3A_697 = arith.index_cast %scan3A_422 : i32 to index
        %swap3A_698 = arith.constant 144 : index
        %swap3A_699 = tpu.vector_load %arg8[%swap3A_697, %swap3A_698] {strides = array<i32>} : memref<8x392xf32, #tpu.memory_space<vmem>>, vector<1x16xf32>,
        %swap3A_700 = vector.shape_cast %swap3A_699 : vector<1x16xf32> to vector<16xf32>
        %swap3A_701 = vector.shape_cast %max3A_696 : vector<16xf32> to vector<1x16xf32>
        tpu.vector_store %arg8[%swap3A_697, %swap3A_698], %swap3A_701 {strides = array<i32>} : memref<8x392xf32, #tpu.memory_space<vmem>>, vector<1x16xf32>,
        %get3A_702 = arith.index_cast %squeeze3A_193 : i32 to index
        %get3A_703 = arith.index_cast %scan3A_422 : i32 to index
        %get3A_704 = arith.constant 160 : index
        %get3A_705 = tpu.vector_load %arg6[%get3A_702, %get3A_703, %get3A_704] {strides = array<i32>} : memref<4x8x392xf32, #tpu.memory_space<vmem>>, vector<1x1x16xf32>,
        %get3A_706 = vector.shape_cast %get3A_705 : vector<1x1x16xf32> to vector<16xf32>
        %get3A_707 = arith.index_cast %squeeze3A_200 : i32 to index
        %get3A_708 = arith.index_cast %scan3A_422 : i32 to index
        %get3A_709 = arith.constant 160 : index
        %get3A_710 = tpu.vector_load %arg6[%get3A_707, %get3A_708, %get3A_709] {strides = array<i32>} : memref<4x8x392xf32, #tpu.memory_space<vmem>>, vector<1x1x16xf32>,
        %get3A_711 = vector.shape_cast %get3A_710 : vector<1x1x16xf32> to vector<16xf32>
        %max3A_712 = arith.maximumf %get3A_706, %get3A_711 : vector<16xf32>
        %get3A_713 = arith.index_cast %squeeze3A_207 : i32 to index
        %get3A_714 = arith.index_cast %scan3A_422 : i32 to index
        %get3A_715 = arith.constant 160 : index
        %get3A_716 = tpu.vector_load %arg6[%get3A_713, %get3A_714, %get3A_715] {strides = array<i32>} : memref<4x8x392xf32, #tpu.memory_space<vmem>>, vector<1x1x16xf32>,
        %get3A_717 = vector.shape_cast %get3A_716 : vector<1x1x16xf32> to vector<16xf32>
        %max3A_718 = arith.maximumf %max3A_712, %get3A_717 : vector<16xf32>
        %get3A_719 = arith.index_cast %squeeze3A_214 : i32 to index
        %get3A_720 = arith.index_cast %scan3A_422 : i32 to index
        %get3A_721 = arith.constant 160 : index
        %get3A_722 = tpu.vector_load %arg6[%get3A_719, %get3A_720, %get3A_721] {strides = array<i32>} : memref<4x8x392xf32, #tpu.memory_space<vmem>>, vector<1x1x16xf32>,
        %get3A_723 = vector.shape_cast %get3A_722 : vector<1x1x16xf32> to vector<16xf32>
        %max3A_724 = arith.maximumf %max3A_718, %get3A_723 : vector<16xf32>
        %swap3A_725 = arith.index_cast %scan3A_422 : i32 to index
        %swap3A_726 = arith.constant 160 : index
        %swap3A_727 = tpu.vector_load %arg8[%swap3A_725, %swap3A_726] {strides = array<i32>} : memref<8x392xf32, #tpu.memory_space<vmem>>, vector<1x16xf32>,
        %swap3A_728 = vector.shape_cast %swap3A_727 : vector<1x16xf32> to vector<16xf32>
        %swap3A_729 = vector.shape_cast %max3A_724 : vector<16xf32> to vector<1x16xf32>
        tpu.vector_store %arg8[%swap3A_725, %swap3A_726], %swap3A_729 {strides = array<i32>} : memref<8x392xf32, #tpu.memory_space<vmem>>, vector<1x16xf32>,
        %get3A_730 = arith.index_cast %squeeze3A_193 : i32 to index
        %get3A_731 = arith.index_cast %scan3A_422 : i32 to index
        %get3A_732 = arith.constant 176 : index
        %get3A_733 = tpu.vector_load %arg6[%get3A_730, %get3A_731, %get3A_732] {strides = array<i32>} : memref<4x8x392xf32, #tpu.memory_space<vmem>>, vector<1x1x16xf32>,
        %get3A_734 = vector.shape_cast %get3A_733 : vector<1x1x16xf32> to vector<16xf32>
        %get3A_735 = arith.index_cast %squeeze3A_200 : i32 to index
        %get3A_736 = arith.index_cast %scan3A_422 : i32 to index
        %get3A_737 = arith.constant 176 : index
        %get3A_738 = tpu.vector_load %arg6[%get3A_735, %get3A_736, %get3A_737] {strides = array<i32>} : memref<4x8x392xf32, #tpu.memory_space<vmem>>, vector<1x1x16xf32>,
        %get3A_739 = vector.shape_cast %get3A_738 : vector<1x1x16xf32> to vector<16xf32>
        %max3A_740 = arith.maximumf %get3A_734, %get3A_739 : vector<16xf32>
        %get3A_741 = arith.index_cast %squeeze3A_207 : i32 to index
        %get3A_742 = arith.index_cast %scan3A_422 : i32 to index
        %get3A_743 = arith.constant 176 : index
        %get3A_744 = tpu.vector_load %arg6[%get3A_741, %get3A_742, %get3A_743] {strides = array<i32>} : memref<4x8x392xf32, #tpu.memory_space<vmem>>, vector<1x1x16xf32>,
        %get3A_745 = vector.shape_cast %get3A_744 : vector<1x1x16xf32> to vector<16xf32>
        %max3A_746 = arith.maximumf %max3A_740, %get3A_745 : vector<16xf32>
        %get3A_747 = arith.index_cast %squeeze3A_214 : i32 to index
        %get3A_748 = arith.index_cast %scan3A_422 : i32 to index
        %get3A_749 = arith.constant 176 : index
        %get3A_750 = tpu.vector_load %arg6[%get3A_747, %get3A_748, %get3A_749] {strides = array<i32>} : memref<4x8x392xf32, #tpu.memory_space<vmem>>, vector<1x1x16xf32>,
        %get3A_751 = vector.shape_cast %get3A_750 : vector<1x1x16xf32> to vector<16xf32>
        %max3A_752 = arith.maximumf %max3A_746, %get3A_751 : vector<16xf32>
        %swap3A_753 = arith.index_cast %scan3A_422 : i32 to index
        %swap3A_754 = arith.constant 176 : index
        %swap3A_755 = tpu.vector_load %arg8[%swap3A_753, %swap3A_754] {strides = array<i32>} : memref<8x392xf32, #tpu.memory_space<vmem>>, vector<1x16xf32>,
        %swap3A_756 = vector.shape_cast %swap3A_755 : vector<1x16xf32> to vector<16xf32>
        %swap3A_757 = vector.shape_cast %max3A_752 : vector<16xf32> to vector<1x16xf32>
        tpu.vector_store %arg8[%swap3A_753, %swap3A_754], %swap3A_757 {strides = array<i32>} : memref<8x392xf32, #tpu.memory_space<vmem>>, vector<1x16xf32>,
        %get3A_758 = arith.index_cast %squeeze3A_193 : i32 to index
        %get3A_759 = arith.index_cast %scan3A_422 : i32 to index
        %get3A_760 = arith.constant 192 : index
        %get3A_761 = tpu.vector_load %arg6[%get3A_758, %get3A_759, %get3A_760] {strides = array<i32>} : memref<4x8x392xf32, #tpu.memory_space<vmem>>, vector<1x1x16xf32>,
        %get3A_762 = vector.shape_cast %get3A_761 : vector<1x1x16xf32> to vector<16xf32>
        %get3A_763 = arith.index_cast %squeeze3A_200 : i32 to index
        %get3A_764 = arith.index_cast %scan3A_422 : i32 to index
        %get3A_765 = arith.constant 192 : index
        %get3A_766 = tpu.vector_load %arg6[%get3A_763, %get3A_764, %get3A_765] {strides = array<i32>} : memref<4x8x392xf32, #tpu.memory_space<vmem>>, vector<1x1x16xf32>,
        %get3A_767 = vector.shape_cast %get3A_766 : vector<1x1x16xf32> to vector<16xf32>
        %max3A_768 = arith.maximumf %get3A_762, %get3A_767 : vector<16xf32>
        %get3A_769 = arith.index_cast %squeeze3A_207 : i32 to index
        %get3A_770 = arith.index_cast %scan3A_422 : i32 to index
        %get3A_771 = arith.constant 192 : index
        %get3A_772 = tpu.vector_load %arg6[%get3A_769, %get3A_770, %get3A_771] {strides = array<i32>} : memref<4x8x392xf32, #tpu.memory_space<vmem>>, vector<1x1x16xf32>,
        %get3A_773 = vector.shape_cast %get3A_772 : vector<1x1x16xf32> to vector<16xf32>
        %max3A_774 = arith.maximumf %max3A_768, %get3A_773 : vector<16xf32>
        %get3A_775 = arith.index_cast %squeeze3A_214 : i32 to index
        %get3A_776 = arith.index_cast %scan3A_422 : i32 to index
        %get3A_777 = arith.constant 192 : index
        %get3A_778 = tpu.vector_load %arg6[%get3A_775, %get3A_776, %get3A_777] {strides = array<i32>} : memref<4x8x392xf32, #tpu.memory_space<vmem>>, vector<1x1x16xf32>,
        %get3A_779 = vector.shape_cast %get3A_778 : vector<1x1x16xf32> to vector<16xf32>
        %max3A_780 = arith.maximumf %max3A_774, %get3A_779 : vector<16xf32>
        %swap3A_781 = arith.index_cast %scan3A_422 : i32 to index
        %swap3A_782 = arith.constant 192 : index
        %swap3A_783 = tpu.vector_load %arg8[%swap3A_781, %swap3A_782] {strides = array<i32>} : memref<8x392xf32, #tpu.memory_space<vmem>>, vector<1x16xf32>,
        %swap3A_784 = vector.shape_cast %swap3A_783 : vector<1x16xf32> to vector<16xf32>
        %swap3A_785 = vector.shape_cast %max3A_780 : vector<16xf32> to vector<1x16xf32>
        tpu.vector_store %arg8[%swap3A_781, %swap3A_782], %swap3A_785 {strides = array<i32>} : memref<8x392xf32, #tpu.memory_space<vmem>>, vector<1x16xf32>,
        %get3A_786 = arith.index_cast %squeeze3A_193 : i32 to index
        %get3A_787 = arith.index_cast %scan3A_422 : i32 to index
        %get3A_788 = arith.constant 208 : index
        %get3A_789 = tpu.vector_load %arg6[%get3A_786, %get3A_787, %get3A_788] {strides = array<i32>} : memref<4x8x392xf32, #tpu.memory_space<vmem>>, vector<1x1x16xf32>,
        %get3A_790 = vector.shape_cast %get3A_789 : vector<1x1x16xf32> to vector<16xf32>
        %get3A_791 = arith.index_cast %squeeze3A_200 : i32 to index
        %get3A_792 = arith.index_cast %scan3A_422 : i32 to index
        %get3A_793 = arith.constant 208 : index
        %get3A_794 = tpu.vector_load %arg6[%get3A_791, %get3A_792, %get3A_793] {strides = array<i32>} : memref<4x8x392xf32, #tpu.memory_space<vmem>>, vector<1x1x16xf32>,
        %get3A_795 = vector.shape_cast %get3A_794 : vector<1x1x16xf32> to vector<16xf32>
        %max3A_796 = arith.maximumf %get3A_790, %get3A_795 : vector<16xf32>
        %get3A_797 = arith.index_cast %squeeze3A_207 : i32 to index
        %get3A_798 = arith.index_cast %scan3A_422 : i32 to index
        %get3A_799 = arith.constant 208 : index
        %get3A_800 = tpu.vector_load %arg6[%get3A_797, %get3A_798, %get3A_799] {strides = array<i32>} : memref<4x8x392xf32, #tpu.memory_space<vmem>>, vector<1x1x16xf32>,
        %get3A_801 = vector.shape_cast %get3A_800 : vector<1x1x16xf32> to vector<16xf32>
        %max3A_802 = arith.maximumf %max3A_796, %get3A_801 : vector<16xf32>
        %get3A_803 = arith.index_cast %squeeze3A_214 : i32 to index
        %get3A_804 = arith.index_cast %scan3A_422 : i32 to index
        %get3A_805 = arith.constant 208 : index
        %get3A_806 = tpu.vector_load %arg6[%get3A_803, %get3A_804, %get3A_805] {strides = array<i32>} : memref<4x8x392xf32, #tpu.memory_space<vmem>>, vector<1x1x16xf32>,
        %get3A_807 = vector.shape_cast %get3A_806 : vector<1x1x16xf32> to vector<16xf32>
        %max3A_808 = arith.maximumf %max3A_802, %get3A_807 : vector<16xf32>
        %swap3A_809 = arith.index_cast %scan3A_422 : i32 to index
        %swap3A_810 = arith.constant 208 : index
        %swap3A_811 = tpu.vector_load %arg8[%swap3A_809, %swap3A_810] {strides = array<i32>} : memref<8x392xf32, #tpu.memory_space<vmem>>, vector<1x16xf32>,
        %swap3A_812 = vector.shape_cast %swap3A_811 : vector<1x16xf32> to vector<16xf32>
        %swap3A_813 = vector.shape_cast %max3A_808 : vector<16xf32> to vector<1x16xf32>
        tpu.vector_store %arg8[%swap3A_809, %swap3A_810], %swap3A_813 {strides = array<i32>} : memref<8x392xf32, #tpu.memory_space<vmem>>, vector<1x16xf32>,
        %get3A_814 = arith.index_cast %squeeze3A_193 : i32 to index
        %get3A_815 = arith.index_cast %scan3A_422 : i32 to index
        %get3A_816 = arith.constant 224 : index
        %get3A_817 = tpu.vector_load %arg6[%get3A_814, %get3A_815, %get3A_816] {strides = array<i32>} : memref<4x8x392xf32, #tpu.memory_space<vmem>>, vector<1x1x16xf32>,
        %get3A_818 = vector.shape_cast %get3A_817 : vector<1x1x16xf32> to vector<16xf32>
        %get3A_819 = arith.index_cast %squeeze3A_200 : i32 to index
        %get3A_820 = arith.index_cast %scan3A_422 : i32 to index
        %get3A_821 = arith.constant 224 : index
        %get3A_822 = tpu.vector_load %arg6[%get3A_819, %get3A_820, %get3A_821] {strides = array<i32>} : memref<4x8x392xf32, #tpu.memory_space<vmem>>, vector<1x1x16xf32>,
        %get3A_823 = vector.shape_cast %get3A_822 : vector<1x1x16xf32> to vector<16xf32>
        %max3A_824 = arith.maximumf %get3A_818, %get3A_823 : vector<16xf32>
        %get3A_825 = arith.index_cast %squeeze3A_207 : i32 to index
        %get3A_826 = arith.index_cast %scan3A_422 : i32 to index
        %get3A_827 = arith.constant 224 : index
        %get3A_828 = tpu.vector_load %arg6[%get3A_825, %get3A_826, %get3A_827] {strides = array<i32>} : memref<4x8x392xf32, #tpu.memory_space<vmem>>, vector<1x1x16xf32>,
        %get3A_829 = vector.shape_cast %get3A_828 : vector<1x1x16xf32> to vector<16xf32>
        %max3A_830 = arith.maximumf %max3A_824, %get3A_829 : vector<16xf32>
        %get3A_831 = arith.index_cast %squeeze3A_214 : i32 to index
        %get3A_832 = arith.index_cast %scan3A_422 : i32 to index
        %get3A_833 = arith.constant 224 : index
        %get3A_834 = tpu.vector_load %arg6[%get3A_831, %get3A_832, %get3A_833] {strides = array<i32>} : memref<4x8x392xf32, #tpu.memory_space<vmem>>, vector<1x1x16xf32>,
        %get3A_835 = vector.shape_cast %get3A_834 : vector<1x1x16xf32> to vector<16xf32>
        %max3A_836 = arith.maximumf %max3A_830, %get3A_835 : vector<16xf32>
        %swap3A_837 = arith.index_cast %scan3A_422 : i32 to index
        %swap3A_838 = arith.constant 224 : index
        %swap3A_839 = tpu.vector_load %arg8[%swap3A_837, %swap3A_838] {strides = array<i32>} : memref<8x392xf32, #tpu.memory_space<vmem>>, vector<1x16xf32>,
        %swap3A_840 = vector.shape_cast %swap3A_839 : vector<1x16xf32> to vector<16xf32>
        %swap3A_841 = vector.shape_cast %max3A_836 : vector<16xf32> to vector<1x16xf32>
        tpu.vector_store %arg8[%swap3A_837, %swap3A_838], %swap3A_841 {strides = array<i32>} : memref<8x392xf32, #tpu.memory_space<vmem>>, vector<1x16xf32>,
        %get3A_842 = arith.index_cast %squeeze3A_193 : i32 to index
        %get3A_843 = arith.index_cast %scan3A_422 : i32 to index
        %get3A_844 = arith.constant 240 : index
        %get3A_845 = tpu.vector_load %arg6[%get3A_842, %get3A_843, %get3A_844] {strides = array<i32>} : memref<4x8x392xf32, #tpu.memory_space<vmem>>, vector<1x1x16xf32>,
        %get3A_846 = vector.shape_cast %get3A_845 : vector<1x1x16xf32> to vector<16xf32>
        %get3A_847 = arith.index_cast %squeeze3A_200 : i32 to index
        %get3A_848 = arith.index_cast %scan3A_422 : i32 to index
        %get3A_849 = arith.constant 240 : index
        %get3A_850 = tpu.vector_load %arg6[%get3A_847, %get3A_848, %get3A_849] {strides = array<i32>} : memref<4x8x392xf32, #tpu.memory_space<vmem>>, vector<1x1x16xf32>,
        %get3A_851 = vector.shape_cast %get3A_850 : vector<1x1x16xf32> to vector<16xf32>
        %max3A_852 = arith.maximumf %get3A_846, %get3A_851 : vector<16xf32>
        %get3A_853 = arith.index_cast %squeeze3A_207 : i32 to index
        %get3A_854 = arith.index_cast %scan3A_422 : i32 to index
        %get3A_855 = arith.constant 240 : index
        %get3A_856 = tpu.vector_load %arg6[%get3A_853, %get3A_854, %get3A_855] {strides = array<i32>} : memref<4x8x392xf32, #tpu.memory_space<vmem>>, vector<1x1x16xf32>,
        %get3A_857 = vector.shape_cast %get3A_856 : vector<1x1x16xf32> to vector<16xf32>
        %max3A_858 = arith.maximumf %max3A_852, %get3A_857 : vector<16xf32>
        %get3A_859 = arith.index_cast %squeeze3A_214 : i32 to index
        %get3A_860 = arith.index_cast %scan3A_422 : i32 to index
        %get3A_861 = arith.constant 240 : index
        %get3A_862 = tpu.vector_load %arg6[%get3A_859, %get3A_860, %get3A_861] {strides = array<i32>} : memref<4x8x392xf32, #tpu.memory_space<vmem>>, vector<1x1x16xf32>,
        %get3A_863 = vector.shape_cast %get3A_862 : vector<1x1x16xf32> to vector<16xf32>
        %max3A_864 = arith.maximumf %max3A_858, %get3A_863 : vector<16xf32>
        %swap3A_865 = arith.index_cast %scan3A_422 : i32 to index
        %swap3A_866 = arith.constant 240 : index
        %swap3A_867 = tpu.vector_load %arg8[%swap3A_865, %swap3A_866] {strides = array<i32>} : memref<8x392xf32, #tpu.memory_space<vmem>>, vector<1x16xf32>,
        %swap3A_868 = vector.shape_cast %swap3A_867 : vector<1x16xf32> to vector<16xf32>
        %swap3A_869 = vector.shape_cast %max3A_864 : vector<16xf32> to vector<1x16xf32>
        tpu.vector_store %arg8[%swap3A_865, %swap3A_866], %swap3A_869 {strides = array<i32>} : memref<8x392xf32, #tpu.memory_space<vmem>>, vector<1x16xf32>,
        %get3A_870 = arith.index_cast %squeeze3A_193 : i32 to index
        %get3A_871 = arith.index_cast %scan3A_422 : i32 to index
        %get3A_872 = arith.constant 256 : index
        %get3A_873 = tpu.vector_load %arg6[%get3A_870, %get3A_871, %get3A_872] {strides = array<i32>} : memref<4x8x392xf32, #tpu.memory_space<vmem>>, vector<1x1x16xf32>,
        %get3A_874 = vector.shape_cast %get3A_873 : vector<1x1x16xf32> to vector<16xf32>
        %get3A_875 = arith.index_cast %squeeze3A_200 : i32 to index
        %get3A_876 = arith.index_cast %scan3A_422 : i32 to index
        %get3A_877 = arith.constant 256 : index
        %get3A_878 = tpu.vector_load %arg6[%get3A_875, %get3A_876, %get3A_877] {strides = array<i32>} : memref<4x8x392xf32, #tpu.memory_space<vmem>>, vector<1x1x16xf32>,
        %get3A_879 = vector.shape_cast %get3A_878 : vector<1x1x16xf32> to vector<16xf32>
        %max3A_880 = arith.maximumf %get3A_874, %get3A_879 : vector<16xf32>
        %get3A_881 = arith.index_cast %squeeze3A_207 : i32 to index
        %get3A_882 = arith.index_cast %scan3A_422 : i32 to index
        %get3A_883 = arith.constant 256 : index
        %get3A_884 = tpu.vector_load %arg6[%get3A_881, %get3A_882, %get3A_883] {strides = array<i32>} : memref<4x8x392xf32, #tpu.memory_space<vmem>>, vector<1x1x16xf32>,
        %get3A_885 = vector.shape_cast %get3A_884 : vector<1x1x16xf32> to vector<16xf32>
        %max3A_886 = arith.maximumf %max3A_880, %get3A_885 : vector<16xf32>
        %get3A_887 = arith.index_cast %squeeze3A_214 : i32 to index
        %get3A_888 = arith.index_cast %scan3A_422 : i32 to index
        %get3A_889 = arith.constant 256 : index
        %get3A_890 = tpu.vector_load %arg6[%get3A_887, %get3A_888, %get3A_889] {strides = array<i32>} : memref<4x8x392xf32, #tpu.memory_space<vmem>>, vector<1x1x16xf32>,
        %get3A_891 = vector.shape_cast %get3A_890 : vector<1x1x16xf32> to vector<16xf32>
        %max3A_892 = arith.maximumf %max3A_886, %get3A_891 : vector<16xf32>
        %swap3A_893 = arith.index_cast %scan3A_422 : i32 to index
        %swap3A_894 = arith.constant 256 : index
        %swap3A_895 = tpu.vector_load %arg8[%swap3A_893, %swap3A_894] {strides = array<i32>} : memref<8x392xf32, #tpu.memory_space<vmem>>, vector<1x16xf32>,
        %swap3A_896 = vector.shape_cast %swap3A_895 : vector<1x16xf32> to vector<16xf32>
        %swap3A_897 = vector.shape_cast %max3A_892 : vector<16xf32> to vector<1x16xf32>
        tpu.vector_store %arg8[%swap3A_893, %swap3A_894], %swap3A_897 {strides = array<i32>} : memref<8x392xf32, #tpu.memory_space<vmem>>, vector<1x16xf32>,
        %get3A_898 = arith.index_cast %squeeze3A_193 : i32 to index
        %get3A_899 = arith.index_cast %scan3A_422 : i32 to index
        %get3A_900 = arith.constant 272 : index
        %get3A_901 = tpu.vector_load %arg6[%get3A_898, %get3A_899, %get3A_900] {strides = array<i32>} : memref<4x8x392xf32, #tpu.memory_space<vmem>>, vector<1x1x16xf32>,
        %get3A_902 = vector.shape_cast %get3A_901 : vector<1x1x16xf32> to vector<16xf32>
        %get3A_903 = arith.index_cast %squeeze3A_200 : i32 to index
        %get3A_904 = arith.index_cast %scan3A_422 : i32 to index
        %get3A_905 = arith.constant 272 : index
        %get3A_906 = tpu.vector_load %arg6[%get3A_903, %get3A_904, %get3A_905] {strides = array<i32>} : memref<4x8x392xf32, #tpu.memory_space<vmem>>, vector<1x1x16xf32>,
        %get3A_907 = vector.shape_cast %get3A_906 : vector<1x1x16xf32> to vector<16xf32>
        %max3A_908 = arith.maximumf %get3A_902, %get3A_907 : vector<16xf32>
        %get3A_909 = arith.index_cast %squeeze3A_207 : i32 to index
        %get3A_910 = arith.index_cast %scan3A_422 : i32 to index
        %get3A_911 = arith.constant 272 : index
        %get3A_912 = tpu.vector_load %arg6[%get3A_909, %get3A_910, %get3A_911] {strides = array<i32>} : memref<4x8x392xf32, #tpu.memory_space<vmem>>, vector<1x1x16xf32>,
        %get3A_913 = vector.shape_cast %get3A_912 : vector<1x1x16xf32> to vector<16xf32>
        %max3A_914 = arith.maximumf %max3A_908, %get3A_913 : vector<16xf32>
        %get3A_915 = arith.index_cast %squeeze3A_214 : i32 to index
        %get3A_916 = arith.index_cast %scan3A_422 : i32 to index
        %get3A_917 = arith.constant 272 : index
        %get3A_918 = tpu.vector_load %arg6[%get3A_915, %get3A_916, %get3A_917] {strides = array<i32>} : memref<4x8x392xf32, #tpu.memory_space<vmem>>, vector<1x1x16xf32>,
        %get3A_919 = vector.shape_cast %get3A_918 : vector<1x1x16xf32> to vector<16xf32>
        %max3A_920 = arith.maximumf %max3A_914, %get3A_919 : vector<16xf32>
        %swap3A_921 = arith.index_cast %scan3A_422 : i32 to index
        %swap3A_922 = arith.constant 272 : index
        %swap3A_923 = tpu.vector_load %arg8[%swap3A_921, %swap3A_922] {strides = array<i32>} : memref<8x392xf32, #tpu.memory_space<vmem>>, vector<1x16xf32>,
        %swap3A_924 = vector.shape_cast %swap3A_923 : vector<1x16xf32> to vector<16xf32>
        %swap3A_925 = vector.shape_cast %max3A_920 : vector<16xf32> to vector<1x16xf32>
        tpu.vector_store %arg8[%swap3A_921, %swap3A_922], %swap3A_925 {strides = array<i32>} : memref<8x392xf32, #tpu.memory_space<vmem>>, vector<1x16xf32>,
        %get3A_926 = arith.index_cast %squeeze3A_193 : i32 to index
        %get3A_927 = arith.index_cast %scan3A_422 : i32 to index
        %get3A_928 = arith.constant 288 : index
        %get3A_929 = tpu.vector_load %arg6[%get3A_926, %get3A_927, %get3A_928] {strides = array<i32>} : memref<4x8x392xf32, #tpu.memory_space<vmem>>, vector<1x1x16xf32>,
        %get3A_930 = vector.shape_cast %get3A_929 : vector<1x1x16xf32> to vector<16xf32>
        %get3A_931 = arith.index_cast %squeeze3A_200 : i32 to index
        %get3A_932 = arith.index_cast %scan3A_422 : i32 to index
        %get3A_933 = arith.constant 288 : index
        %get3A_934 = tpu.vector_load %arg6[%get3A_931, %get3A_932, %get3A_933] {strides = array<i32>} : memref<4x8x392xf32, #tpu.memory_space<vmem>>, vector<1x1x16xf32>,
        %get3A_935 = vector.shape_cast %get3A_934 : vector<1x1x16xf32> to vector<16xf32>
        %max3A_936 = arith.maximumf %get3A_930, %get3A_935 : vector<16xf32>
        %get3A_937 = arith.index_cast %squeeze3A_207 : i32 to index
        %get3A_938 = arith.index_cast %scan3A_422 : i32 to index
        %get3A_939 = arith.constant 288 : index
        %get3A_940 = tpu.vector_load %arg6[%get3A_937, %get3A_938, %get3A_939] {strides = array<i32>} : memref<4x8x392xf32, #tpu.memory_space<vmem>>, vector<1x1x16xf32>,
        %get3A_941 = vector.shape_cast %get3A_940 : vector<1x1x16xf32> to vector<16xf32>
        %max3A_942 = arith.maximumf %max3A_936, %get3A_941 : vector<16xf32>
        %get3A_943 = arith.index_cast %squeeze3A_214 : i32 to index
        %get3A_944 = arith.index_cast %scan3A_422 : i32 to index
        %get3A_945 = arith.constant 288 : index
        %get3A_946 = tpu.vector_load %arg6[%get3A_943, %get3A_944, %get3A_945] {strides = array<i32>} : memref<4x8x392xf32, #tpu.memory_space<vmem>>, vector<1x1x16xf32>,
        %get3A_947 = vector.shape_cast %get3A_946 : vector<1x1x16xf32> to vector<16xf32>
        %max3A_948 = arith.maximumf %max3A_942, %get3A_947 : vector<16xf32>
        %swap3A_949 = arith.index_cast %scan3A_422 : i32 to index
        %swap3A_950 = arith.constant 288 : index
        %swap3A_951 = tpu.vector_load %arg8[%swap3A_949, %swap3A_950] {strides = array<i32>} : memref<8x392xf32, #tpu.memory_space<vmem>>, vector<1x16xf32>,
        %swap3A_952 = vector.shape_cast %swap3A_951 : vector<1x16xf32> to vector<16xf32>
        %swap3A_953 = vector.shape_cast %max3A_948 : vector<16xf32> to vector<1x16xf32>
        tpu.vector_store %arg8[%swap3A_949, %swap3A_950], %swap3A_953 {strides = array<i32>} : memref<8x392xf32, #tpu.memory_space<vmem>>, vector<1x16xf32>,
        %get3A_954 = arith.index_cast %squeeze3A_193 : i32 to index
        %get3A_955 = arith.index_cast %scan3A_422 : i32 to index
        %get3A_956 = arith.constant 304 : index
        %get3A_957 = tpu.vector_load %arg6[%get3A_954, %get3A_955, %get3A_956] {strides = array<i32>} : memref<4x8x392xf32, #tpu.memory_space<vmem>>, vector<1x1x16xf32>,
        %get3A_958 = vector.shape_cast %get3A_957 : vector<1x1x16xf32> to vector<16xf32>
        %get3A_959 = arith.index_cast %squeeze3A_200 : i32 to index
        %get3A_960 = arith.index_cast %scan3A_422 : i32 to index
        %get3A_961 = arith.constant 304 : index
        %get3A_962 = tpu.vector_load %arg6[%get3A_959, %get3A_960, %get3A_961] {strides = array<i32>} : memref<4x8x392xf32, #tpu.memory_space<vmem>>, vector<1x1x16xf32>,
        %get3A_963 = vector.shape_cast %get3A_962 : vector<1x1x16xf32> to vector<16xf32>
        %max3A_964 = arith.maximumf %get3A_958, %get3A_963 : vector<16xf32>
        %get3A_965 = arith.index_cast %squeeze3A_207 : i32 to index
        %get3A_966 = arith.index_cast %scan3A_422 : i32 to index
        %get3A_967 = arith.constant 304 : index
        %get3A_968 = tpu.vector_load %arg6[%get3A_965, %get3A_966, %get3A_967] {strides = array<i32>} : memref<4x8x392xf32, #tpu.memory_space<vmem>>, vector<1x1x16xf32>,
        %get3A_969 = vector.shape_cast %get3A_968 : vector<1x1x16xf32> to vector<16xf32>
        %max3A_970 = arith.maximumf %max3A_964, %get3A_969 : vector<16xf32>
        %get3A_971 = arith.index_cast %squeeze3A_214 : i32 to index
        %get3A_972 = arith.index_cast %scan3A_422 : i32 to index
        %get3A_973 = arith.constant 304 : index
        %get3A_974 = tpu.vector_load %arg6[%get3A_971, %get3A_972, %get3A_973] {strides = array<i32>} : memref<4x8x392xf32, #tpu.memory_space<vmem>>, vector<1x1x16xf32>,
        %get3A_975 = vector.shape_cast %get3A_974 : vector<1x1x16xf32> to vector<16xf32>
        %max3A_976 = arith.maximumf %max3A_970, %get3A_975 : vector<16xf32>
        %swap3A_977 = arith.index_cast %scan3A_422 : i32 to index
        %swap3A_978 = arith.constant 304 : index
        %swap3A_979 = tpu.vector_load %arg8[%swap3A_977, %swap3A_978] {strides = array<i32>} : memref<8x392xf32, #tpu.memory_space<vmem>>, vector<1x16xf32>,
        %swap3A_980 = vector.shape_cast %swap3A_979 : vector<1x16xf32> to vector<16xf32>
        %swap3A_981 = vector.shape_cast %max3A_976 : vector<16xf32> to vector<1x16xf32>
        tpu.vector_store %arg8[%swap3A_977, %swap3A_978], %swap3A_981 {strides = array<i32>} : memref<8x392xf32, #tpu.memory_space<vmem>>, vector<1x16xf32>,
        %get3A_982 = arith.index_cast %squeeze3A_193 : i32 to index
        %get3A_983 = arith.index_cast %scan3A_422 : i32 to index
        %get3A_984 = arith.constant 320 : index
        %get3A_985 = tpu.vector_load %arg6[%get3A_982, %get3A_983, %get3A_984] {strides = array<i32>} : memref<4x8x392xf32, #tpu.memory_space<vmem>>, vector<1x1x16xf32>,
        %get3A_986 = vector.shape_cast %get3A_985 : vector<1x1x16xf32> to vector<16xf32>
        %get3A_987 = arith.index_cast %squeeze3A_200 : i32 to index
        %get3A_988 = arith.index_cast %scan3A_422 : i32 to index
        %get3A_989 = arith.constant 320 : index
        %get3A_990 = tpu.vector_load %arg6[%get3A_987, %get3A_988, %get3A_989] {strides = array<i32>} : memref<4x8x392xf32, #tpu.memory_space<vmem>>, vector<1x1x16xf32>,
        %get3A_991 = vector.shape_cast %get3A_990 : vector<1x1x16xf32> to vector<16xf32>
        %max3A_992 = arith.maximumf %get3A_986, %get3A_991 : vector<16xf32>
        %get3A_993 = arith.index_cast %squeeze3A_207 : i32 to index
        %get3A_994 = arith.index_cast %scan3A_422 : i32 to index
        %get3A_995 = arith.constant 320 : index
        %get3A_996 = tpu.vector_load %arg6[%get3A_993, %get3A_994, %get3A_995] {strides = array<i32>} : memref<4x8x392xf32, #tpu.memory_space<vmem>>, vector<1x1x16xf32>,
        %get3A_997 = vector.shape_cast %get3A_996 : vector<1x1x16xf32> to vector<16xf32>
        %max3A_998 = arith.maximumf %max3A_992, %get3A_997 : vector<16xf32>
        %get3A_999 = arith.index_cast %squeeze3A_214 : i32 to index
        %get3A_1000 = arith.index_cast %scan3A_422 : i32 to index
        %get3A_1001 = arith.constant 320 : index
        %get3A_1002 = tpu.vector_load %arg6[%get3A_999, %get3A_1000, %get3A_1001] {strides = array<i32>} : memref<4x8x392xf32, #tpu.memory_space<vmem>>, vector<1x1x16xf32>,
        %get3A_1003 = vector.shape_cast %get3A_1002 : vector<1x1x16xf32> to vector<16xf32>
        %max3A_1004 = arith.maximumf %max3A_998, %get3A_1003 : vector<16xf32>
        %swap3A_1005 = arith.index_cast %scan3A_422 : i32 to index
        %swap3A_1006 = arith.constant 320 : index
        %swap3A_1007 = tpu.vector_load %arg8[%swap3A_1005, %swap3A_1006] {strides = array<i32>} : memref<8x392xf32, #tpu.memory_space<vmem>>, vector<1x16xf32>,
        %swap3A_1008 = vector.shape_cast %swap3A_1007 : vector<1x16xf32> to vector<16xf32>
        %swap3A_1009 = vector.shape_cast %max3A_1004 : vector<16xf32> to vector<1x16xf32>
        tpu.vector_store %arg8[%swap3A_1005, %swap3A_1006], %swap3A_1009 {strides = array<i32>} : memref<8x392xf32, #tpu.memory_space<vmem>>, vector<1x16xf32>,
        %get3A_1010 = arith.index_cast %squeeze3A_193 : i32 to index
        %get3A_1011 = arith.index_cast %scan3A_422 : i32 to index
        %get3A_1012 = arith.constant 336 : index
        %get3A_1013 = tpu.vector_load %arg6[%get3A_1010, %get3A_1011, %get3A_1012] {strides = array<i32>} : memref<4x8x392xf32, #tpu.memory_space<vmem>>, vector<1x1x16xf32>,
        %get3A_1014 = vector.shape_cast %get3A_1013 : vector<1x1x16xf32> to vector<16xf32>
        %get3A_1015 = arith.index_cast %squeeze3A_200 : i32 to index
        %get3A_1016 = arith.index_cast %scan3A_422 : i32 to index
        %get3A_1017 = arith.constant 336 : index
        %get3A_1018 = tpu.vector_load %arg6[%get3A_1015, %get3A_1016, %get3A_1017] {strides = array<i32>} : memref<4x8x392xf32, #tpu.memory_space<vmem>>, vector<1x1x16xf32>,
        %get3A_1019 = vector.shape_cast %get3A_1018 : vector<1x1x16xf32> to vector<16xf32>
        %max3A_1020 = arith.maximumf %get3A_1014, %get3A_1019 : vector<16xf32>
        %get3A_1021 = arith.index_cast %squeeze3A_207 : i32 to index
        %get3A_1022 = arith.index_cast %scan3A_422 : i32 to index
        %get3A_1023 = arith.constant 336 : index
        %get3A_1024 = tpu.vector_load %arg6[%get3A_1021, %get3A_1022, %get3A_1023] {strides = array<i32>} : memref<4x8x392xf32, #tpu.memory_space<vmem>>, vector<1x1x16xf32>,
        %get3A_1025 = vector.shape_cast %get3A_1024 : vector<1x1x16xf32> to vector<16xf32>
        %max3A_1026 = arith.maximumf %max3A_1020, %get3A_1025 : vector<16xf32>
        %get3A_1027 = arith.index_cast %squeeze3A_214 : i32 to index
        %get3A_1028 = arith.index_cast %scan3A_422 : i32 to index
        %get3A_1029 = arith.constant 336 : index
        %get3A_1030 = tpu.vector_load %arg6[%get3A_1027, %get3A_1028, %get3A_1029] {strides = array<i32>} : memref<4x8x392xf32, #tpu.memory_space<vmem>>, vector<1x1x16xf32>,
        %get3A_1031 = vector.shape_cast %get3A_1030 : vector<1x1x16xf32> to vector<16xf32>
        %max3A_1032 = arith.maximumf %max3A_1026, %get3A_1031 : vector<16xf32>
        %swap3A_1033 = arith.index_cast %scan3A_422 : i32 to index
        %swap3A_1034 = arith.constant 336 : index
        %swap3A_1035 = tpu.vector_load %arg8[%swap3A_1033, %swap3A_1034] {strides = array<i32>} : memref<8x392xf32, #tpu.memory_space<vmem>>, vector<1x16xf32>,
        %swap3A_1036 = vector.shape_cast %swap3A_1035 : vector<1x16xf32> to vector<16xf32>
        %swap3A_1037 = vector.shape_cast %max3A_1032 : vector<16xf32> to vector<1x16xf32>
        tpu.vector_store %arg8[%swap3A_1033, %swap3A_1034], %swap3A_1037 {strides = array<i32>} : memref<8x392xf32, #tpu.memory_space<vmem>>, vector<1x16xf32>,
        %get3A_1038 = arith.index_cast %squeeze3A_193 : i32 to index
        %get3A_1039 = arith.index_cast %scan3A_422 : i32 to index
        %get3A_1040 = arith.constant 352 : index
        %get3A_1041 = tpu.vector_load %arg6[%get3A_1038, %get3A_1039, %get3A_1040] {strides = array<i32>} : memref<4x8x392xf32, #tpu.memory_space<vmem>>, vector<1x1x16xf32>,
        %get3A_1042 = vector.shape_cast %get3A_1041 : vector<1x1x16xf32> to vector<16xf32>
        %get3A_1043 = arith.index_cast %squeeze3A_200 : i32 to index
        %get3A_1044 = arith.index_cast %scan3A_422 : i32 to index
        %get3A_1045 = arith.constant 352 : index
        %get3A_1046 = tpu.vector_load %arg6[%get3A_1043, %get3A_1044, %get3A_1045] {strides = array<i32>} : memref<4x8x392xf32, #tpu.memory_space<vmem>>, vector<1x1x16xf32>,
        %get3A_1047 = vector.shape_cast %get3A_1046 : vector<1x1x16xf32> to vector<16xf32>
        %max3A_1048 = arith.maximumf %get3A_1042, %get3A_1047 : vector<16xf32>
        %get3A_1049 = arith.index_cast %squeeze3A_207 : i32 to index
        %get3A_1050 = arith.index_cast %scan3A_422 : i32 to index
        %get3A_1051 = arith.constant 352 : index
        %get3A_1052 = tpu.vector_load %arg6[%get3A_1049, %get3A_1050, %get3A_1051] {strides = array<i32>} : memref<4x8x392xf32, #tpu.memory_space<vmem>>, vector<1x1x16xf32>,
        %get3A_1053 = vector.shape_cast %get3A_1052 : vector<1x1x16xf32> to vector<16xf32>
        %max3A_1054 = arith.maximumf %max3A_1048, %get3A_1053 : vector<16xf32>
        %get3A_1055 = arith.index_cast %squeeze3A_214 : i32 to index
        %get3A_1056 = arith.index_cast %scan3A_422 : i32 to index
        %get3A_1057 = arith.constant 352 : index
        %get3A_1058 = tpu.vector_load %arg6[%get3A_1055, %get3A_1056, %get3A_1057] {strides = array<i32>} : memref<4x8x392xf32, #tpu.memory_space<vmem>>, vector<1x1x16xf32>,
        %get3A_1059 = vector.shape_cast %get3A_1058 : vector<1x1x16xf32> to vector<16xf32>
        %max3A_1060 = arith.maximumf %max3A_1054, %get3A_1059 : vector<16xf32>
        %swap3A_1061 = arith.index_cast %scan3A_422 : i32 to index
        %swap3A_1062 = arith.constant 352 : index
        %swap3A_1063 = tpu.vector_load %arg8[%swap3A_1061, %swap3A_1062] {strides = array<i32>} : memref<8x392xf32, #tpu.memory_space<vmem>>, vector<1x16xf32>,
        %swap3A_1064 = vector.shape_cast %swap3A_1063 : vector<1x16xf32> to vector<16xf32>
        %swap3A_1065 = vector.shape_cast %max3A_1060 : vector<16xf32> to vector<1x16xf32>
        tpu.vector_store %arg8[%swap3A_1061, %swap3A_1062], %swap3A_1065 {strides = array<i32>} : memref<8x392xf32, #tpu.memory_space<vmem>>, vector<1x16xf32>,
        %get3A_1066 = arith.index_cast %squeeze3A_193 : i32 to index
        %get3A_1067 = arith.index_cast %scan3A_422 : i32 to index
        %get3A_1068 = arith.constant 368 : index
        %get3A_1069 = tpu.vector_load %arg6[%get3A_1066, %get3A_1067, %get3A_1068] {strides = array<i32>} : memref<4x8x392xf32, #tpu.memory_space<vmem>>, vector<1x1x16xf32>,
        %get3A_1070 = vector.shape_cast %get3A_1069 : vector<1x1x16xf32> to vector<16xf32>
        %get3A_1071 = arith.index_cast %squeeze3A_200 : i32 to index
        %get3A_1072 = arith.index_cast %scan3A_422 : i32 to index
        %get3A_1073 = arith.constant 368 : index
        %get3A_1074 = tpu.vector_load %arg6[%get3A_1071, %get3A_1072, %get3A_1073] {strides = array<i32>} : memref<4x8x392xf32, #tpu.memory_space<vmem>>, vector<1x1x16xf32>,
        %get3A_1075 = vector.shape_cast %get3A_1074 : vector<1x1x16xf32> to vector<16xf32>
        %max3A_1076 = arith.maximumf %get3A_1070, %get3A_1075 : vector<16xf32>
        %get3A_1077 = arith.index_cast %squeeze3A_207 : i32 to index
        %get3A_1078 = arith.index_cast %scan3A_422 : i32 to index
        %get3A_1079 = arith.constant 368 : index
        %get3A_1080 = tpu.vector_load %arg6[%get3A_1077, %get3A_1078, %get3A_1079] {strides = array<i32>} : memref<4x8x392xf32, #tpu.memory_space<vmem>>, vector<1x1x16xf32>,
        %get3A_1081 = vector.shape_cast %get3A_1080 : vector<1x1x16xf32> to vector<16xf32>
        %max3A_1082 = arith.maximumf %max3A_1076, %get3A_1081 : vector<16xf32>
        %get3A_1083 = arith.index_cast %squeeze3A_214 : i32 to index
        %get3A_1084 = arith.index_cast %scan3A_422 : i32 to index
        %get3A_1085 = arith.constant 368 : index
        %get3A_1086 = tpu.vector_load %arg6[%get3A_1083, %get3A_1084, %get3A_1085] {strides = array<i32>} : memref<4x8x392xf32, #tpu.memory_space<vmem>>, vector<1x1x16xf32>,
        %get3A_1087 = vector.shape_cast %get3A_1086 : vector<1x1x16xf32> to vector<16xf32>
        %max3A_1088 = arith.maximumf %max3A_1082, %get3A_1087 : vector<16xf32>
        %swap3A_1089 = arith.index_cast %scan3A_422 : i32 to index
        %swap3A_1090 = arith.constant 368 : index
        %swap3A_1091 = tpu.vector_load %arg8[%swap3A_1089, %swap3A_1090] {strides = array<i32>} : memref<8x392xf32, #tpu.memory_space<vmem>>, vector<1x16xf32>,
        %swap3A_1092 = vector.shape_cast %swap3A_1091 : vector<1x16xf32> to vector<16xf32>
        %swap3A_1093 = vector.shape_cast %max3A_1088 : vector<16xf32> to vector<1x16xf32>
        tpu.vector_store %arg8[%swap3A_1089, %swap3A_1090], %swap3A_1093 {strides = array<i32>} : memref<8x392xf32, #tpu.memory_space<vmem>>, vector<1x16xf32>,
        %get3A_1094 = arith.index_cast %squeeze3A_193 : i32 to index
        %get3A_1095 = arith.index_cast %scan3A_422 : i32 to index
        %get3A_1096 = arith.constant 376 : index
        %get3A_1097 = tpu.vector_load %arg6[%get3A_1094, %get3A_1095, %get3A_1096] {strides = array<i32>} : memref<4x8x392xf32, #tpu.memory_space<vmem>>, vector<1x1x16xf32>,
        %get3A_1098 = vector.shape_cast %get3A_1097 : vector<1x1x16xf32> to vector<16xf32>
        %get3A_1099 = arith.index_cast %squeeze3A_200 : i32 to index
        %get3A_1100 = arith.index_cast %scan3A_422 : i32 to index
        %get3A_1101 = arith.constant 376 : index
        %get3A_1102 = tpu.vector_load %arg6[%get3A_1099, %get3A_1100, %get3A_1101] {strides = array<i32>} : memref<4x8x392xf32, #tpu.memory_space<vmem>>, vector<1x1x16xf32>,
        %get3A_1103 = vector.shape_cast %get3A_1102 : vector<1x1x16xf32> to vector<16xf32>
        %max3A_1104 = arith.maximumf %get3A_1098, %get3A_1103 : vector<16xf32>
        %get3A_1105 = arith.index_cast %squeeze3A_207 : i32 to index
        %get3A_1106 = arith.index_cast %scan3A_422 : i32 to index
        %get3A_1107 = arith.constant 376 : index
        %get3A_1108 = tpu.vector_load %arg6[%get3A_1105, %get3A_1106, %get3A_1107] {strides = array<i32>} : memref<4x8x392xf32, #tpu.memory_space<vmem>>, vector<1x1x16xf32>,
        %get3A_1109 = vector.shape_cast %get3A_1108 : vector<1x1x16xf32> to vector<16xf32>
        %max3A_1110 = arith.maximumf %max3A_1104, %get3A_1109 : vector<16xf32>
        %get3A_1111 = arith.index_cast %squeeze3A_214 : i32 to index
        %get3A_1112 = arith.index_cast %scan3A_422 : i32 to index
        %get3A_1113 = arith.constant 376 : index
        %get3A_1114 = tpu.vector_load %arg6[%get3A_1111, %get3A_1112, %get3A_1113] {strides = array<i32>} : memref<4x8x392xf32, #tpu.memory_space<vmem>>, vector<1x1x16xf32>,
        %get3A_1115 = vector.shape_cast %get3A_1114 : vector<1x1x16xf32> to vector<16xf32>
        %max3A_1116 = arith.maximumf %max3A_1110, %get3A_1115 : vector<16xf32>
        %swap3A_1117 = arith.index_cast %scan3A_422 : i32 to index
        %swap3A_1118 = arith.constant 376 : index
        %swap3A_1119 = tpu.vector_load %arg8[%swap3A_1117, %swap3A_1118] {strides = array<i32>} : memref<8x392xf32, #tpu.memory_space<vmem>>, vector<1x16xf32>,
        %swap3A_1120 = vector.shape_cast %swap3A_1119 : vector<1x16xf32> to vector<16xf32>
        %swap3A_1121 = vector.shape_cast %max3A_1116 : vector<16xf32> to vector<1x16xf32>
        tpu.vector_store %arg8[%swap3A_1117, %swap3A_1118], %swap3A_1121 {strides = array<i32>} : memref<8x392xf32, #tpu.memory_space<vmem>>, vector<1x16xf32>,
        %scan3A_1122 = arith.constant 0 : i32
        scf.yield %scan3A_1122 : i32
      }
      %scan3A_221 = arith.constant 8 : i32
      %add3A_222 = arith.addi %mul3A_2, %mul3A_74 : i32
      %jit3A_223 = arith.constant 25 : i32
      %div3A_224 = arith.divsi %add3A_222, %jit3A_223 : i32
      %sign3A_225 = arith.constant 0 : i32
      %sign3A_226 = arith.cmpi sgt, %add3A_222, %sign3A_225 : i32
      %sign3A_227 = arith.extui %sign3A_226 : i1 to i32
      %sign3A_228 = arith.constant 0 : i32
      %sign3A_229 = arith.cmpi slt, %add3A_222, %sign3A_228 : i32
      %sign3A_230 = arith.extui %sign3A_229 : i1 to i32
      %sign3A_231 = arith.subi %sign3A_227, %sign3A_230 : i32
      %sign3A_232 = arith.constant 0 : i32
      %sign3A_233 = arith.cmpi sgt, %jit3A_223, %sign3A_232 : i32
      %sign3A_234 = arith.extui %sign3A_233 : i1 to i32
      %sign3A_235 = arith.constant 0 : i32
      %sign3A_236 = arith.cmpi slt, %jit3A_223, %sign3A_235 : i32
      %sign3A_237 = arith.extui %sign3A_236 : i1 to i32
      %sign3A_238 = arith.subi %sign3A_234, %sign3A_237 : i32
      %ne3A_239 = arith.cmpi ne, %sign3A_231, %sign3A_238 : i32
      %rem3A_240 = arith.remsi %add3A_222, %jit3A_223 : i32
      %ne3A_241 = arith.constant 0 : i32
      %ne3A_242 = arith.cmpi ne, %rem3A_240, %ne3A_241 : i32
      %and3A_243 = arith.andi %ne3A_239, %ne3A_242 : i1
      %sub3A_244 = arith.constant 1 : i32
      %sub3A_245 = arith.subi %div3A_224, %sub3A_244 : i32
      %select_n3A_246 = arith.select %and3A_243, %sub3A_245, %div3A_224 : i32
      %jit3A_247 = arith.constant 25 : i32
      %eq3A_248 = arith.constant 0 : i32
      %eq3A_249 = arith.cmpi eq, %jit3A_247, %eq3A_248 : i32
      %jit3A_250 = arith.constant 1 : i32
      %select_n3A_251 = arith.select %eq3A_249, %jit3A_250, %jit3A_247 : i32
      %rem3A_252 = arith.remsi %add3A_222, %select_n3A_251 : i32
      %ne3A_253 = arith.constant 0 : i32
      %ne3A_254 = arith.cmpi ne, %rem3A_252, %ne3A_253 : i32
      %lt3A_255 = arith.constant 0 : i32
      %lt3A_256 = arith.cmpi slt, %rem3A_252, %lt3A_255 : i32
      %lt3A_257 = arith.constant 0 : i32
      %lt3A_258 = arith.cmpi slt, %select_n3A_251, %lt3A_257 : i32
      %ne3A_259 = arith.xori %lt3A_256, %lt3A_258 : i1
      %and3A_260 = arith.andi %ne3A_259, %ne3A_254 : i1
      %add3A_261 = arith.addi %rem3A_252, %select_n3A_251 : i32
      %select_n3A_262 = arith.select %and3A_260, %add3A_261, %rem3A_252 : i32
      %dma_start3A_263 = arith.constant 0 : i32
      %dma_start3A_264 = arith.constant 0 : i32
      %dma_start3A_265 = tpu.memref_slice %arg4[%select_n3A_246, %select_n3A_262, %dma_start3A_263, %dma_start3A_264] : memref<64x25x8x392xf32, #tpu.memory_space<hbm>> -> memref<1x1x8x392xf32, #tpu.memory_space<hbm>>
      %dma_start3A_266 = tpu.memref_squeeze %dma_start3A_265 : memref<1x1x8x392xf32, #tpu.memory_space<hbm>> -> memref<8x392xf32, #tpu.memory_space<hbm>>
      %dma_start3A_267 = arith.constant 0 : i32
      %dma_start3A_268 = arith.constant 0 : i32
      %dma_start3A_269 = tpu.memref_slice %arg4[%select_n3A_246, %select_n3A_262, %dma_start3A_267, %dma_start3A_268] : memref<64x25x8x392xf32, #tpu.memory_space<hbm>> -> memref<1x1x8x392xf32, #tpu.memory_space<hbm>>
      %dma_start3A_270 = tpu.memref_squeeze %dma_start3A_269 : memref<1x1x8x392xf32, #tpu.memory_space<hbm>> -> memref<8x392xf32, #tpu.memory_space<hbm>>
      tpu.enqueue_dma source(%arg8 : memref<8x392xf32, #tpu.memory_space<vmem>>) target(%dma_start3A_270 : memref<8x392xf32, #tpu.memory_space<hbm>>) target_semaphore(%arg12 : memref<!tpu.dma_semaphore, #tpu.memory_space<semaphore_mem>>)
      %lt3A_271 = arith.constant 24 : i32
      %lt3A_272 = arith.cmpi slt, %scan3A_71, %lt3A_271 : i32
      %convert_element_type3A_273 = arith.extui %lt3A_272 : i1 to i32
      %cond3A_274 = arith.constant 0 : i32
      %cond3A_275 = arith.cmpi ne, %convert_element_type3A_273, %cond3A_274 : i32
      scf.if %cond3A_275 {
        %add3A_422 = arith.constant 2 : i32
        %add3A_423 = arith.addi %mul3A_74, %add3A_422 : i32
        %add3A_424 = arith.addi %mul3A_2, %add3A_423 : i32
        %jit3A_425 = arith.constant 25 : i32
        %div3A_426 = arith.divsi %add3A_424, %jit3A_425 : i32
        %sign3A_427 = arith.constant 0 : i32
        %sign3A_428 = arith.cmpi sgt, %add3A_424, %sign3A_427 : i32
        %sign3A_429 = arith.extui %sign3A_428 : i1 to i32
        %sign3A_430 = arith.constant 0 : i32
        %sign3A_431 = arith.cmpi slt, %add3A_424, %sign3A_430 : i32
        %sign3A_432 = arith.extui %sign3A_431 : i1 to i32
        %sign3A_433 = arith.subi %sign3A_429, %sign3A_432 : i32
        %sign3A_434 = arith.constant 0 : i32
        %sign3A_435 = arith.cmpi sgt, %jit3A_425, %sign3A_434 : i32
        %sign3A_436 = arith.extui %sign3A_435 : i1 to i32
        %sign3A_437 = arith.constant 0 : i32
        %sign3A_438 = arith.cmpi slt, %jit3A_425, %sign3A_437 : i32
        %sign3A_439 = arith.extui %sign3A_438 : i1 to i32
        %sign3A_440 = arith.subi %sign3A_436, %sign3A_439 : i32
        %ne3A_441 = arith.cmpi ne, %sign3A_433, %sign3A_440 : i32
        %rem3A_442 = arith.remsi %add3A_424, %jit3A_425 : i32
        %ne3A_443 = arith.constant 0 : i32
        %ne3A_444 = arith.cmpi ne, %rem3A_442, %ne3A_443 : i32
        %and3A_445 = arith.andi %ne3A_441, %ne3A_444 : i1
        %sub3A_446 = arith.constant 1 : i32
        %sub3A_447 = arith.subi %div3A_426, %sub3A_446 : i32
        %select_n3A_448 = arith.select %and3A_445, %sub3A_447, %div3A_426 : i32
        %jit3A_449 = arith.constant 25 : i32
        %eq3A_450 = arith.constant 0 : i32
        %eq3A_451 = arith.cmpi eq, %jit3A_449, %eq3A_450 : i32
        %jit3A_452 = arith.constant 1 : i32
        %select_n3A_453 = arith.select %eq3A_451, %jit3A_452, %jit3A_449 : i32
        %rem3A_454 = arith.remsi %add3A_424, %select_n3A_453 : i32
        %ne3A_455 = arith.constant 0 : i32
        %ne3A_456 = arith.cmpi ne, %rem3A_454, %ne3A_455 : i32
        %lt3A_457 = arith.constant 0 : i32
        %lt3A_458 = arith.cmpi slt, %rem3A_454, %lt3A_457 : i32
        %lt3A_459 = arith.constant 0 : i32
        %lt3A_460 = arith.cmpi slt, %select_n3A_453, %lt3A_459 : i32
        %ne3A_461 = arith.xori %lt3A_458, %lt3A_460 : i1
        %and3A_462 = arith.andi %ne3A_461, %ne3A_456 : i1
        %add3A_463 = arith.addi %rem3A_454, %select_n3A_453 : i32
        %select_n3A_464 = arith.select %and3A_462, %add3A_463, %rem3A_454 : i32
        %add3A_465 = arith.constant 0 : i32
        %add3A_466 = arith.addi %add3A_465, %select_n3A_464 : i32
        %get3A_467 = arith.index_cast %add3A_466 : i32 to index
        %get3A_468 = tpu.vector_load %arg5[%get3A_467] {strides = array<i32>} : memref<240xi32, #tpu.memory_space<vmem>>, vector<16xi32>,
        %get3A_469 = vector.shape_cast %get3A_468 : vector<16xi32> to vector<16xi32>
        %slice3A_470 = vector.extract_strided_slice %get3A_469 {offsets = [0], sizes = [1], strides = [1]} : vector<16xi32> to vector<1xi32>
        %squeeze3A_471 = vector.extract %slice3A_470[0] : i32 from vector<1xi32>
        %dma_start3A_472 = arith.constant 0 : i32
        %dma_start3A_473 = arith.constant 0 : i32
        %dma_start3A_474 = tpu.memref_slice %arg2[%select_n3A_448, %squeeze3A_471, %dma_start3A_472, %dma_start3A_473] : memref<64x96x8x392xf32, #tpu.memory_space<hbm>> -> memref<1x4x8x392xf32, #tpu.memory_space<hbm>>
        %dma_start3A_475 = tpu.memref_squeeze %dma_start3A_474 : memref<1x4x8x392xf32, #tpu.memory_space<hbm>> -> memref<4x8x392xf32, #tpu.memory_space<hbm>>
        %dma_start3A_476 = arith.constant 0 : i32
        %dma_start3A_477 = arith.constant 0 : i32
        %dma_start3A_478 = tpu.memref_slice %arg2[%select_n3A_448, %squeeze3A_471, %dma_start3A_476, %dma_start3A_477] : memref<64x96x8x392xf32, #tpu.memory_space<hbm>> -> memref<1x4x8x392xf32, #tpu.memory_space<hbm>>
        %dma_start3A_479 = tpu.memref_squeeze %dma_start3A_478 : memref<1x4x8x392xf32, #tpu.memory_space<hbm>> -> memref<4x8x392xf32, #tpu.memory_space<hbm>>
        tpu.enqueue_dma source(%dma_start3A_479 : memref<4x8x392xf32, #tpu.memory_space<hbm>>) target(%arg6 : memref<4x8x392xf32, #tpu.memory_space<vmem>>) target_semaphore(%arg10 : memref<!tpu.dma_semaphore, #tpu.memory_space<semaphore_mem>>)
      } else {
      }
      %dma_wait3A_276 = arith.constant 0 : i32
      %dma_wait3A_277 = arith.constant 0 : i32
      %dma_wait3A_278 = arith.constant 0 : i32
      %dma_wait3A_279 = arith.constant 0 : i32
      %dma_wait3A_280 = tpu.memref_slice %arg2[%dma_wait3A_276, %dma_wait3A_277, %dma_wait3A_278, %dma_wait3A_279] : memref<64x96x8x392xf32, #tpu.memory_space<hbm>> -> memref<1x4x8x392xf32, #tpu.memory_space<hbm>>
      %dma_wait3A_281 = tpu.memref_squeeze %dma_wait3A_280 : memref<1x4x8x392xf32, #tpu.memory_space<hbm>> -> memref<4x8x392xf32, #tpu.memory_space<hbm>>
      %dma_wait3A_282 = arith.constant 0 : i32
      %dma_wait3A_283 = arith.constant 0 : i32
      %dma_wait3A_284 = arith.constant 0 : i32
      %dma_wait3A_285 = tpu.memref_slice %arg2[%dma_wait3A_276, %dma_wait3A_282, %dma_wait3A_283, %dma_wait3A_284] : memref<64x96x8x392xf32, #tpu.memory_space<hbm>> -> memref<1x4x8x392xf32, #tpu.memory_space<hbm>>
      %dma_wait3A_286 = tpu.memref_squeeze %dma_wait3A_285 : memref<1x4x8x392xf32, #tpu.memory_space<hbm>> -> memref<4x8x392xf32, #tpu.memory_space<hbm>>
      tpu.wait_dma2 semaphore(%arg11 : memref<!tpu.dma_semaphore, #tpu.memory_space<semaphore_mem>>) src(%dma_wait3A_286 : memref<4x8x392xf32, #tpu.memory_space<hbm>>) dst(%arg7 : memref<4x8x392xf32, #tpu.memory_space<vmem>>)
      %gt3A_287 = arith.constant 0 : i32
      %gt3A_288 = arith.cmpi sgt, %scan3A_71, %gt3A_287 : i32
      %convert_element_type3A_289 = arith.extui %gt3A_288 : i1 to i32
      %cond3A_290 = arith.constant 0 : i32
      %cond3A_291 = arith.cmpi ne, %convert_element_type3A_289, %cond3A_290 : i32
      scf.if %cond3A_291 {
        %dma_wait3A_422 = arith.constant 0 : i32
        %dma_wait3A_423 = arith.constant 0 : i32
        %dma_wait3A_424 = arith.constant 0 : i32
        %dma_wait3A_425 = arith.constant 0 : i32
        %dma_wait3A_426 = tpu.memref_slice %arg4[%dma_wait3A_422, %dma_wait3A_423, %dma_wait3A_424, %dma_wait3A_425] : memref<64x25x8x392xf32, #tpu.memory_space<hbm>> -> memref<1x1x8x392xf32, #tpu.memory_space<hbm>>
        %dma_wait3A_427 = tpu.memref_squeeze %dma_wait3A_426 : memref<1x1x8x392xf32, #tpu.memory_space<hbm>> -> memref<8x392xf32, #tpu.memory_space<hbm>>
        %dma_wait3A_428 = arith.constant 0 : i32
        %dma_wait3A_429 = arith.constant 0 : i32
        %dma_wait3A_430 = tpu.memref_slice %arg4[%dma_wait3A_422, %dma_wait3A_423, %dma_wait3A_428, %dma_wait3A_429] : memref<64x25x8x392xf32, #tpu.memory_space<hbm>> -> memref<1x1x8x392xf32, #tpu.memory_space<hbm>>
        %dma_wait3A_431 = tpu.memref_squeeze %dma_wait3A_430 : memref<1x1x8x392xf32, #tpu.memory_space<hbm>> -> memref<8x392xf32, #tpu.memory_space<hbm>>
        tpu.wait_dma2 semaphore(%arg13 : memref<!tpu.dma_semaphore, #tpu.memory_space<semaphore_mem>>) src(%arg9 : memref<8x392xf32, #tpu.memory_space<vmem>>) dst(%dma_wait3A_431 : memref<8x392xf32, #tpu.memory_space<hbm>>)
      } else {
      }
      %add3A_292 = arith.constant 1 : i32
      %add3A_293 = arith.addi %mul3A_74, %add3A_292 : i32
      %add3A_294 = arith.addi %mul3A_2, %add3A_293 : i32
      %jit3A_295 = arith.constant 25 : i32
      %div3A_296 = arith.divsi %add3A_294, %jit3A_295 : i32
      %sign3A_297 = arith.constant 0 : i32
      %sign3A_298 = arith.cmpi sgt, %add3A_294, %sign3A_297 : i32
      %sign3A_299 = arith.extui %sign3A_298 : i1 to i32
      %sign3A_300 = arith.constant 0 : i32
      %sign3A_301 = arith.cmpi slt, %add3A_294, %sign3A_300 : i32
      %sign3A_302 = arith.extui %sign3A_301 : i1 to i32
      %sign3A_303 = arith.subi %sign3A_299, %sign3A_302 : i32
      %sign3A_304 = arith.constant 0 : i32
      %sign3A_305 = arith.cmpi sgt, %jit3A_295, %sign3A_304 : i32
      %sign3A_306 = arith.extui %sign3A_305 : i1 to i32
      %sign3A_307 = arith.constant 0 : i32
      %sign3A_308 = arith.cmpi slt, %jit3A_295, %sign3A_307 : i32
      %sign3A_309 = arith.extui %sign3A_308 : i1 to i32
      %sign3A_310 = arith.subi %sign3A_306, %sign3A_309 : i32
      %ne3A_311 = arith.cmpi ne, %sign3A_303, %sign3A_310 : i32
      %rem3A_312 = arith.remsi %add3A_294, %jit3A_295 : i32
      %ne3A_313 = arith.constant 0 : i32
      %ne3A_314 = arith.cmpi ne, %rem3A_312, %ne3A_313 : i32
      %and3A_315 = arith.andi %ne3A_311, %ne3A_314 : i1
      %sub3A_316 = arith.constant 1 : i32
      %sub3A_317 = arith.subi %div3A_296, %sub3A_316 : i32
      %select_n3A_318 = arith.select %and3A_315, %sub3A_317, %div3A_296 : i32
      %jit3A_319 = arith.constant 25 : i32
      %eq3A_320 = arith.constant 0 : i32
      %eq3A_321 = arith.cmpi eq, %jit3A_319, %eq3A_320 : i32
      %jit3A_322 = arith.constant 1 : i32
      %select_n3A_323 = arith.select %eq3A_321, %jit3A_322, %jit3A_319 : i32
      %rem3A_324 = arith.remsi %add3A_294, %select_n3A_323 : i32
      %ne3A_325 = arith.constant 0 : i32
      %ne3A_326 = arith.cmpi ne, %rem3A_324, %ne3A_325 : i32
      %lt3A_327 = arith.constant 0 : i32
      %lt3A_328 = arith.cmpi slt, %rem3A_324, %lt3A_327 : i32
      %lt3A_329 = arith.constant 0 : i32
      %lt3A_330 = arith.cmpi slt, %select_n3A_323, %lt3A_329 : i32
      %ne3A_331 = arith.xori %lt3A_328, %lt3A_330 : i1
      %and3A_332 = arith.andi %ne3A_331, %ne3A_326 : i1
      %add3A_333 = arith.addi %rem3A_324, %select_n3A_323 : i32
      %select_n3A_334 = arith.select %and3A_332, %add3A_333, %rem3A_324 : i32
      %add3A_335 = arith.constant 48 : i32
      %add3A_336 = arith.addi %add3A_335, %select_n3A_334 : i32
      %get3A_337 = arith.index_cast %add3A_336 : i32 to index
      %get3A_338 = tpu.vector_load %arg5[%get3A_337] {strides = array<i32>} : memref<240xi32, #tpu.memory_space<vmem>>, vector<16xi32>,
      %get3A_339 = vector.shape_cast %get3A_338 : vector<16xi32> to vector<16xi32>
      %slice3A_340 = vector.extract_strided_slice %get3A_339 {offsets = [0], sizes = [1], strides = [1]} : vector<16xi32> to vector<1xi32>
      %squeeze3A_341 = vector.extract %slice3A_340[0] : i32 from vector<1xi32>
      %add3A_342 = arith.constant 96 : i32
      %add3A_343 = arith.addi %add3A_342, %select_n3A_334 : i32
      %get3A_344 = arith.index_cast %add3A_343 : i32 to index
      %get3A_345 = tpu.vector_load %arg5[%get3A_344] {strides = array<i32>} : memref<240xi32, #tpu.memory_space<vmem>>, vector<16xi32>,
      %get3A_346 = vector.shape_cast %get3A_345 : vector<16xi32> to vector<16xi32>
      %slice3A_347 = vector.extract_strided_slice %get3A_346 {offsets = [0], sizes = [1], strides = [1]} : vector<16xi32> to vector<1xi32>
      %squeeze3A_348 = vector.extract %slice3A_347[0] : i32 from vector<1xi32>
      %add3A_349 = arith.constant 144 : i32
      %add3A_350 = arith.addi %add3A_349, %select_n3A_334 : i32
      %get3A_351 = arith.index_cast %add3A_350 : i32 to index
      %get3A_352 = tpu.vector_load %arg5[%get3A_351] {strides = array<i32>} : memref<240xi32, #tpu.memory_space<vmem>>, vector<16xi32>,
      %get3A_353 = vector.shape_cast %get3A_352 : vector<16xi32> to vector<16xi32>
      %slice3A_354 = vector.extract_strided_slice %get3A_353 {offsets = [0], sizes = [1], strides = [1]} : vector<16xi32> to vector<1xi32>
      %squeeze3A_355 = vector.extract %slice3A_354[0] : i32 from vector<1xi32>
      %add3A_356 = arith.constant 192 : i32
      %add3A_357 = arith.addi %add3A_356, %select_n3A_334 : i32
      %get3A_358 = arith.index_cast %add3A_357 : i32 to index
      %get3A_359 = tpu.vector_load %arg5[%get3A_358] {strides = array<i32>} : memref<240xi32, #tpu.memory_space<vmem>>, vector<16xi32>,
      %get3A_360 = vector.shape_cast %get3A_359 : vector<16xi32> to vector<16xi32>
      %slice3A_361 = vector.extract_strided_slice %get3A_360 {offsets = [0], sizes = [1], strides = [1]} : vector<16xi32> to vector<1xi32>
      %squeeze3A_362 = vector.extract %slice3A_361[0] : i32 from vector<1xi32>
      %scan3A_363 = arith.constant 0 : i32
      %scan3A_364 = arith.constant 0 : i32
      %scan3A_365 = arith.constant 8 : i32
      %scan3A_366 = arith.addi %scan3A_364, %scan3A_365 : i32
      %scan3A_367 = arith.constant 1 : i32
      %scan3A_368 = scf.for %scan3A_422 = %scan3A_364 to %scan3A_366 step %scan3A_367 iter_args(%scan3A_423 = %scan3A_363) -> (i32)  : i32 {
        %get3A_424 = arith.index_cast %squeeze3A_341 : i32 to index
        %get3A_425 = arith.index_cast %scan3A_422 : i32 to index
        %get3A_426 = arith.constant 0 : index
        %get3A_427 = tpu.vector_load %arg7[%get3A_424, %get3A_425, %get3A_426] {strides = array<i32>} : memref<4x8x392xf32, #tpu.memory_space<vmem>>, vector<1x1x16xf32>,
        %get3A_428 = vector.shape_cast %get3A_427 : vector<1x1x16xf32> to vector<16xf32>
        %get3A_429 = arith.index_cast %squeeze3A_348 : i32 to index
        %get3A_430 = arith.index_cast %scan3A_422 : i32 to index
        %get3A_431 = arith.constant 0 : index
        %get3A_432 = tpu.vector_load %arg7[%get3A_429, %get3A_430, %get3A_431] {strides = array<i32>} : memref<4x8x392xf32, #tpu.memory_space<vmem>>, vector<1x1x16xf32>,
        %get3A_433 = vector.shape_cast %get3A_432 : vector<1x1x16xf32> to vector<16xf32>
        %max3A = arith.maximumf %get3A_428, %get3A_433 : vector<16xf32>
        %get3A_434 = arith.index_cast %squeeze3A_355 : i32 to index
        %get3A_435 = arith.index_cast %scan3A_422 : i32 to index
        %get3A_436 = arith.constant 0 : index
        %get3A_437 = tpu.vector_load %arg7[%get3A_434, %get3A_435, %get3A_436] {strides = array<i32>} : memref<4x8x392xf32, #tpu.memory_space<vmem>>, vector<1x1x16xf32>,
        %get3A_438 = vector.shape_cast %get3A_437 : vector<1x1x16xf32> to vector<16xf32>
        %max3A_439 = arith.maximumf %max3A, %get3A_438 : vector<16xf32>
        %get3A_440 = arith.index_cast %squeeze3A_362 : i32 to index
        %get3A_441 = arith.index_cast %scan3A_422 : i32 to index
        %get3A_442 = arith.constant 0 : index
        %get3A_443 = tpu.vector_load %arg7[%get3A_440, %get3A_441, %get3A_442] {strides = array<i32>} : memref<4x8x392xf32, #tpu.memory_space<vmem>>, vector<1x1x16xf32>,
        %get3A_444 = vector.shape_cast %get3A_443 : vector<1x1x16xf32> to vector<16xf32>
        %max3A_445 = arith.maximumf %max3A_439, %get3A_444 : vector<16xf32>
        %swap3A = arith.index_cast %scan3A_422 : i32 to index
        %swap3A_446 = arith.constant 0 : index
        %swap3A_447 = tpu.vector_load %arg9[%swap3A, %swap3A_446] {strides = array<i32>} : memref<8x392xf32, #tpu.memory_space<vmem>>, vector<1x16xf32>,
        %swap3A_448 = vector.shape_cast %swap3A_447 : vector<1x16xf32> to vector<16xf32>
        %swap3A_449 = vector.shape_cast %max3A_445 : vector<16xf32> to vector<1x16xf32>
        tpu.vector_store %arg9[%swap3A, %swap3A_446], %swap3A_449 {strides = array<i32>} : memref<8x392xf32, #tpu.memory_space<vmem>>, vector<1x16xf32>,
        %get3A_450 = arith.index_cast %squeeze3A_341 : i32 to index
        %get3A_451 = arith.index_cast %scan3A_422 : i32 to index
        %get3A_452 = arith.constant 16 : index
        %get3A_453 = tpu.vector_load %arg7[%get3A_450, %get3A_451, %get3A_452] {strides = array<i32>} : memref<4x8x392xf32, #tpu.memory_space<vmem>>, vector<1x1x16xf32>,
        %get3A_454 = vector.shape_cast %get3A_453 : vector<1x1x16xf32> to vector<16xf32>
        %get3A_455 = arith.index_cast %squeeze3A_348 : i32 to index
        %get3A_456 = arith.index_cast %scan3A_422 : i32 to index
        %get3A_457 = arith.constant 16 : index
        %get3A_458 = tpu.vector_load %arg7[%get3A_455, %get3A_456, %get3A_457] {strides = array<i32>} : memref<4x8x392xf32, #tpu.memory_space<vmem>>, vector<1x1x16xf32>,
        %get3A_459 = vector.shape_cast %get3A_458 : vector<1x1x16xf32> to vector<16xf32>
        %max3A_460 = arith.maximumf %get3A_454, %get3A_459 : vector<16xf32>
        %get3A_461 = arith.index_cast %squeeze3A_355 : i32 to index
        %get3A_462 = arith.index_cast %scan3A_422 : i32 to index
        %get3A_463 = arith.constant 16 : index
        %get3A_464 = tpu.vector_load %arg7[%get3A_461, %get3A_462, %get3A_463] {strides = array<i32>} : memref<4x8x392xf32, #tpu.memory_space<vmem>>, vector<1x1x16xf32>,
        %get3A_465 = vector.shape_cast %get3A_464 : vector<1x1x16xf32> to vector<16xf32>
        %max3A_466 = arith.maximumf %max3A_460, %get3A_465 : vector<16xf32>
        %get3A_467 = arith.index_cast %squeeze3A_362 : i32 to index
        %get3A_468 = arith.index_cast %scan3A_422 : i32 to index
        %get3A_469 = arith.constant 16 : index
        %get3A_470 = tpu.vector_load %arg7[%get3A_467, %get3A_468, %get3A_469] {strides = array<i32>} : memref<4x8x392xf32, #tpu.memory_space<vmem>>, vector<1x1x16xf32>,
        %get3A_471 = vector.shape_cast %get3A_470 : vector<1x1x16xf32> to vector<16xf32>
        %max3A_472 = arith.maximumf %max3A_466, %get3A_471 : vector<16xf32>
        %swap3A_473 = arith.index_cast %scan3A_422 : i32 to index
        %swap3A_474 = arith.constant 16 : index
        %swap3A_475 = tpu.vector_load %arg9[%swap3A_473, %swap3A_474] {strides = array<i32>} : memref<8x392xf32, #tpu.memory_space<vmem>>, vector<1x16xf32>,
        %swap3A_476 = vector.shape_cast %swap3A_475 : vector<1x16xf32> to vector<16xf32>
        %swap3A_477 = vector.shape_cast %max3A_472 : vector<16xf32> to vector<1x16xf32>
        tpu.vector_store %arg9[%swap3A_473, %swap3A_474], %swap3A_477 {strides = array<i32>} : memref<8x392xf32, #tpu.memory_space<vmem>>, vector<1x16xf32>,
        %get3A_478 = arith.index_cast %squeeze3A_341 : i32 to index
        %get3A_479 = arith.index_cast %scan3A_422 : i32 to index
        %get3A_480 = arith.constant 32 : index
        %get3A_481 = tpu.vector_load %arg7[%get3A_478, %get3A_479, %get3A_480] {strides = array<i32>} : memref<4x8x392xf32, #tpu.memory_space<vmem>>, vector<1x1x16xf32>,
        %get3A_482 = vector.shape_cast %get3A_481 : vector<1x1x16xf32> to vector<16xf32>
        %get3A_483 = arith.index_cast %squeeze3A_348 : i32 to index
        %get3A_484 = arith.index_cast %scan3A_422 : i32 to index
        %get3A_485 = arith.constant 32 : index
        %get3A_486 = tpu.vector_load %arg7[%get3A_483, %get3A_484, %get3A_485] {strides = array<i32>} : memref<4x8x392xf32, #tpu.memory_space<vmem>>, vector<1x1x16xf32>,
        %get3A_487 = vector.shape_cast %get3A_486 : vector<1x1x16xf32> to vector<16xf32>
        %max3A_488 = arith.maximumf %get3A_482, %get3A_487 : vector<16xf32>
        %get3A_489 = arith.index_cast %squeeze3A_355 : i32 to index
        %get3A_490 = arith.index_cast %scan3A_422 : i32 to index
        %get3A_491 = arith.constant 32 : index
        %get3A_492 = tpu.vector_load %arg7[%get3A_489, %get3A_490, %get3A_491] {strides = array<i32>} : memref<4x8x392xf32, #tpu.memory_space<vmem>>, vector<1x1x16xf32>,
        %get3A_493 = vector.shape_cast %get3A_492 : vector<1x1x16xf32> to vector<16xf32>
        %max3A_494 = arith.maximumf %max3A_488, %get3A_493 : vector<16xf32>
        %get3A_495 = arith.index_cast %squeeze3A_362 : i32 to index
        %get3A_496 = arith.index_cast %scan3A_422 : i32 to index
        %get3A_497 = arith.constant 32 : index
        %get3A_498 = tpu.vector_load %arg7[%get3A_495, %get3A_496, %get3A_497] {strides = array<i32>} : memref<4x8x392xf32, #tpu.memory_space<vmem>>, vector<1x1x16xf32>,
        %get3A_499 = vector.shape_cast %get3A_498 : vector<1x1x16xf32> to vector<16xf32>
        %max3A_500 = arith.maximumf %max3A_494, %get3A_499 : vector<16xf32>
        %swap3A_501 = arith.index_cast %scan3A_422 : i32 to index
        %swap3A_502 = arith.constant 32 : index
        %swap3A_503 = tpu.vector_load %arg9[%swap3A_501, %swap3A_502] {strides = array<i32>} : memref<8x392xf32, #tpu.memory_space<vmem>>, vector<1x16xf32>,
        %swap3A_504 = vector.shape_cast %swap3A_503 : vector<1x16xf32> to vector<16xf32>
        %swap3A_505 = vector.shape_cast %max3A_500 : vector<16xf32> to vector<1x16xf32>
        tpu.vector_store %arg9[%swap3A_501, %swap3A_502], %swap3A_505 {strides = array<i32>} : memref<8x392xf32, #tpu.memory_space<vmem>>, vector<1x16xf32>,
        %get3A_506 = arith.index_cast %squeeze3A_341 : i32 to index
        %get3A_507 = arith.index_cast %scan3A_422 : i32 to index
        %get3A_508 = arith.constant 48 : index
        %get3A_509 = tpu.vector_load %arg7[%get3A_506, %get3A_507, %get3A_508] {strides = array<i32>} : memref<4x8x392xf32, #tpu.memory_space<vmem>>, vector<1x1x16xf32>,
        %get3A_510 = vector.shape_cast %get3A_509 : vector<1x1x16xf32> to vector<16xf32>
        %get3A_511 = arith.index_cast %squeeze3A_348 : i32 to index
        %get3A_512 = arith.index_cast %scan3A_422 : i32 to index
        %get3A_513 = arith.constant 48 : index
        %get3A_514 = tpu.vector_load %arg7[%get3A_511, %get3A_512, %get3A_513] {strides = array<i32>} : memref<4x8x392xf32, #tpu.memory_space<vmem>>, vector<1x1x16xf32>,
        %get3A_515 = vector.shape_cast %get3A_514 : vector<1x1x16xf32> to vector<16xf32>
        %max3A_516 = arith.maximumf %get3A_510, %get3A_515 : vector<16xf32>
        %get3A_517 = arith.index_cast %squeeze3A_355 : i32 to index
        %get3A_518 = arith.index_cast %scan3A_422 : i32 to index
        %get3A_519 = arith.constant 48 : index
        %get3A_520 = tpu.vector_load %arg7[%get3A_517, %get3A_518, %get3A_519] {strides = array<i32>} : memref<4x8x392xf32, #tpu.memory_space<vmem>>, vector<1x1x16xf32>,
        %get3A_521 = vector.shape_cast %get3A_520 : vector<1x1x16xf32> to vector<16xf32>
        %max3A_522 = arith.maximumf %max3A_516, %get3A_521 : vector<16xf32>
        %get3A_523 = arith.index_cast %squeeze3A_362 : i32 to index
        %get3A_524 = arith.index_cast %scan3A_422 : i32 to index
        %get3A_525 = arith.constant 48 : index
        %get3A_526 = tpu.vector_load %arg7[%get3A_523, %get3A_524, %get3A_525] {strides = array<i32>} : memref<4x8x392xf32, #tpu.memory_space<vmem>>, vector<1x1x16xf32>,
        %get3A_527 = vector.shape_cast %get3A_526 : vector<1x1x16xf32> to vector<16xf32>
        %max3A_528 = arith.maximumf %max3A_522, %get3A_527 : vector<16xf32>
        %swap3A_529 = arith.index_cast %scan3A_422 : i32 to index
        %swap3A_530 = arith.constant 48 : index
        %swap3A_531 = tpu.vector_load %arg9[%swap3A_529, %swap3A_530] {strides = array<i32>} : memref<8x392xf32, #tpu.memory_space<vmem>>, vector<1x16xf32>,
        %swap3A_532 = vector.shape_cast %swap3A_531 : vector<1x16xf32> to vector<16xf32>
        %swap3A_533 = vector.shape_cast %max3A_528 : vector<16xf32> to vector<1x16xf32>
        tpu.vector_store %arg9[%swap3A_529, %swap3A_530], %swap3A_533 {strides = array<i32>} : memref<8x392xf32, #tpu.memory_space<vmem>>, vector<1x16xf32>,
        %get3A_534 = arith.index_cast %squeeze3A_341 : i32 to index
        %get3A_535 = arith.index_cast %scan3A_422 : i32 to index
        %get3A_536 = arith.constant 64 : index
        %get3A_537 = tpu.vector_load %arg7[%get3A_534, %get3A_535, %get3A_536] {strides = array<i32>} : memref<4x8x392xf32, #tpu.memory_space<vmem>>, vector<1x1x16xf32>,
        %get3A_538 = vector.shape_cast %get3A_537 : vector<1x1x16xf32> to vector<16xf32>
        %get3A_539 = arith.index_cast %squeeze3A_348 : i32 to index
        %get3A_540 = arith.index_cast %scan3A_422 : i32 to index
        %get3A_541 = arith.constant 64 : index
        %get3A_542 = tpu.vector_load %arg7[%get3A_539, %get3A_540, %get3A_541] {strides = array<i32>} : memref<4x8x392xf32, #tpu.memory_space<vmem>>, vector<1x1x16xf32>,
        %get3A_543 = vector.shape_cast %get3A_542 : vector<1x1x16xf32> to vector<16xf32>
        %max3A_544 = arith.maximumf %get3A_538, %get3A_543 : vector<16xf32>
        %get3A_545 = arith.index_cast %squeeze3A_355 : i32 to index
        %get3A_546 = arith.index_cast %scan3A_422 : i32 to index
        %get3A_547 = arith.constant 64 : index
        %get3A_548 = tpu.vector_load %arg7[%get3A_545, %get3A_546, %get3A_547] {strides = array<i32>} : memref<4x8x392xf32, #tpu.memory_space<vmem>>, vector<1x1x16xf32>,
        %get3A_549 = vector.shape_cast %get3A_548 : vector<1x1x16xf32> to vector<16xf32>
        %max3A_550 = arith.maximumf %max3A_544, %get3A_549 : vector<16xf32>
        %get3A_551 = arith.index_cast %squeeze3A_362 : i32 to index
        %get3A_552 = arith.index_cast %scan3A_422 : i32 to index
        %get3A_553 = arith.constant 64 : index
        %get3A_554 = tpu.vector_load %arg7[%get3A_551, %get3A_552, %get3A_553] {strides = array<i32>} : memref<4x8x392xf32, #tpu.memory_space<vmem>>, vector<1x1x16xf32>,
        %get3A_555 = vector.shape_cast %get3A_554 : vector<1x1x16xf32> to vector<16xf32>
        %max3A_556 = arith.maximumf %max3A_550, %get3A_555 : vector<16xf32>
        %swap3A_557 = arith.index_cast %scan3A_422 : i32 to index
        %swap3A_558 = arith.constant 64 : index
        %swap3A_559 = tpu.vector_load %arg9[%swap3A_557, %swap3A_558] {strides = array<i32>} : memref<8x392xf32, #tpu.memory_space<vmem>>, vector<1x16xf32>,
        %swap3A_560 = vector.shape_cast %swap3A_559 : vector<1x16xf32> to vector<16xf32>
        %swap3A_561 = vector.shape_cast %max3A_556 : vector<16xf32> to vector<1x16xf32>
        tpu.vector_store %arg9[%swap3A_557, %swap3A_558], %swap3A_561 {strides = array<i32>} : memref<8x392xf32, #tpu.memory_space<vmem>>, vector<1x16xf32>,
        %get3A_562 = arith.index_cast %squeeze3A_341 : i32 to index
        %get3A_563 = arith.index_cast %scan3A_422 : i32 to index
        %get3A_564 = arith.constant 80 : index
        %get3A_565 = tpu.vector_load %arg7[%get3A_562, %get3A_563, %get3A_564] {strides = array<i32>} : memref<4x8x392xf32, #tpu.memory_space<vmem>>, vector<1x1x16xf32>,
        %get3A_566 = vector.shape_cast %get3A_565 : vector<1x1x16xf32> to vector<16xf32>
        %get3A_567 = arith.index_cast %squeeze3A_348 : i32 to index
        %get3A_568 = arith.index_cast %scan3A_422 : i32 to index
        %get3A_569 = arith.constant 80 : index
        %get3A_570 = tpu.vector_load %arg7[%get3A_567, %get3A_568, %get3A_569] {strides = array<i32>} : memref<4x8x392xf32, #tpu.memory_space<vmem>>, vector<1x1x16xf32>,
        %get3A_571 = vector.shape_cast %get3A_570 : vector<1x1x16xf32> to vector<16xf32>
        %max3A_572 = arith.maximumf %get3A_566, %get3A_571 : vector<16xf32>
        %get3A_573 = arith.index_cast %squeeze3A_355 : i32 to index
        %get3A_574 = arith.index_cast %scan3A_422 : i32 to index
        %get3A_575 = arith.constant 80 : index
        %get3A_576 = tpu.vector_load %arg7[%get3A_573, %get3A_574, %get3A_575] {strides = array<i32>} : memref<4x8x392xf32, #tpu.memory_space<vmem>>, vector<1x1x16xf32>,
        %get3A_577 = vector.shape_cast %get3A_576 : vector<1x1x16xf32> to vector<16xf32>
        %max3A_578 = arith.maximumf %max3A_572, %get3A_577 : vector<16xf32>
        %get3A_579 = arith.index_cast %squeeze3A_362 : i32 to index
        %get3A_580 = arith.index_cast %scan3A_422 : i32 to index
        %get3A_581 = arith.constant 80 : index
        %get3A_582 = tpu.vector_load %arg7[%get3A_579, %get3A_580, %get3A_581] {strides = array<i32>} : memref<4x8x392xf32, #tpu.memory_space<vmem>>, vector<1x1x16xf32>,
        %get3A_583 = vector.shape_cast %get3A_582 : vector<1x1x16xf32> to vector<16xf32>
        %max3A_584 = arith.maximumf %max3A_578, %get3A_583 : vector<16xf32>
        %swap3A_585 = arith.index_cast %scan3A_422 : i32 to index
        %swap3A_586 = arith.constant 80 : index
        %swap3A_587 = tpu.vector_load %arg9[%swap3A_585, %swap3A_586] {strides = array<i32>} : memref<8x392xf32, #tpu.memory_space<vmem>>, vector<1x16xf32>,
        %swap3A_588 = vector.shape_cast %swap3A_587 : vector<1x16xf32> to vector<16xf32>
        %swap3A_589 = vector.shape_cast %max3A_584 : vector<16xf32> to vector<1x16xf32>
        tpu.vector_store %arg9[%swap3A_585, %swap3A_586], %swap3A_589 {strides = array<i32>} : memref<8x392xf32, #tpu.memory_space<vmem>>, vector<1x16xf32>,
        %get3A_590 = arith.index_cast %squeeze3A_341 : i32 to index
        %get3A_591 = arith.index_cast %scan3A_422 : i32 to index
        %get3A_592 = arith.constant 96 : index
        %get3A_593 = tpu.vector_load %arg7[%get3A_590, %get3A_591, %get3A_592] {strides = array<i32>} : memref<4x8x392xf32, #tpu.memory_space<vmem>>, vector<1x1x16xf32>,
        %get3A_594 = vector.shape_cast %get3A_593 : vector<1x1x16xf32> to vector<16xf32>
        %get3A_595 = arith.index_cast %squeeze3A_348 : i32 to index
        %get3A_596 = arith.index_cast %scan3A_422 : i32 to index
        %get3A_597 = arith.constant 96 : index
        %get3A_598 = tpu.vector_load %arg7[%get3A_595, %get3A_596, %get3A_597] {strides = array<i32>} : memref<4x8x392xf32, #tpu.memory_space<vmem>>, vector<1x1x16xf32>,
        %get3A_599 = vector.shape_cast %get3A_598 : vector<1x1x16xf32> to vector<16xf32>
        %max3A_600 = arith.maximumf %get3A_594, %get3A_599 : vector<16xf32>
        %get3A_601 = arith.index_cast %squeeze3A_355 : i32 to index
        %get3A_602 = arith.index_cast %scan3A_422 : i32 to index
        %get3A_603 = arith.constant 96 : index
        %get3A_604 = tpu.vector_load %arg7[%get3A_601, %get3A_602, %get3A_603] {strides = array<i32>} : memref<4x8x392xf32, #tpu.memory_space<vmem>>, vector<1x1x16xf32>,
        %get3A_605 = vector.shape_cast %get3A_604 : vector<1x1x16xf32> to vector<16xf32>
        %max3A_606 = arith.maximumf %max3A_600, %get3A_605 : vector<16xf32>
        %get3A_607 = arith.index_cast %squeeze3A_362 : i32 to index
        %get3A_608 = arith.index_cast %scan3A_422 : i32 to index
        %get3A_609 = arith.constant 96 : index
        %get3A_610 = tpu.vector_load %arg7[%get3A_607, %get3A_608, %get3A_609] {strides = array<i32>} : memref<4x8x392xf32, #tpu.memory_space<vmem>>, vector<1x1x16xf32>,
        %get3A_611 = vector.shape_cast %get3A_610 : vector<1x1x16xf32> to vector<16xf32>
        %max3A_612 = arith.maximumf %max3A_606, %get3A_611 : vector<16xf32>
        %swap3A_613 = arith.index_cast %scan3A_422 : i32 to index
        %swap3A_614 = arith.constant 96 : index
        %swap3A_615 = tpu.vector_load %arg9[%swap3A_613, %swap3A_614] {strides = array<i32>} : memref<8x392xf32, #tpu.memory_space<vmem>>, vector<1x16xf32>,
        %swap3A_616 = vector.shape_cast %swap3A_615 : vector<1x16xf32> to vector<16xf32>
        %swap3A_617 = vector.shape_cast %max3A_612 : vector<16xf32> to vector<1x16xf32>
        tpu.vector_store %arg9[%swap3A_613, %swap3A_614], %swap3A_617 {strides = array<i32>} : memref<8x392xf32, #tpu.memory_space<vmem>>, vector<1x16xf32>,
        %get3A_618 = arith.index_cast %squeeze3A_341 : i32 to index
        %get3A_619 = arith.index_cast %scan3A_422 : i32 to index
        %get3A_620 = arith.constant 112 : index
        %get3A_621 = tpu.vector_load %arg7[%get3A_618, %get3A_619, %get3A_620] {strides = array<i32>} : memref<4x8x392xf32, #tpu.memory_space<vmem>>, vector<1x1x16xf32>,
        %get3A_622 = vector.shape_cast %get3A_621 : vector<1x1x16xf32> to vector<16xf32>
        %get3A_623 = arith.index_cast %squeeze3A_348 : i32 to index
        %get3A_624 = arith.index_cast %scan3A_422 : i32 to index
        %get3A_625 = arith.constant 112 : index
        %get3A_626 = tpu.vector_load %arg7[%get3A_623, %get3A_624, %get3A_625] {strides = array<i32>} : memref<4x8x392xf32, #tpu.memory_space<vmem>>, vector<1x1x16xf32>,
        %get3A_627 = vector.shape_cast %get3A_626 : vector<1x1x16xf32> to vector<16xf32>
        %max3A_628 = arith.maximumf %get3A_622, %get3A_627 : vector<16xf32>
        %get3A_629 = arith.index_cast %squeeze3A_355 : i32 to index
        %get3A_630 = arith.index_cast %scan3A_422 : i32 to index
        %get3A_631 = arith.constant 112 : index
        %get3A_632 = tpu.vector_load %arg7[%get3A_629, %get3A_630, %get3A_631] {strides = array<i32>} : memref<4x8x392xf32, #tpu.memory_space<vmem>>, vector<1x1x16xf32>,
        %get3A_633 = vector.shape_cast %get3A_632 : vector<1x1x16xf32> to vector<16xf32>
        %max3A_634 = arith.maximumf %max3A_628, %get3A_633 : vector<16xf32>
        %get3A_635 = arith.index_cast %squeeze3A_362 : i32 to index
        %get3A_636 = arith.index_cast %scan3A_422 : i32 to index
        %get3A_637 = arith.constant 112 : index
        %get3A_638 = tpu.vector_load %arg7[%get3A_635, %get3A_636, %get3A_637] {strides = array<i32>} : memref<4x8x392xf32, #tpu.memory_space<vmem>>, vector<1x1x16xf32>,
        %get3A_639 = vector.shape_cast %get3A_638 : vector<1x1x16xf32> to vector<16xf32>
        %max3A_640 = arith.maximumf %max3A_634, %get3A_639 : vector<16xf32>
        %swap3A_641 = arith.index_cast %scan3A_422 : i32 to index
        %swap3A_642 = arith.constant 112 : index
        %swap3A_643 = tpu.vector_load %arg9[%swap3A_641, %swap3A_642] {strides = array<i32>} : memref<8x392xf32, #tpu.memory_space<vmem>>, vector<1x16xf32>,
        %swap3A_644 = vector.shape_cast %swap3A_643 : vector<1x16xf32> to vector<16xf32>
        %swap3A_645 = vector.shape_cast %max3A_640 : vector<16xf32> to vector<1x16xf32>
        tpu.vector_store %arg9[%swap3A_641, %swap3A_642], %swap3A_645 {strides = array<i32>} : memref<8x392xf32, #tpu.memory_space<vmem>>, vector<1x16xf32>,
        %get3A_646 = arith.index_cast %squeeze3A_341 : i32 to index
        %get3A_647 = arith.index_cast %scan3A_422 : i32 to index
        %get3A_648 = arith.constant 128 : index
        %get3A_649 = tpu.vector_load %arg7[%get3A_646, %get3A_647, %get3A_648] {strides = array<i32>} : memref<4x8x392xf32, #tpu.memory_space<vmem>>, vector<1x1x16xf32>,
        %get3A_650 = vector.shape_cast %get3A_649 : vector<1x1x16xf32> to vector<16xf32>
        %get3A_651 = arith.index_cast %squeeze3A_348 : i32 to index
        %get3A_652 = arith.index_cast %scan3A_422 : i32 to index
        %get3A_653 = arith.constant 128 : index
        %get3A_654 = tpu.vector_load %arg7[%get3A_651, %get3A_652, %get3A_653] {strides = array<i32>} : memref<4x8x392xf32, #tpu.memory_space<vmem>>, vector<1x1x16xf32>,
        %get3A_655 = vector.shape_cast %get3A_654 : vector<1x1x16xf32> to vector<16xf32>
        %max3A_656 = arith.maximumf %get3A_650, %get3A_655 : vector<16xf32>
        %get3A_657 = arith.index_cast %squeeze3A_355 : i32 to index
        %get3A_658 = arith.index_cast %scan3A_422 : i32 to index
        %get3A_659 = arith.constant 128 : index
        %get3A_660 = tpu.vector_load %arg7[%get3A_657, %get3A_658, %get3A_659] {strides = array<i32>} : memref<4x8x392xf32, #tpu.memory_space<vmem>>, vector<1x1x16xf32>,
        %get3A_661 = vector.shape_cast %get3A_660 : vector<1x1x16xf32> to vector<16xf32>
        %max3A_662 = arith.maximumf %max3A_656, %get3A_661 : vector<16xf32>
        %get3A_663 = arith.index_cast %squeeze3A_362 : i32 to index
        %get3A_664 = arith.index_cast %scan3A_422 : i32 to index
        %get3A_665 = arith.constant 128 : index
        %get3A_666 = tpu.vector_load %arg7[%get3A_663, %get3A_664, %get3A_665] {strides = array<i32>} : memref<4x8x392xf32, #tpu.memory_space<vmem>>, vector<1x1x16xf32>,
        %get3A_667 = vector.shape_cast %get3A_666 : vector<1x1x16xf32> to vector<16xf32>
        %max3A_668 = arith.maximumf %max3A_662, %get3A_667 : vector<16xf32>
        %swap3A_669 = arith.index_cast %scan3A_422 : i32 to index
        %swap3A_670 = arith.constant 128 : index
        %swap3A_671 = tpu.vector_load %arg9[%swap3A_669, %swap3A_670] {strides = array<i32>} : memref<8x392xf32, #tpu.memory_space<vmem>>, vector<1x16xf32>,
        %swap3A_672 = vector.shape_cast %swap3A_671 : vector<1x16xf32> to vector<16xf32>
        %swap3A_673 = vector.shape_cast %max3A_668 : vector<16xf32> to vector<1x16xf32>
        tpu.vector_store %arg9[%swap3A_669, %swap3A_670], %swap3A_673 {strides = array<i32>} : memref<8x392xf32, #tpu.memory_space<vmem>>, vector<1x16xf32>,
        %get3A_674 = arith.index_cast %squeeze3A_341 : i32 to index
        %get3A_675 = arith.index_cast %scan3A_422 : i32 to index
        %get3A_676 = arith.constant 144 : index
        %get3A_677 = tpu.vector_load %arg7[%get3A_674, %get3A_675, %get3A_676] {strides = array<i32>} : memref<4x8x392xf32, #tpu.memory_space<vmem>>, vector<1x1x16xf32>,
        %get3A_678 = vector.shape_cast %get3A_677 : vector<1x1x16xf32> to vector<16xf32>
        %get3A_679 = arith.index_cast %squeeze3A_348 : i32 to index
        %get3A_680 = arith.index_cast %scan3A_422 : i32 to index
        %get3A_681 = arith.constant 144 : index
        %get3A_682 = tpu.vector_load %arg7[%get3A_679, %get3A_680, %get3A_681] {strides = array<i32>} : memref<4x8x392xf32, #tpu.memory_space<vmem>>, vector<1x1x16xf32>,
        %get3A_683 = vector.shape_cast %get3A_682 : vector<1x1x16xf32> to vector<16xf32>
        %max3A_684 = arith.maximumf %get3A_678, %get3A_683 : vector<16xf32>
        %get3A_685 = arith.index_cast %squeeze3A_355 : i32 to index
        %get3A_686 = arith.index_cast %scan3A_422 : i32 to index
        %get3A_687 = arith.constant 144 : index
        %get3A_688 = tpu.vector_load %arg7[%get3A_685, %get3A_686, %get3A_687] {strides = array<i32>} : memref<4x8x392xf32, #tpu.memory_space<vmem>>, vector<1x1x16xf32>,
        %get3A_689 = vector.shape_cast %get3A_688 : vector<1x1x16xf32> to vector<16xf32>
        %max3A_690 = arith.maximumf %max3A_684, %get3A_689 : vector<16xf32>
        %get3A_691 = arith.index_cast %squeeze3A_362 : i32 to index
        %get3A_692 = arith.index_cast %scan3A_422 : i32 to index
        %get3A_693 = arith.constant 144 : index
        %get3A_694 = tpu.vector_load %arg7[%get3A_691, %get3A_692, %get3A_693] {strides = array<i32>} : memref<4x8x392xf32, #tpu.memory_space<vmem>>, vector<1x1x16xf32>,
        %get3A_695 = vector.shape_cast %get3A_694 : vector<1x1x16xf32> to vector<16xf32>
        %max3A_696 = arith.maximumf %max3A_690, %get3A_695 : vector<16xf32>
        %swap3A_697 = arith.index_cast %scan3A_422 : i32 to index
        %swap3A_698 = arith.constant 144 : index
        %swap3A_699 = tpu.vector_load %arg9[%swap3A_697, %swap3A_698] {strides = array<i32>} : memref<8x392xf32, #tpu.memory_space<vmem>>, vector<1x16xf32>,
        %swap3A_700 = vector.shape_cast %swap3A_699 : vector<1x16xf32> to vector<16xf32>
        %swap3A_701 = vector.shape_cast %max3A_696 : vector<16xf32> to vector<1x16xf32>
        tpu.vector_store %arg9[%swap3A_697, %swap3A_698], %swap3A_701 {strides = array<i32>} : memref<8x392xf32, #tpu.memory_space<vmem>>, vector<1x16xf32>,
        %get3A_702 = arith.index_cast %squeeze3A_341 : i32 to index
        %get3A_703 = arith.index_cast %scan3A_422 : i32 to index
        %get3A_704 = arith.constant 160 : index
        %get3A_705 = tpu.vector_load %arg7[%get3A_702, %get3A_703, %get3A_704] {strides = array<i32>} : memref<4x8x392xf32, #tpu.memory_space<vmem>>, vector<1x1x16xf32>,
        %get3A_706 = vector.shape_cast %get3A_705 : vector<1x1x16xf32> to vector<16xf32>
        %get3A_707 = arith.index_cast %squeeze3A_348 : i32 to index
        %get3A_708 = arith.index_cast %scan3A_422 : i32 to index
        %get3A_709 = arith.constant 160 : index
        %get3A_710 = tpu.vector_load %arg7[%get3A_707, %get3A_708, %get3A_709] {strides = array<i32>} : memref<4x8x392xf32, #tpu.memory_space<vmem>>, vector<1x1x16xf32>,
        %get3A_711 = vector.shape_cast %get3A_710 : vector<1x1x16xf32> to vector<16xf32>
        %max3A_712 = arith.maximumf %get3A_706, %get3A_711 : vector<16xf32>
        %get3A_713 = arith.index_cast %squeeze3A_355 : i32 to index
        %get3A_714 = arith.index_cast %scan3A_422 : i32 to index
        %get3A_715 = arith.constant 160 : index
        %get3A_716 = tpu.vector_load %arg7[%get3A_713, %get3A_714, %get3A_715] {strides = array<i32>} : memref<4x8x392xf32, #tpu.memory_space<vmem>>, vector<1x1x16xf32>,
        %get3A_717 = vector.shape_cast %get3A_716 : vector<1x1x16xf32> to vector<16xf32>
        %max3A_718 = arith.maximumf %max3A_712, %get3A_717 : vector<16xf32>
        %get3A_719 = arith.index_cast %squeeze3A_362 : i32 to index
        %get3A_720 = arith.index_cast %scan3A_422 : i32 to index
        %get3A_721 = arith.constant 160 : index
        %get3A_722 = tpu.vector_load %arg7[%get3A_719, %get3A_720, %get3A_721] {strides = array<i32>} : memref<4x8x392xf32, #tpu.memory_space<vmem>>, vector<1x1x16xf32>,
        %get3A_723 = vector.shape_cast %get3A_722 : vector<1x1x16xf32> to vector<16xf32>
        %max3A_724 = arith.maximumf %max3A_718, %get3A_723 : vector<16xf32>
        %swap3A_725 = arith.index_cast %scan3A_422 : i32 to index
        %swap3A_726 = arith.constant 160 : index
        %swap3A_727 = tpu.vector_load %arg9[%swap3A_725, %swap3A_726] {strides = array<i32>} : memref<8x392xf32, #tpu.memory_space<vmem>>, vector<1x16xf32>,
        %swap3A_728 = vector.shape_cast %swap3A_727 : vector<1x16xf32> to vector<16xf32>
        %swap3A_729 = vector.shape_cast %max3A_724 : vector<16xf32> to vector<1x16xf32>
        tpu.vector_store %arg9[%swap3A_725, %swap3A_726], %swap3A_729 {strides = array<i32>} : memref<8x392xf32, #tpu.memory_space<vmem>>, vector<1x16xf32>,
        %get3A_730 = arith.index_cast %squeeze3A_341 : i32 to index
        %get3A_731 = arith.index_cast %scan3A_422 : i32 to index
        %get3A_732 = arith.constant 176 : index
        %get3A_733 = tpu.vector_load %arg7[%get3A_730, %get3A_731, %get3A_732] {strides = array<i32>} : memref<4x8x392xf32, #tpu.memory_space<vmem>>, vector<1x1x16xf32>,
        %get3A_734 = vector.shape_cast %get3A_733 : vector<1x1x16xf32> to vector<16xf32>
        %get3A_735 = arith.index_cast %squeeze3A_348 : i32 to index
        %get3A_736 = arith.index_cast %scan3A_422 : i32 to index
        %get3A_737 = arith.constant 176 : index
        %get3A_738 = tpu.vector_load %arg7[%get3A_735, %get3A_736, %get3A_737] {strides = array<i32>} : memref<4x8x392xf32, #tpu.memory_space<vmem>>, vector<1x1x16xf32>,
        %get3A_739 = vector.shape_cast %get3A_738 : vector<1x1x16xf32> to vector<16xf32>
        %max3A_740 = arith.maximumf %get3A_734, %get3A_739 : vector<16xf32>
        %get3A_741 = arith.index_cast %squeeze3A_355 : i32 to index
        %get3A_742 = arith.index_cast %scan3A_422 : i32 to index
        %get3A_743 = arith.constant 176 : index
        %get3A_744 = tpu.vector_load %arg7[%get3A_741, %get3A_742, %get3A_743] {strides = array<i32>} : memref<4x8x392xf32, #tpu.memory_space<vmem>>, vector<1x1x16xf32>,
        %get3A_745 = vector.shape_cast %get3A_744 : vector<1x1x16xf32> to vector<16xf32>
        %max3A_746 = arith.maximumf %max3A_740, %get3A_745 : vector<16xf32>
        %get3A_747 = arith.index_cast %squeeze3A_362 : i32 to index
        %get3A_748 = arith.index_cast %scan3A_422 : i32 to index
        %get3A_749 = arith.constant 176 : index
        %get3A_750 = tpu.vector_load %arg7[%get3A_747, %get3A_748, %get3A_749] {strides = array<i32>} : memref<4x8x392xf32, #tpu.memory_space<vmem>>, vector<1x1x16xf32>,
        %get3A_751 = vector.shape_cast %get3A_750 : vector<1x1x16xf32> to vector<16xf32>
        %max3A_752 = arith.maximumf %max3A_746, %get3A_751 : vector<16xf32>
        %swap3A_753 = arith.index_cast %scan3A_422 : i32 to index
        %swap3A_754 = arith.constant 176 : index
        %swap3A_755 = tpu.vector_load %arg9[%swap3A_753, %swap3A_754] {strides = array<i32>} : memref<8x392xf32, #tpu.memory_space<vmem>>, vector<1x16xf32>,
        %swap3A_756 = vector.shape_cast %swap3A_755 : vector<1x16xf32> to vector<16xf32>
        %swap3A_757 = vector.shape_cast %max3A_752 : vector<16xf32> to vector<1x16xf32>
        tpu.vector_store %arg9[%swap3A_753, %swap3A_754], %swap3A_757 {strides = array<i32>} : memref<8x392xf32, #tpu.memory_space<vmem>>, vector<1x16xf32>,
        %get3A_758 = arith.index_cast %squeeze3A_341 : i32 to index
        %get3A_759 = arith.index_cast %scan3A_422 : i32 to index
        %get3A_760 = arith.constant 192 : index
        %get3A_761 = tpu.vector_load %arg7[%get3A_758, %get3A_759, %get3A_760] {strides = array<i32>} : memref<4x8x392xf32, #tpu.memory_space<vmem>>, vector<1x1x16xf32>,
        %get3A_762 = vector.shape_cast %get3A_761 : vector<1x1x16xf32> to vector<16xf32>
        %get3A_763 = arith.index_cast %squeeze3A_348 : i32 to index
        %get3A_764 = arith.index_cast %scan3A_422 : i32 to index
        %get3A_765 = arith.constant 192 : index
        %get3A_766 = tpu.vector_load %arg7[%get3A_763, %get3A_764, %get3A_765] {strides = array<i32>} : memref<4x8x392xf32, #tpu.memory_space<vmem>>, vector<1x1x16xf32>,
        %get3A_767 = vector.shape_cast %get3A_766 : vector<1x1x16xf32> to vector<16xf32>
        %max3A_768 = arith.maximumf %get3A_762, %get3A_767 : vector<16xf32>
        %get3A_769 = arith.index_cast %squeeze3A_355 : i32 to index
        %get3A_770 = arith.index_cast %scan3A_422 : i32 to index
        %get3A_771 = arith.constant 192 : index
        %get3A_772 = tpu.vector_load %arg7[%get3A_769, %get3A_770, %get3A_771] {strides = array<i32>} : memref<4x8x392xf32, #tpu.memory_space<vmem>>, vector<1x1x16xf32>,
        %get3A_773 = vector.shape_cast %get3A_772 : vector<1x1x16xf32> to vector<16xf32>
        %max3A_774 = arith.maximumf %max3A_768, %get3A_773 : vector<16xf32>
        %get3A_775 = arith.index_cast %squeeze3A_362 : i32 to index
        %get3A_776 = arith.index_cast %scan3A_422 : i32 to index
        %get3A_777 = arith.constant 192 : index
        %get3A_778 = tpu.vector_load %arg7[%get3A_775, %get3A_776, %get3A_777] {strides = array<i32>} : memref<4x8x392xf32, #tpu.memory_space<vmem>>, vector<1x1x16xf32>,
        %get3A_779 = vector.shape_cast %get3A_778 : vector<1x1x16xf32> to vector<16xf32>
        %max3A_780 = arith.maximumf %max3A_774, %get3A_779 : vector<16xf32>
        %swap3A_781 = arith.index_cast %scan3A_422 : i32 to index
        %swap3A_782 = arith.constant 192 : index
        %swap3A_783 = tpu.vector_load %arg9[%swap3A_781, %swap3A_782] {strides = array<i32>} : memref<8x392xf32, #tpu.memory_space<vmem>>, vector<1x16xf32>,
        %swap3A_784 = vector.shape_cast %swap3A_783 : vector<1x16xf32> to vector<16xf32>
        %swap3A_785 = vector.shape_cast %max3A_780 : vector<16xf32> to vector<1x16xf32>
        tpu.vector_store %arg9[%swap3A_781, %swap3A_782], %swap3A_785 {strides = array<i32>} : memref<8x392xf32, #tpu.memory_space<vmem>>, vector<1x16xf32>,
        %get3A_786 = arith.index_cast %squeeze3A_341 : i32 to index
        %get3A_787 = arith.index_cast %scan3A_422 : i32 to index
        %get3A_788 = arith.constant 208 : index
        %get3A_789 = tpu.vector_load %arg7[%get3A_786, %get3A_787, %get3A_788] {strides = array<i32>} : memref<4x8x392xf32, #tpu.memory_space<vmem>>, vector<1x1x16xf32>,
        %get3A_790 = vector.shape_cast %get3A_789 : vector<1x1x16xf32> to vector<16xf32>
        %get3A_791 = arith.index_cast %squeeze3A_348 : i32 to index
        %get3A_792 = arith.index_cast %scan3A_422 : i32 to index
        %get3A_793 = arith.constant 208 : index
        %get3A_794 = tpu.vector_load %arg7[%get3A_791, %get3A_792, %get3A_793] {strides = array<i32>} : memref<4x8x392xf32, #tpu.memory_space<vmem>>, vector<1x1x16xf32>,
        %get3A_795 = vector.shape_cast %get3A_794 : vector<1x1x16xf32> to vector<16xf32>
        %max3A_796 = arith.maximumf %get3A_790, %get3A_795 : vector<16xf32>
        %get3A_797 = arith.index_cast %squeeze3A_355 : i32 to index
        %get3A_798 = arith.index_cast %scan3A_422 : i32 to index
        %get3A_799 = arith.constant 208 : index
        %get3A_800 = tpu.vector_load %arg7[%get3A_797, %get3A_798, %get3A_799] {strides = array<i32>} : memref<4x8x392xf32, #tpu.memory_space<vmem>>, vector<1x1x16xf32>,
        %get3A_801 = vector.shape_cast %get3A_800 : vector<1x1x16xf32> to vector<16xf32>
        %max3A_802 = arith.maximumf %max3A_796, %get3A_801 : vector<16xf32>
        %get3A_803 = arith.index_cast %squeeze3A_362 : i32 to index
        %get3A_804 = arith.index_cast %scan3A_422 : i32 to index
        %get3A_805 = arith.constant 208 : index
        %get3A_806 = tpu.vector_load %arg7[%get3A_803, %get3A_804, %get3A_805] {strides = array<i32>} : memref<4x8x392xf32, #tpu.memory_space<vmem>>, vector<1x1x16xf32>,
        %get3A_807 = vector.shape_cast %get3A_806 : vector<1x1x16xf32> to vector<16xf32>
        %max3A_808 = arith.maximumf %max3A_802, %get3A_807 : vector<16xf32>
        %swap3A_809 = arith.index_cast %scan3A_422 : i32 to index
        %swap3A_810 = arith.constant 208 : index
        %swap3A_811 = tpu.vector_load %arg9[%swap3A_809, %swap3A_810] {strides = array<i32>} : memref<8x392xf32, #tpu.memory_space<vmem>>, vector<1x16xf32>,
        %swap3A_812 = vector.shape_cast %swap3A_811 : vector<1x16xf32> to vector<16xf32>
        %swap3A_813 = vector.shape_cast %max3A_808 : vector<16xf32> to vector<1x16xf32>
        tpu.vector_store %arg9[%swap3A_809, %swap3A_810], %swap3A_813 {strides = array<i32>} : memref<8x392xf32, #tpu.memory_space<vmem>>, vector<1x16xf32>,
        %get3A_814 = arith.index_cast %squeeze3A_341 : i32 to index
        %get3A_815 = arith.index_cast %scan3A_422 : i32 to index
        %get3A_816 = arith.constant 224 : index
        %get3A_817 = tpu.vector_load %arg7[%get3A_814, %get3A_815, %get3A_816] {strides = array<i32>} : memref<4x8x392xf32, #tpu.memory_space<vmem>>, vector<1x1x16xf32>,
        %get3A_818 = vector.shape_cast %get3A_817 : vector<1x1x16xf32> to vector<16xf32>
        %get3A_819 = arith.index_cast %squeeze3A_348 : i32 to index
        %get3A_820 = arith.index_cast %scan3A_422 : i32 to index
        %get3A_821 = arith.constant 224 : index
        %get3A_822 = tpu.vector_load %arg7[%get3A_819, %get3A_820, %get3A_821] {strides = array<i32>} : memref<4x8x392xf32, #tpu.memory_space<vmem>>, vector<1x1x16xf32>,
        %get3A_823 = vector.shape_cast %get3A_822 : vector<1x1x16xf32> to vector<16xf32>
        %max3A_824 = arith.maximumf %get3A_818, %get3A_823 : vector<16xf32>
        %get3A_825 = arith.index_cast %squeeze3A_355 : i32 to index
        %get3A_826 = arith.index_cast %scan3A_422 : i32 to index
        %get3A_827 = arith.constant 224 : index
        %get3A_828 = tpu.vector_load %arg7[%get3A_825, %get3A_826, %get3A_827] {strides = array<i32>} : memref<4x8x392xf32, #tpu.memory_space<vmem>>, vector<1x1x16xf32>,
        %get3A_829 = vector.shape_cast %get3A_828 : vector<1x1x16xf32> to vector<16xf32>
        %max3A_830 = arith.maximumf %max3A_824, %get3A_829 : vector<16xf32>
        %get3A_831 = arith.index_cast %squeeze3A_362 : i32 to index
        %get3A_832 = arith.index_cast %scan3A_422 : i32 to index
        %get3A_833 = arith.constant 224 : index
        %get3A_834 = tpu.vector_load %arg7[%get3A_831, %get3A_832, %get3A_833] {strides = array<i32>} : memref<4x8x392xf32, #tpu.memory_space<vmem>>, vector<1x1x16xf32>,
        %get3A_835 = vector.shape_cast %get3A_834 : vector<1x1x16xf32> to vector<16xf32>
        %max3A_836 = arith.maximumf %max3A_830, %get3A_835 : vector<16xf32>
        %swap3A_837 = arith.index_cast %scan3A_422 : i32 to index
        %swap3A_838 = arith.constant 224 : index
        %swap3A_839 = tpu.vector_load %arg9[%swap3A_837, %swap3A_838] {strides = array<i32>} : memref<8x392xf32, #tpu.memory_space<vmem>>, vector<1x16xf32>,
        %swap3A_840 = vector.shape_cast %swap3A_839 : vector<1x16xf32> to vector<16xf32>
        %swap3A_841 = vector.shape_cast %max3A_836 : vector<16xf32> to vector<1x16xf32>
        tpu.vector_store %arg9[%swap3A_837, %swap3A_838], %swap3A_841 {strides = array<i32>} : memref<8x392xf32, #tpu.memory_space<vmem>>, vector<1x16xf32>,
        %get3A_842 = arith.index_cast %squeeze3A_341 : i32 to index
        %get3A_843 = arith.index_cast %scan3A_422 : i32 to index
        %get3A_844 = arith.constant 240 : index
        %get3A_845 = tpu.vector_load %arg7[%get3A_842, %get3A_843, %get3A_844] {strides = array<i32>} : memref<4x8x392xf32, #tpu.memory_space<vmem>>, vector<1x1x16xf32>,
        %get3A_846 = vector.shape_cast %get3A_845 : vector<1x1x16xf32> to vector<16xf32>
        %get3A_847 = arith.index_cast %squeeze3A_348 : i32 to index
        %get3A_848 = arith.index_cast %scan3A_422 : i32 to index
        %get3A_849 = arith.constant 240 : index
        %get3A_850 = tpu.vector_load %arg7[%get3A_847, %get3A_848, %get3A_849] {strides = array<i32>} : memref<4x8x392xf32, #tpu.memory_space<vmem>>, vector<1x1x16xf32>,
        %get3A_851 = vector.shape_cast %get3A_850 : vector<1x1x16xf32> to vector<16xf32>
        %max3A_852 = arith.maximumf %get3A_846, %get3A_851 : vector<16xf32>
        %get3A_853 = arith.index_cast %squeeze3A_355 : i32 to index
        %get3A_854 = arith.index_cast %scan3A_422 : i32 to index
        %get3A_855 = arith.constant 240 : index
        %get3A_856 = tpu.vector_load %arg7[%get3A_853, %get3A_854, %get3A_855] {strides = array<i32>} : memref<4x8x392xf32, #tpu.memory_space<vmem>>, vector<1x1x16xf32>,
        %get3A_857 = vector.shape_cast %get3A_856 : vector<1x1x16xf32> to vector<16xf32>
        %max3A_858 = arith.maximumf %max3A_852, %get3A_857 : vector<16xf32>
        %get3A_859 = arith.index_cast %squeeze3A_362 : i32 to index
        %get3A_860 = arith.index_cast %scan3A_422 : i32 to index
        %get3A_861 = arith.constant 240 : index
        %get3A_862 = tpu.vector_load %arg7[%get3A_859, %get3A_860, %get3A_861] {strides = array<i32>} : memref<4x8x392xf32, #tpu.memory_space<vmem>>, vector<1x1x16xf32>,
        %get3A_863 = vector.shape_cast %get3A_862 : vector<1x1x16xf32> to vector<16xf32>
        %max3A_864 = arith.maximumf %max3A_858, %get3A_863 : vector<16xf32>
        %swap3A_865 = arith.index_cast %scan3A_422 : i32 to index
        %swap3A_866 = arith.constant 240 : index
        %swap3A_867 = tpu.vector_load %arg9[%swap3A_865, %swap3A_866] {strides = array<i32>} : memref<8x392xf32, #tpu.memory_space<vmem>>, vector<1x16xf32>,
        %swap3A_868 = vector.shape_cast %swap3A_867 : vector<1x16xf32> to vector<16xf32>
        %swap3A_869 = vector.shape_cast %max3A_864 : vector<16xf32> to vector<1x16xf32>
        tpu.vector_store %arg9[%swap3A_865, %swap3A_866], %swap3A_869 {strides = array<i32>} : memref<8x392xf32, #tpu.memory_space<vmem>>, vector<1x16xf32>,
        %get3A_870 = arith.index_cast %squeeze3A_341 : i32 to index
        %get3A_871 = arith.index_cast %scan3A_422 : i32 to index
        %get3A_872 = arith.constant 256 : index
        %get3A_873 = tpu.vector_load %arg7[%get3A_870, %get3A_871, %get3A_872] {strides = array<i32>} : memref<4x8x392xf32, #tpu.memory_space<vmem>>, vector<1x1x16xf32>,
        %get3A_874 = vector.shape_cast %get3A_873 : vector<1x1x16xf32> to vector<16xf32>
        %get3A_875 = arith.index_cast %squeeze3A_348 : i32 to index
        %get3A_876 = arith.index_cast %scan3A_422 : i32 to index
        %get3A_877 = arith.constant 256 : index
        %get3A_878 = tpu.vector_load %arg7[%get3A_875, %get3A_876, %get3A_877] {strides = array<i32>} : memref<4x8x392xf32, #tpu.memory_space<vmem>>, vector<1x1x16xf32>,
        %get3A_879 = vector.shape_cast %get3A_878 : vector<1x1x16xf32> to vector<16xf32>
        %max3A_880 = arith.maximumf %get3A_874, %get3A_879 : vector<16xf32>
        %get3A_881 = arith.index_cast %squeeze3A_355 : i32 to index
        %get3A_882 = arith.index_cast %scan3A_422 : i32 to index
        %get3A_883 = arith.constant 256 : index
        %get3A_884 = tpu.vector_load %arg7[%get3A_881, %get3A_882, %get3A_883] {strides = array<i32>} : memref<4x8x392xf32, #tpu.memory_space<vmem>>, vector<1x1x16xf32>,
        %get3A_885 = vector.shape_cast %get3A_884 : vector<1x1x16xf32> to vector<16xf32>
        %max3A_886 = arith.maximumf %max3A_880, %get3A_885 : vector<16xf32>
        %get3A_887 = arith.index_cast %squeeze3A_362 : i32 to index
        %get3A_888 = arith.index_cast %scan3A_422 : i32 to index
        %get3A_889 = arith.constant 256 : index
        %get3A_890 = tpu.vector_load %arg7[%get3A_887, %get3A_888, %get3A_889] {strides = array<i32>} : memref<4x8x392xf32, #tpu.memory_space<vmem>>, vector<1x1x16xf32>,
        %get3A_891 = vector.shape_cast %get3A_890 : vector<1x1x16xf32> to vector<16xf32>
        %max3A_892 = arith.maximumf %max3A_886, %get3A_891 : vector<16xf32>
        %swap3A_893 = arith.index_cast %scan3A_422 : i32 to index
        %swap3A_894 = arith.constant 256 : index
        %swap3A_895 = tpu.vector_load %arg9[%swap3A_893, %swap3A_894] {strides = array<i32>} : memref<8x392xf32, #tpu.memory_space<vmem>>, vector<1x16xf32>,
        %swap3A_896 = vector.shape_cast %swap3A_895 : vector<1x16xf32> to vector<16xf32>
        %swap3A_897 = vector.shape_cast %max3A_892 : vector<16xf32> to vector<1x16xf32>
        tpu.vector_store %arg9[%swap3A_893, %swap3A_894], %swap3A_897 {strides = array<i32>} : memref<8x392xf32, #tpu.memory_space<vmem>>, vector<1x16xf32>,
        %get3A_898 = arith.index_cast %squeeze3A_341 : i32 to index
        %get3A_899 = arith.index_cast %scan3A_422 : i32 to index
        %get3A_900 = arith.constant 272 : index
        %get3A_901 = tpu.vector_load %arg7[%get3A_898, %get3A_899, %get3A_900] {strides = array<i32>} : memref<4x8x392xf32, #tpu.memory_space<vmem>>, vector<1x1x16xf32>,
        %get3A_902 = vector.shape_cast %get3A_901 : vector<1x1x16xf32> to vector<16xf32>
        %get3A_903 = arith.index_cast %squeeze3A_348 : i32 to index
        %get3A_904 = arith.index_cast %scan3A_422 : i32 to index
        %get3A_905 = arith.constant 272 : index
        %get3A_906 = tpu.vector_load %arg7[%get3A_903, %get3A_904, %get3A_905] {strides = array<i32>} : memref<4x8x392xf32, #tpu.memory_space<vmem>>, vector<1x1x16xf32>,
        %get3A_907 = vector.shape_cast %get3A_906 : vector<1x1x16xf32> to vector<16xf32>
        %max3A_908 = arith.maximumf %get3A_902, %get3A_907 : vector<16xf32>
        %get3A_909 = arith.index_cast %squeeze3A_355 : i32 to index
        %get3A_910 = arith.index_cast %scan3A_422 : i32 to index
        %get3A_911 = arith.constant 272 : index
        %get3A_912 = tpu.vector_load %arg7[%get3A_909, %get3A_910, %get3A_911] {strides = array<i32>} : memref<4x8x392xf32, #tpu.memory_space<vmem>>, vector<1x1x16xf32>,
        %get3A_913 = vector.shape_cast %get3A_912 : vector<1x1x16xf32> to vector<16xf32>
        %max3A_914 = arith.maximumf %max3A_908, %get3A_913 : vector<16xf32>
        %get3A_915 = arith.index_cast %squeeze3A_362 : i32 to index
        %get3A_916 = arith.index_cast %scan3A_422 : i32 to index
        %get3A_917 = arith.constant 272 : index
        %get3A_918 = tpu.vector_load %arg7[%get3A_915, %get3A_916, %get3A_917] {strides = array<i32>} : memref<4x8x392xf32, #tpu.memory_space<vmem>>, vector<1x1x16xf32>,
        %get3A_919 = vector.shape_cast %get3A_918 : vector<1x1x16xf32> to vector<16xf32>
        %max3A_920 = arith.maximumf %max3A_914, %get3A_919 : vector<16xf32>
        %swap3A_921 = arith.index_cast %scan3A_422 : i32 to index
        %swap3A_922 = arith.constant 272 : index
        %swap3A_923 = tpu.vector_load %arg9[%swap3A_921, %swap3A_922] {strides = array<i32>} : memref<8x392xf32, #tpu.memory_space<vmem>>, vector<1x16xf32>,
        %swap3A_924 = vector.shape_cast %swap3A_923 : vector<1x16xf32> to vector<16xf32>
        %swap3A_925 = vector.shape_cast %max3A_920 : vector<16xf32> to vector<1x16xf32>
        tpu.vector_store %arg9[%swap3A_921, %swap3A_922], %swap3A_925 {strides = array<i32>} : memref<8x392xf32, #tpu.memory_space<vmem>>, vector<1x16xf32>,
        %get3A_926 = arith.index_cast %squeeze3A_341 : i32 to index
        %get3A_927 = arith.index_cast %scan3A_422 : i32 to index
        %get3A_928 = arith.constant 288 : index
        %get3A_929 = tpu.vector_load %arg7[%get3A_926, %get3A_927, %get3A_928] {strides = array<i32>} : memref<4x8x392xf32, #tpu.memory_space<vmem>>, vector<1x1x16xf32>,
        %get3A_930 = vector.shape_cast %get3A_929 : vector<1x1x16xf32> to vector<16xf32>
        %get3A_931 = arith.index_cast %squeeze3A_348 : i32 to index
        %get3A_932 = arith.index_cast %scan3A_422 : i32 to index
        %get3A_933 = arith.constant 288 : index
        %get3A_934 = tpu.vector_load %arg7[%get3A_931, %get3A_932, %get3A_933] {strides = array<i32>} : memref<4x8x392xf32, #tpu.memory_space<vmem>>, vector<1x1x16xf32>,
        %get3A_935 = vector.shape_cast %get3A_934 : vector<1x1x16xf32> to vector<16xf32>
        %max3A_936 = arith.maximumf %get3A_930, %get3A_935 : vector<16xf32>
        %get3A_937 = arith.index_cast %squeeze3A_355 : i32 to index
        %get3A_938 = arith.index_cast %scan3A_422 : i32 to index
        %get3A_939 = arith.constant 288 : index
        %get3A_940 = tpu.vector_load %arg7[%get3A_937, %get3A_938, %get3A_939] {strides = array<i32>} : memref<4x8x392xf32, #tpu.memory_space<vmem>>, vector<1x1x16xf32>,
        %get3A_941 = vector.shape_cast %get3A_940 : vector<1x1x16xf32> to vector<16xf32>
        %max3A_942 = arith.maximumf %max3A_936, %get3A_941 : vector<16xf32>
        %get3A_943 = arith.index_cast %squeeze3A_362 : i32 to index
        %get3A_944 = arith.index_cast %scan3A_422 : i32 to index
        %get3A_945 = arith.constant 288 : index
        %get3A_946 = tpu.vector_load %arg7[%get3A_943, %get3A_944, %get3A_945] {strides = array<i32>} : memref<4x8x392xf32, #tpu.memory_space<vmem>>, vector<1x1x16xf32>,
        %get3A_947 = vector.shape_cast %get3A_946 : vector<1x1x16xf32> to vector<16xf32>
        %max3A_948 = arith.maximumf %max3A_942, %get3A_947 : vector<16xf32>
        %swap3A_949 = arith.index_cast %scan3A_422 : i32 to index
        %swap3A_950 = arith.constant 288 : index
        %swap3A_951 = tpu.vector_load %arg9[%swap3A_949, %swap3A_950] {strides = array<i32>} : memref<8x392xf32, #tpu.memory_space<vmem>>, vector<1x16xf32>,
        %swap3A_952 = vector.shape_cast %swap3A_951 : vector<1x16xf32> to vector<16xf32>
        %swap3A_953 = vector.shape_cast %max3A_948 : vector<16xf32> to vector<1x16xf32>
        tpu.vector_store %arg9[%swap3A_949, %swap3A_950], %swap3A_953 {strides = array<i32>} : memref<8x392xf32, #tpu.memory_space<vmem>>, vector<1x16xf32>,
        %get3A_954 = arith.index_cast %squeeze3A_341 : i32 to index
        %get3A_955 = arith.index_cast %scan3A_422 : i32 to index
        %get3A_956 = arith.constant 304 : index
        %get3A_957 = tpu.vector_load %arg7[%get3A_954, %get3A_955, %get3A_956] {strides = array<i32>} : memref<4x8x392xf32, #tpu.memory_space<vmem>>, vector<1x1x16xf32>,
        %get3A_958 = vector.shape_cast %get3A_957 : vector<1x1x16xf32> to vector<16xf32>
        %get3A_959 = arith.index_cast %squeeze3A_348 : i32 to index
        %get3A_960 = arith.index_cast %scan3A_422 : i32 to index
        %get3A_961 = arith.constant 304 : index
        %get3A_962 = tpu.vector_load %arg7[%get3A_959, %get3A_960, %get3A_961] {strides = array<i32>} : memref<4x8x392xf32, #tpu.memory_space<vmem>>, vector<1x1x16xf32>,
        %get3A_963 = vector.shape_cast %get3A_962 : vector<1x1x16xf32> to vector<16xf32>
        %max3A_964 = arith.maximumf %get3A_958, %get3A_963 : vector<16xf32>
        %get3A_965 = arith.index_cast %squeeze3A_355 : i32 to index
        %get3A_966 = arith.index_cast %scan3A_422 : i32 to index
        %get3A_967 = arith.constant 304 : index
        %get3A_968 = tpu.vector_load %arg7[%get3A_965, %get3A_966, %get3A_967] {strides = array<i32>} : memref<4x8x392xf32, #tpu.memory_space<vmem>>, vector<1x1x16xf32>,
        %get3A_969 = vector.shape_cast %get3A_968 : vector<1x1x16xf32> to vector<16xf32>
        %max3A_970 = arith.maximumf %max3A_964, %get3A_969 : vector<16xf32>
        %get3A_971 = arith.index_cast %squeeze3A_362 : i32 to index
        %get3A_972 = arith.index_cast %scan3A_422 : i32 to index
        %get3A_973 = arith.constant 304 : index
        %get3A_974 = tpu.vector_load %arg7[%get3A_971, %get3A_972, %get3A_973] {strides = array<i32>} : memref<4x8x392xf32, #tpu.memory_space<vmem>>, vector<1x1x16xf32>,
        %get3A_975 = vector.shape_cast %get3A_974 : vector<1x1x16xf32> to vector<16xf32>
        %max3A_976 = arith.maximumf %max3A_970, %get3A_975 : vector<16xf32>
        %swap3A_977 = arith.index_cast %scan3A_422 : i32 to index
        %swap3A_978 = arith.constant 304 : index
        %swap3A_979 = tpu.vector_load %arg9[%swap3A_977, %swap3A_978] {strides = array<i32>} : memref<8x392xf32, #tpu.memory_space<vmem>>, vector<1x16xf32>,
        %swap3A_980 = vector.shape_cast %swap3A_979 : vector<1x16xf32> to vector<16xf32>
        %swap3A_981 = vector.shape_cast %max3A_976 : vector<16xf32> to vector<1x16xf32>
        tpu.vector_store %arg9[%swap3A_977, %swap3A_978], %swap3A_981 {strides = array<i32>} : memref<8x392xf32, #tpu.memory_space<vmem>>, vector<1x16xf32>,
        %get3A_982 = arith.index_cast %squeeze3A_341 : i32 to index
        %get3A_983 = arith.index_cast %scan3A_422 : i32 to index
        %get3A_984 = arith.constant 320 : index
        %get3A_985 = tpu.vector_load %arg7[%get3A_982, %get3A_983, %get3A_984] {strides = array<i32>} : memref<4x8x392xf32, #tpu.memory_space<vmem>>, vector<1x1x16xf32>,
        %get3A_986 = vector.shape_cast %get3A_985 : vector<1x1x16xf32> to vector<16xf32>
        %get3A_987 = arith.index_cast %squeeze3A_348 : i32 to index
        %get3A_988 = arith.index_cast %scan3A_422 : i32 to index
        %get3A_989 = arith.constant 320 : index
        %get3A_990 = tpu.vector_load %arg7[%get3A_987, %get3A_988, %get3A_989] {strides = array<i32>} : memref<4x8x392xf32, #tpu.memory_space<vmem>>, vector<1x1x16xf32>,
        %get3A_991 = vector.shape_cast %get3A_990 : vector<1x1x16xf32> to vector<16xf32>
        %max3A_992 = arith.maximumf %get3A_986, %get3A_991 : vector<16xf32>
        %get3A_993 = arith.index_cast %squeeze3A_355 : i32 to index
        %get3A_994 = arith.index_cast %scan3A_422 : i32 to index
        %get3A_995 = arith.constant 320 : index
        %get3A_996 = tpu.vector_load %arg7[%get3A_993, %get3A_994, %get3A_995] {strides = array<i32>} : memref<4x8x392xf32, #tpu.memory_space<vmem>>, vector<1x1x16xf32>,
        %get3A_997 = vector.shape_cast %get3A_996 : vector<1x1x16xf32> to vector<16xf32>
        %max3A_998 = arith.maximumf %max3A_992, %get3A_997 : vector<16xf32>
        %get3A_999 = arith.index_cast %squeeze3A_362 : i32 to index
        %get3A_1000 = arith.index_cast %scan3A_422 : i32 to index
        %get3A_1001 = arith.constant 320 : index
        %get3A_1002 = tpu.vector_load %arg7[%get3A_999, %get3A_1000, %get3A_1001] {strides = array<i32>} : memref<4x8x392xf32, #tpu.memory_space<vmem>>, vector<1x1x16xf32>,
        %get3A_1003 = vector.shape_cast %get3A_1002 : vector<1x1x16xf32> to vector<16xf32>
        %max3A_1004 = arith.maximumf %max3A_998, %get3A_1003 : vector<16xf32>
        %swap3A_1005 = arith.index_cast %scan3A_422 : i32 to index
        %swap3A_1006 = arith.constant 320 : index
        %swap3A_1007 = tpu.vector_load %arg9[%swap3A_1005, %swap3A_1006] {strides = array<i32>} : memref<8x392xf32, #tpu.memory_space<vmem>>, vector<1x16xf32>,
        %swap3A_1008 = vector.shape_cast %swap3A_1007 : vector<1x16xf32> to vector<16xf32>
        %swap3A_1009 = vector.shape_cast %max3A_1004 : vector<16xf32> to vector<1x16xf32>
        tpu.vector_store %arg9[%swap3A_1005, %swap3A_1006], %swap3A_1009 {strides = array<i32>} : memref<8x392xf32, #tpu.memory_space<vmem>>, vector<1x16xf32>,
        %get3A_1010 = arith.index_cast %squeeze3A_341 : i32 to index
        %get3A_1011 = arith.index_cast %scan3A_422 : i32 to index
        %get3A_1012 = arith.constant 336 : index
        %get3A_1013 = tpu.vector_load %arg7[%get3A_1010, %get3A_1011, %get3A_1012] {strides = array<i32>} : memref<4x8x392xf32, #tpu.memory_space<vmem>>, vector<1x1x16xf32>,
        %get3A_1014 = vector.shape_cast %get3A_1013 : vector<1x1x16xf32> to vector<16xf32>
        %get3A_1015 = arith.index_cast %squeeze3A_348 : i32 to index
        %get3A_1016 = arith.index_cast %scan3A_422 : i32 to index
        %get3A_1017 = arith.constant 336 : index
        %get3A_1018 = tpu.vector_load %arg7[%get3A_1015, %get3A_1016, %get3A_1017] {strides = array<i32>} : memref<4x8x392xf32, #tpu.memory_space<vmem>>, vector<1x1x16xf32>,
        %get3A_1019 = vector.shape_cast %get3A_1018 : vector<1x1x16xf32> to vector<16xf32>
        %max3A_1020 = arith.maximumf %get3A_1014, %get3A_1019 : vector<16xf32>
        %get3A_1021 = arith.index_cast %squeeze3A_355 : i32 to index
        %get3A_1022 = arith.index_cast %scan3A_422 : i32 to index
        %get3A_1023 = arith.constant 336 : index
        %get3A_1024 = tpu.vector_load %arg7[%get3A_1021, %get3A_1022, %get3A_1023] {strides = array<i32>} : memref<4x8x392xf32, #tpu.memory_space<vmem>>, vector<1x1x16xf32>,
        %get3A_1025 = vector.shape_cast %get3A_1024 : vector<1x1x16xf32> to vector<16xf32>
        %max3A_1026 = arith.maximumf %max3A_1020, %get3A_1025 : vector<16xf32>
        %get3A_1027 = arith.index_cast %squeeze3A_362 : i32 to index
        %get3A_1028 = arith.index_cast %scan3A_422 : i32 to index
        %get3A_1029 = arith.constant 336 : index
        %get3A_1030 = tpu.vector_load %arg7[%get3A_1027, %get3A_1028, %get3A_1029] {strides = array<i32>} : memref<4x8x392xf32, #tpu.memory_space<vmem>>, vector<1x1x16xf32>,
        %get3A_1031 = vector.shape_cast %get3A_1030 : vector<1x1x16xf32> to vector<16xf32>
        %max3A_1032 = arith.maximumf %max3A_1026, %get3A_1031 : vector<16xf32>
        %swap3A_1033 = arith.index_cast %scan3A_422 : i32 to index
        %swap3A_1034 = arith.constant 336 : index
        %swap3A_1035 = tpu.vector_load %arg9[%swap3A_1033, %swap3A_1034] {strides = array<i32>} : memref<8x392xf32, #tpu.memory_space<vmem>>, vector<1x16xf32>,
        %swap3A_1036 = vector.shape_cast %swap3A_1035 : vector<1x16xf32> to vector<16xf32>
        %swap3A_1037 = vector.shape_cast %max3A_1032 : vector<16xf32> to vector<1x16xf32>
        tpu.vector_store %arg9[%swap3A_1033, %swap3A_1034], %swap3A_1037 {strides = array<i32>} : memref<8x392xf32, #tpu.memory_space<vmem>>, vector<1x16xf32>,
        %get3A_1038 = arith.index_cast %squeeze3A_341 : i32 to index
        %get3A_1039 = arith.index_cast %scan3A_422 : i32 to index
        %get3A_1040 = arith.constant 352 : index
        %get3A_1041 = tpu.vector_load %arg7[%get3A_1038, %get3A_1039, %get3A_1040] {strides = array<i32>} : memref<4x8x392xf32, #tpu.memory_space<vmem>>, vector<1x1x16xf32>,
        %get3A_1042 = vector.shape_cast %get3A_1041 : vector<1x1x16xf32> to vector<16xf32>
        %get3A_1043 = arith.index_cast %squeeze3A_348 : i32 to index
        %get3A_1044 = arith.index_cast %scan3A_422 : i32 to index
        %get3A_1045 = arith.constant 352 : index
        %get3A_1046 = tpu.vector_load %arg7[%get3A_1043, %get3A_1044, %get3A_1045] {strides = array<i32>} : memref<4x8x392xf32, #tpu.memory_space<vmem>>, vector<1x1x16xf32>,
        %get3A_1047 = vector.shape_cast %get3A_1046 : vector<1x1x16xf32> to vector<16xf32>
        %max3A_1048 = arith.maximumf %get3A_1042, %get3A_1047 : vector<16xf32>
        %get3A_1049 = arith.index_cast %squeeze3A_355 : i32 to index
        %get3A_1050 = arith.index_cast %scan3A_422 : i32 to index
        %get3A_1051 = arith.constant 352 : index
        %get3A_1052 = tpu.vector_load %arg7[%get3A_1049, %get3A_1050, %get3A_1051] {strides = array<i32>} : memref<4x8x392xf32, #tpu.memory_space<vmem>>, vector<1x1x16xf32>,
        %get3A_1053 = vector.shape_cast %get3A_1052 : vector<1x1x16xf32> to vector<16xf32>
        %max3A_1054 = arith.maximumf %max3A_1048, %get3A_1053 : vector<16xf32>
        %get3A_1055 = arith.index_cast %squeeze3A_362 : i32 to index
        %get3A_1056 = arith.index_cast %scan3A_422 : i32 to index
        %get3A_1057 = arith.constant 352 : index
        %get3A_1058 = tpu.vector_load %arg7[%get3A_1055, %get3A_1056, %get3A_1057] {strides = array<i32>} : memref<4x8x392xf32, #tpu.memory_space<vmem>>, vector<1x1x16xf32>,
        %get3A_1059 = vector.shape_cast %get3A_1058 : vector<1x1x16xf32> to vector<16xf32>
        %max3A_1060 = arith.maximumf %max3A_1054, %get3A_1059 : vector<16xf32>
        %swap3A_1061 = arith.index_cast %scan3A_422 : i32 to index
        %swap3A_1062 = arith.constant 352 : index
        %swap3A_1063 = tpu.vector_load %arg9[%swap3A_1061, %swap3A_1062] {strides = array<i32>} : memref<8x392xf32, #tpu.memory_space<vmem>>, vector<1x16xf32>,
        %swap3A_1064 = vector.shape_cast %swap3A_1063 : vector<1x16xf32> to vector<16xf32>
        %swap3A_1065 = vector.shape_cast %max3A_1060 : vector<16xf32> to vector<1x16xf32>
        tpu.vector_store %arg9[%swap3A_1061, %swap3A_1062], %swap3A_1065 {strides = array<i32>} : memref<8x392xf32, #tpu.memory_space<vmem>>, vector<1x16xf32>,
        %get3A_1066 = arith.index_cast %squeeze3A_341 : i32 to index
        %get3A_1067 = arith.index_cast %scan3A_422 : i32 to index
        %get3A_1068 = arith.constant 368 : index
        %get3A_1069 = tpu.vector_load %arg7[%get3A_1066, %get3A_1067, %get3A_1068] {strides = array<i32>} : memref<4x8x392xf32, #tpu.memory_space<vmem>>, vector<1x1x16xf32>,
        %get3A_1070 = vector.shape_cast %get3A_1069 : vector<1x1x16xf32> to vector<16xf32>
        %get3A_1071 = arith.index_cast %squeeze3A_348 : i32 to index
        %get3A_1072 = arith.index_cast %scan3A_422 : i32 to index
        %get3A_1073 = arith.constant 368 : index
        %get3A_1074 = tpu.vector_load %arg7[%get3A_1071, %get3A_1072, %get3A_1073] {strides = array<i32>} : memref<4x8x392xf32, #tpu.memory_space<vmem>>, vector<1x1x16xf32>,
        %get3A_1075 = vector.shape_cast %get3A_1074 : vector<1x1x16xf32> to vector<16xf32>
        %max3A_1076 = arith.maximumf %get3A_1070, %get3A_1075 : vector<16xf32>
        %get3A_1077 = arith.index_cast %squeeze3A_355 : i32 to index
        %get3A_1078 = arith.index_cast %scan3A_422 : i32 to index
        %get3A_1079 = arith.constant 368 : index
        %get3A_1080 = tpu.vector_load %arg7[%get3A_1077, %get3A_1078, %get3A_1079] {strides = array<i32>} : memref<4x8x392xf32, #tpu.memory_space<vmem>>, vector<1x1x16xf32>,
        %get3A_1081 = vector.shape_cast %get3A_1080 : vector<1x1x16xf32> to vector<16xf32>
        %max3A_1082 = arith.maximumf %max3A_1076, %get3A_1081 : vector<16xf32>
        %get3A_1083 = arith.index_cast %squeeze3A_362 : i32 to index
        %get3A_1084 = arith.index_cast %scan3A_422 : i32 to index
        %get3A_1085 = arith.constant 368 : index
        %get3A_1086 = tpu.vector_load %arg7[%get3A_1083, %get3A_1084, %get3A_1085] {strides = array<i32>} : memref<4x8x392xf32, #tpu.memory_space<vmem>>, vector<1x1x16xf32>,
        %get3A_1087 = vector.shape_cast %get3A_1086 : vector<1x1x16xf32> to vector<16xf32>
        %max3A_1088 = arith.maximumf %max3A_1082, %get3A_1087 : vector<16xf32>
        %swap3A_1089 = arith.index_cast %scan3A_422 : i32 to index
        %swap3A_1090 = arith.constant 368 : index
        %swap3A_1091 = tpu.vector_load %arg9[%swap3A_1089, %swap3A_1090] {strides = array<i32>} : memref<8x392xf32, #tpu.memory_space<vmem>>, vector<1x16xf32>,
        %swap3A_1092 = vector.shape_cast %swap3A_1091 : vector<1x16xf32> to vector<16xf32>
        %swap3A_1093 = vector.shape_cast %max3A_1088 : vector<16xf32> to vector<1x16xf32>
        tpu.vector_store %arg9[%swap3A_1089, %swap3A_1090], %swap3A_1093 {strides = array<i32>} : memref<8x392xf32, #tpu.memory_space<vmem>>, vector<1x16xf32>,
        %get3A_1094 = arith.index_cast %squeeze3A_341 : i32 to index
        %get3A_1095 = arith.index_cast %scan3A_422 : i32 to index
        %get3A_1096 = arith.constant 376 : index
        %get3A_1097 = tpu.vector_load %arg7[%get3A_1094, %get3A_1095, %get3A_1096] {strides = array<i32>} : memref<4x8x392xf32, #tpu.memory_space<vmem>>, vector<1x1x16xf32>,
        %get3A_1098 = vector.shape_cast %get3A_1097 : vector<1x1x16xf32> to vector<16xf32>
        %get3A_1099 = arith.index_cast %squeeze3A_348 : i32 to index
        %get3A_1100 = arith.index_cast %scan3A_422 : i32 to index
        %get3A_1101 = arith.constant 376 : index
        %get3A_1102 = tpu.vector_load %arg7[%get3A_1099, %get3A_1100, %get3A_1101] {strides = array<i32>} : memref<4x8x392xf32, #tpu.memory_space<vmem>>, vector<1x1x16xf32>,
        %get3A_1103 = vector.shape_cast %get3A_1102 : vector<1x1x16xf32> to vector<16xf32>
        %max3A_1104 = arith.maximumf %get3A_1098, %get3A_1103 : vector<16xf32>
        %get3A_1105 = arith.index_cast %squeeze3A_355 : i32 to index
        %get3A_1106 = arith.index_cast %scan3A_422 : i32 to index
        %get3A_1107 = arith.constant 376 : index
        %get3A_1108 = tpu.vector_load %arg7[%get3A_1105, %get3A_1106, %get3A_1107] {strides = array<i32>} : memref<4x8x392xf32, #tpu.memory_space<vmem>>, vector<1x1x16xf32>,
        %get3A_1109 = vector.shape_cast %get3A_1108 : vector<1x1x16xf32> to vector<16xf32>
        %max3A_1110 = arith.maximumf %max3A_1104, %get3A_1109 : vector<16xf32>
        %get3A_1111 = arith.index_cast %squeeze3A_362 : i32 to index
        %get3A_1112 = arith.index_cast %scan3A_422 : i32 to index
        %get3A_1113 = arith.constant 376 : index
        %get3A_1114 = tpu.vector_load %arg7[%get3A_1111, %get3A_1112, %get3A_1113] {strides = array<i32>} : memref<4x8x392xf32, #tpu.memory_space<vmem>>, vector<1x1x16xf32>,
        %get3A_1115 = vector.shape_cast %get3A_1114 : vector<1x1x16xf32> to vector<16xf32>
        %max3A_1116 = arith.maximumf %max3A_1110, %get3A_1115 : vector<16xf32>
        %swap3A_1117 = arith.index_cast %scan3A_422 : i32 to index
        %swap3A_1118 = arith.constant 376 : index
        %swap3A_1119 = tpu.vector_load %arg9[%swap3A_1117, %swap3A_1118] {strides = array<i32>} : memref<8x392xf32, #tpu.memory_space<vmem>>, vector<1x16xf32>,
        %swap3A_1120 = vector.shape_cast %swap3A_1119 : vector<1x16xf32> to vector<16xf32>
        %swap3A_1121 = vector.shape_cast %max3A_1116 : vector<16xf32> to vector<1x16xf32>
        tpu.vector_store %arg9[%swap3A_1117, %swap3A_1118], %swap3A_1121 {strides = array<i32>} : memref<8x392xf32, #tpu.memory_space<vmem>>, vector<1x16xf32>,
        %scan3A_1122 = arith.constant 0 : i32
        scf.yield %scan3A_1122 : i32
      }
      %scan3A_369 = arith.constant 8 : i32
      %add3A_370 = arith.constant 1 : i32
      %add3A_371 = arith.addi %mul3A_74, %add3A_370 : i32
      %add3A_372 = arith.addi %mul3A_2, %add3A_371 : i32
      %jit3A_373 = arith.constant 25 : i32
      %div3A_374 = arith.divsi %add3A_372, %jit3A_373 : i32
      %sign3A_375 = arith.constant 0 : i32
      %sign3A_376 = arith.cmpi sgt, %add3A_372, %sign3A_375 : i32
      %sign3A_377 = arith.extui %sign3A_376 : i1 to i32
      %sign3A_378 = arith.constant 0 : i32
      %sign3A_379 = arith.cmpi slt, %add3A_372, %sign3A_378 : i32
      %sign3A_380 = arith.extui %sign3A_379 : i1 to i32
      %sign3A_381 = arith.subi %sign3A_377, %sign3A_380 : i32
      %sign3A_382 = arith.constant 0 : i32
      %sign3A_383 = arith.cmpi sgt, %jit3A_373, %sign3A_382 : i32
      %sign3A_384 = arith.extui %sign3A_383 : i1 to i32
      %sign3A_385 = arith.constant 0 : i32
      %sign3A_386 = arith.cmpi slt, %jit3A_373, %sign3A_385 : i32
      %sign3A_387 = arith.extui %sign3A_386 : i1 to i32
      %sign3A_388 = arith.subi %sign3A_384, %sign3A_387 : i32
      %ne3A_389 = arith.cmpi ne, %sign3A_381, %sign3A_388 : i32
      %rem3A_390 = arith.remsi %add3A_372, %jit3A_373 : i32
      %ne3A_391 = arith.constant 0 : i32
      %ne3A_392 = arith.cmpi ne, %rem3A_390, %ne3A_391 : i32
      %and3A_393 = arith.andi %ne3A_389, %ne3A_392 : i1
      %sub3A_394 = arith.constant 1 : i32
      %sub3A_395 = arith.subi %div3A_374, %sub3A_394 : i32
      %select_n3A_396 = arith.select %and3A_393, %sub3A_395, %div3A_374 : i32
      %jit3A_397 = arith.constant 25 : i32
      %eq3A_398 = arith.constant 0 : i32
      %eq3A_399 = arith.cmpi eq, %jit3A_397, %eq3A_398 : i32
      %jit3A_400 = arith.constant 1 : i32
      %select_n3A_401 = arith.select %eq3A_399, %jit3A_400, %jit3A_397 : i32
      %rem3A_402 = arith.remsi %add3A_372, %select_n3A_401 : i32
      %ne3A_403 = arith.constant 0 : i32
      %ne3A_404 = arith.cmpi ne, %rem3A_402, %ne3A_403 : i32
      %lt3A_405 = arith.constant 0 : i32
      %lt3A_406 = arith.cmpi slt, %rem3A_402, %lt3A_405 : i32
      %lt3A_407 = arith.constant 0 : i32
      %lt3A_408 = arith.cmpi slt, %select_n3A_401, %lt3A_407 : i32
      %ne3A_409 = arith.xori %lt3A_406, %lt3A_408 : i1
      %and3A_410 = arith.andi %ne3A_409, %ne3A_404 : i1
      %add3A_411 = arith.addi %rem3A_402, %select_n3A_401 : i32
      %select_n3A_412 = arith.select %and3A_410, %add3A_411, %rem3A_402 : i32
      %dma_start3A_413 = arith.constant 0 : i32
      %dma_start3A_414 = arith.constant 0 : i32
      %dma_start3A_415 = tpu.memref_slice %arg4[%select_n3A_396, %select_n3A_412, %dma_start3A_413, %dma_start3A_414] : memref<64x25x8x392xf32, #tpu.memory_space<hbm>> -> memref<1x1x8x392xf32, #tpu.memory_space<hbm>>
      %dma_start3A_416 = tpu.memref_squeeze %dma_start3A_415 : memref<1x1x8x392xf32, #tpu.memory_space<hbm>> -> memref<8x392xf32, #tpu.memory_space<hbm>>
      %dma_start3A_417 = arith.constant 0 : i32
      %dma_start3A_418 = arith.constant 0 : i32
      %dma_start3A_419 = tpu.memref_slice %arg4[%select_n3A_396, %select_n3A_412, %dma_start3A_417, %dma_start3A_418] : memref<64x25x8x392xf32, #tpu.memory_space<hbm>> -> memref<1x1x8x392xf32, #tpu.memory_space<hbm>>
      %dma_start3A_420 = tpu.memref_squeeze %dma_start3A_419 : memref<1x1x8x392xf32, #tpu.memory_space<hbm>> -> memref<8x392xf32, #tpu.memory_space<hbm>>
      tpu.enqueue_dma source(%arg9 : memref<8x392xf32, #tpu.memory_space<vmem>>) target(%dma_start3A_420 : memref<8x392xf32, #tpu.memory_space<hbm>>) target_semaphore(%arg13 : memref<!tpu.dma_semaphore, #tpu.memory_space<semaphore_mem>>)
      %scan3A_421 = arith.constant 0 : i32
      scf.yield %scan3A_421 : i32
    }
    %scan3A_51 = arith.constant 25 : i32
    %dma_wait3A = arith.constant 0 : i32
    %dma_wait3A_52 = arith.constant 0 : i32
    %dma_wait3A_53 = arith.constant 0 : i32
    %dma_wait3A_54 = arith.constant 0 : i32
    %dma_wait3A_55 = tpu.memref_slice %arg4[%dma_wait3A, %dma_wait3A_52, %dma_wait3A_53, %dma_wait3A_54] : memref<64x25x8x392xf32, #tpu.memory_space<hbm>> -> memref<1x1x8x392xf32, #tpu.memory_space<hbm>>
    %dma_wait3A_56 = tpu.memref_squeeze %dma_wait3A_55 : memref<1x1x8x392xf32, #tpu.memory_space<hbm>> -> memref<8x392xf32, #tpu.memory_space<hbm>>
    %dma_wait3A_57 = arith.constant 0 : i32
    %dma_wait3A_58 = arith.constant 0 : i32
    %dma_wait3A_59 = tpu.memref_slice %arg4[%dma_wait3A, %dma_wait3A_52, %dma_wait3A_57, %dma_wait3A_58] : memref<64x25x8x392xf32, #tpu.memory_space<hbm>> -> memref<1x1x8x392xf32, #tpu.memory_space<hbm>>
    %dma_wait3A_60 = tpu.memref_squeeze %dma_wait3A_59 : memref<1x1x8x392xf32, #tpu.memory_space<hbm>> -> memref<8x392xf32, #tpu.memory_space<hbm>>
    tpu.wait_dma2 semaphore(%arg12 : memref<!tpu.dma_semaphore, #tpu.memory_space<semaphore_mem>>) src(%arg8 : memref<8x392xf32, #tpu.memory_space<vmem>>) dst(%dma_wait3A_60 : memref<8x392xf32, #tpu.memory_space<hbm>>)
    %dma_wait3A_61 = arith.constant 0 : i32
    %dma_wait3A_62 = arith.constant 0 : i32
    %dma_wait3A_63 = arith.constant 0 : i32
    %dma_wait3A_64 = arith.constant 0 : i32
    %dma_wait3A_65 = tpu.memref_slice %arg4[%dma_wait3A_61, %dma_wait3A_62, %dma_wait3A_63, %dma_wait3A_64] : memref<64x25x8x392xf32, #tpu.memory_space<hbm>> -> memref<1x1x8x392xf32, #tpu.memory_space<hbm>>
    %dma_wait3A_66 = tpu.memref_squeeze %dma_wait3A_65 : memref<1x1x8x392xf32, #tpu.memory_space<hbm>> -> memref<8x392xf32, #tpu.memory_space<hbm>>
    %dma_wait3A_67 = arith.constant 0 : i32
    %dma_wait3A_68 = arith.constant 0 : i32
    %dma_wait3A_69 = tpu.memref_slice %arg4[%dma_wait3A_61, %dma_wait3A_62, %dma_wait3A_67, %dma_wait3A_68] : memref<64x25x8x392xf32, #tpu.memory_space<hbm>> -> memref<1x1x8x392xf32, #tpu.memory_space<hbm>>
    %dma_wait3A_70 = tpu.memref_squeeze %dma_wait3A_69 : memref<1x1x8x392xf32, #tpu.memory_space<hbm>> -> memref<8x392xf32, #tpu.memory_space<hbm>>
    tpu.wait_dma2 semaphore(%arg13 : memref<!tpu.dma_semaphore, #tpu.memory_space<semaphore_mem>>) src(%arg9 : memref<8x392xf32, #tpu.memory_space<vmem>>) dst(%dma_wait3A_70 : memref<8x392xf32, #tpu.memory_space<hbm>>)
    return
  }
}

</mosaic_0001>

<sc_bundles>
// kernel: kernel.3.cloned.1.call-start
scs
__scs_entry_jumppad:
0x0: {  	(pc) =	sbr.rel $0x88, $3  }
0x1: {  	(tag) =	ssettag $0x0;
	lr =	simm.s32 $0x1  }
0x2: {  	[smem:$0x3F9F] =	sst lr;
	_ =	strace $0xD0000000  }
0x3: {  	_ = 	snop  }
0x4: {  	_ = 	snop  }
0x5: {  	_ = 	snop  }
0x6: {  	_ = 	snop  }
0x7: {  	_ = 	snop  }
__scs_overlays_trampoline_lowered:
0x8: {  	[smem:$0x3FAE] =	sst s0  }
0x9: {  	[smem:$0x3FAF] =	sst s1  }
0xa: {  	[smem:$0x3FB0] =	sst s2  }
0xb: {  	[smem:$0x3FB1] =	sst s3  }
0xc: {  	[smem:$0x3FB2] =	sst s4  }
0xd: {  	[smem:$0x3FB3] =	sst s5  }
0xe: {  	[smem:$0x3FB4] =	sst s6  }
0xf: {  	[smem:$0x3FB5] =	sst s7  }
0x10: {  	[smem:$0x3FB6] =	sst s8  }
0x11: {  	[smem:$0x3FB7] =	sst s9;
	s0 =	simm.s32 @!p0 $0x0  }
0x12: {  	s1 =	sld [smem:$0x3F9D];
	s0 =	simm.s32 @p0 $0x1  }
0x13: {  	[smem:$0x3FB8] =	sst s0;
	s0 =	simm.s32 @!p1 $0x0  }
0x14: {  	s2 =	sld [smem:$0x3F9C];
	s0 =	simm.s32 @p1 $0x1  }
0x15: {  	[smem:$0x3FB9] =	sst s0;
	s0 =	simm.s32 @!p2 $0x0  }
0x16: {  	s3 =	sld [smem:$0x3FDB];
	s0 =	simm.s32 @p2 $0x1  }
0x17: {  	s4 =	simm.s32 $0x1BF5;
	[smem:$0x3FBB] =	sst s0  }
0x18: {  	s0 =	sld [smem:$0x3F9E];
	_ =	swait.ge [sflag:s4], $0x0  }
0x19: {  	s7 =	sld [smem:$0x3F9F]  }
0x1a: {  	s8 =	sadd.s32 $0xFFFFE003, lr  }
0x1b: {  	s9 =	sadd.s32 $0xFFFFFEF7, lr;
	s5 =	simm.s32 $0xFFFFFFFF;
	p2 =	slt.u32 s8, $0xFFFFF086  }
0x1c: {  	p1 =	slt.u32 s9, $0xF7A;
	s5 =	simm.s32 @!p2 $0x0  }
0x1d: {  	s5 =	simm.s32 @p1 $0x1;
	p0 =	seq.s32 s7, s2  }
0x1e: {  	s7 =	smul.u32 @!p0 $0xF7A, s2;
	p2 =	seq.s32 @!p0 s5, $0x0  }
0x1f: {  	s9 =	smul.u32 $0xF7A, s1;
	s8 =	simm.s32 @!p0 $0x1BF5;
	p2 =	por !p2, p0  }
0x20: {  	[sflag:s8] =	ssyncset.s32 @!p0 $0xFFFFF086;
	s6 =	sadd.s32 @!p0 s3, s7;
	s7 =	simm.s32 @!p0 $0x108  }
0x21: {  	s3 =	sadd.s32 s3, s9;
	s6 =	sadd.s32 @!p0 $0x88, s6;
	s7 =	simm.s32 @p2 $0x1082  }
0x22: {  	[simem:s7], [sflag:s8] =	dma.local @!p0 [hbm:s6], $0xF7A  }
0x23: {  	s9 =	sor.u32 $0xD0000000, s2;
	s6 =	simm.s32 $0x108;
	_ =	swait.ge @!p0 [sflag:s8], $0x0  }
0x24: {  	s3 =	sadd.s32 $0x88, s3;
	s6 =	simm.s32 @!p1 $0x1082;
	[sflag:s4] =	ssyncset.s32 $0xFFFFF086  }
0x25: {  	[simem:s6], [sflag:s4] =	dma.local [hbm:s3], $0xF7A  }
0x26: {  	[smem:$0x3F9F] =	sst s1;
	(tag) =	ssettag s2;
	_ =	strace s9  }
0x27: {  	s1 =	sld [smem:$0x3FAF]  }
0x28: {  	s2 =	sld [smem:$0x3FB0]  }
0x29: {  	s4 =	sld [smem:$0x3FB2]  }
0x2a: {  	p0 =	seq.s32 s5, $0x0;
	s5 =	sld [smem:$0x3FB3]  }
0x2b: {  	s6 =	sld [smem:$0x3FB4]  }
0x2c: {  	s7 =	sld [smem:$0x3FB5]  }
0x2d: {  	s3 =	simm.s32 $0x108;
	s8 =	sld [smem:$0x3FB6]  }
0x2e: {  	s3 =	simm.s32 @!p0 $0x1082;
	s9 =	sld [smem:$0x3FB7]  }
0x2f: {  	lr =	sadd.s32 s0, s3;
	s0 =	sld [smem:$0x3FAE]  }
0x30: {  	s3 =	sld [smem:$0x3FB1]  }
0x31: {  	[smem:$0x3FBA] =	sst s10  }
0x32: {  	s10 =	sld [smem:$0x3FB8];
	_ =	sdelay $0x3  }
0x33: {  	p0 =	seq.s32 s10, $0x1;
	s10 =	sld [smem:$0x3FBA];
	_ =	sdelay $0x3  }
0x34: {  	[smem:$0x3FBA] =	sst s10  }
0x35: {  	s10 =	sld [smem:$0x3FB9];
	_ =	sdelay $0x3  }
0x36: {  	p1 =	seq.s32 s10, $0x1;
	s10 =	sld [smem:$0x3FBA];
	_ =	sdelay $0x3  }
0x37: {  	[smem:$0x3FBA] =	sst s10  }
0x38: {  	s10 =	sld [smem:$0x3FBB]  }
0x39: {  	_ = 	snop;
	(pc) =	sbr.ind lr, $3  }
0x3a: {  	_ = 	snop  }
0x3b: {  	_ = 	snop  }
0x3c: {  	p2 =	seq.s32 s10, $0x1;
	s10 =	sld [smem:$0x3FBA]  }
0x3d: {  	_ =	shalt  }
0x3e: {  	_ =	shalt  }
0x3f: {  	_ =	shalt  }
0x40: {  	_ =	shalt  }
0x41: {  	_ =	shalt  }
0x42: {  	_ =	shalt  }
0x43: {  	_ =	shalt  }
0x44: {  	_ =	shalt  }
0x45: {  	_ =	shalt  }
0x46: {  	_ =	shalt  }
0x47: {  	_ =	shalt  }
0x48: {  	_ =	shalt  }
0x49: {  	_ =	shalt  }
0x4a: {  	_ =	shalt  }
0x4b: {  	_ =	shalt  }
0x4c: {  	_ =	shalt  }
0x4d: {  	_ =	shalt  }
0x4e: {  	_ =	shalt  }
0x4f: {  	_ =	shalt  }
0x50: {  	_ =	shalt  }
0x51: {  	_ =	shalt  }
0x52: {  	_ =	shalt  }
0x53: {  	_ =	shalt  }
0x54: {  	_ =	shalt  }
0x55: {  	_ =	shalt  }
0x56: {  	_ =	shalt  }
0x57: {  	_ =	shalt  }
0x58: {  	_ =	shalt  }
0x59: {  	_ =	shalt  }
0x5a: {  	_ =	shalt  }
0x5b: {  	_ =	shalt  }
0x5c: {  	_ =	shalt  }
0x5d: {  	_ =	shalt  }
0x5e: {  	_ =	shalt  }
0x5f: {  	_ =	shalt  }
0x60: {  	_ =	shalt  }
0x61: {  	_ =	shalt  }
0x62: {  	_ =	shalt  }
0x63: {  	_ =	shalt  }
0x64: {  	_ =	shalt  }
0x65: {  	_ =	shalt  }
0x66: {  	_ =	shalt  }
0x67: {  	_ =	shalt  }
0x68: {  	_ =	shalt  }
0x69: {  	_ =	shalt  }
0x6a: {  	_ =	shalt  }
0x6b: {  	_ =	shalt  }
0x6c: {  	_ =	shalt  }
0x6d: {  	_ =	shalt  }
0x6e: {  	_ =	shalt  }
0x6f: {  	_ =	shalt  }
0x70: {  	_ =	shalt  }
0x71: {  	_ =	shalt  }
0x72: {  	_ =	shalt  }
0x73: {  	_ =	shalt  }
0x74: {  	_ =	shalt  }
0x75: {  	_ =	shalt  }
0x76: {  	_ =	shalt  }
0x77: {  	_ =	shalt  }
0x78: {  	_ =	shalt  }
0x79: {  	_ =	shalt  }
0x7a: {  	_ =	shalt  }
0x7b: {  	_ =	shalt  }
0x7c: {  	_ =	shalt  }
0x7d: {  	_ =	shalt  }
0x7e: {  	_ =	shalt  }
0x7f: {  	_ =	shalt  }
0x80: {  	_ =	shalt  }
0x81: {  	_ =	shalt  }
0x82: {  	_ =	shalt  }
0x83: {  	_ =	shalt  }
0x84: {  	_ =	shalt  }
0x85: {  	_ =	shalt  }
0x86: {  	_ =	shalt  }
0x87: {  	_ =	shalt  }
.Lfunc_end0:
.L_simem_size_0:
called_computation_lowered:
.L_overlay_start_0:
0x88: {  	s2 =	sld [smem:$0x3FD9]  }
0x89: {  	s3 =	sld [smem:$0x3FFE];
	_ =	sdelay $0x1  }
0x8a: {  	s1 =	srdreg.scid  }
0x8b: {  	s0 =	sand.u32 $0x1, s1  }
0x8c: {  	s17 =	sshll.u32 s0, $0xA;
	s2 =	sadd.s32 s3, s2  }
0x8d: {  	s2 =	sadd.s32 s2, s17  }
0x8e: {  	[smem:$0x3FC6] =	sst s2  }
0x8f: {  	_ = 	snop  }
0x90: {  	s2 =	sld [smem:$0x3FD0];
	(tm) =	ssettm $0x1  }
0x91: {  	s18 =	sld [smem:$0x3FFB];
	_ =	sdelay $0x3  }
0x92: {  	_ =	strace s18  }
0x93: {  	s3 =	sld [smem:$0x3FFC];
	_ =	sdelay $0x3  }
0x94: {  	_ =	strace s3  }
0x95: {  	s3 =	sld [smem:$0x3FFD];
	_ =	sdelay $0x3  }
0x96: {  	_ =	strace s3  }
0x97: {  	_ =	strace $0x8FFFFFFF  }
0x98: {  	s19 =	sld [smem:$0x3FDB];
	_ =	sdelay $0x1  }
0x99: {  	s4 =	simm.s32 $_scs_section_size  }
0x9a: {  	s5 =	simm.s32 $_size__tile_overlayer_lowered;
	s6 =	simm.s32 $_tile_overlayer_lowered  }
0x9b: {  	s22 =	simm.s32 $0x1BFF;
	s21 =	sshll.u32 s6, $0x1;
	s3 =	sadd.s32 s4, s19  }
0x9c: {  	s7 =	simm.s32 $0x0;
	s20 =	sshll.u32 s5, $0x1;
	s5 =	sadd.s32 s21, s3  }
0x9d: {  	[timem:s7], [sflag:s22] =	dma.local [hbm:s5], s20  }
0x9e: {  	_ =	swait.ge [sflag:s22], s20  }
0x9f: {  	s4 =	ssub.s32 $0x0, s20;
	[sflag:s22] =	ssyncset.done $0x0  }
0xa0: {  	[sflag:s22] =	ssyncadd.s32 s4;
	_ =	sdelay $0x1  }
0xa1: {  	s23 =	simm.s32 $0x1B8B  }
0xa2: {  	_ =	swait.ge [sflag:s23], $0x1  }
0xa3: {  	[sflag:s23] =	ssyncset.done $0x0  }
0xa4: {  	s25 =	simm.s32 $0x1B8E;
	s24 =	sld [smem:$0x3FFE];
	[sflag:s23] =	ssyncadd.s32 $0xFFFFFFFF  }
0xa5: {  	s26 =	simm.s32 $execute0_lowered;
	[smem:$0x3FD2] =	sst s25  }
0xa6: {  	s5 =	sshll.u32 s26, $0x1;
	_ =	strace $0x80000046;
	[dreg:$0x1] =	wrdreg $0xFFFFFFFF  }
0xa7: {  	s28 =	simm.s32 $_size_execute0_lowered;
	s3 =	sadd.s32 s3, s5;
	[dreg:$0x0] =	wrdreg $0x0  }
0xa8: {  	s5 =	sshll.u32 s28, $0x1;
	[dreg:$0x2] =	wrdreg s3  }
0xa9: {  	[dreg:$0x3] =	wrdreg s5  }
0xaa: {  	[dreg:$0x4] =	wrdreg $0xC0  }
0xab: {  	_ =	task [dreg:s7], $0x5FFFF  }
0xac: {  	[dreg:$0x1] =	wrdreg $0xFFFFFFFF  }
0xad: {  	[dreg:$0x0] =	wrdreg $0x60  }
0xae: {  	[dreg:$0x2] =	wrdreg s24  }
0xaf: {  	[dreg:$0x3] =	wrdreg s2  }
0xb0: {  	[dreg:$0x4] =	wrdreg $0x9  }
0xb1: {  	_ =	task.clear_ibuf [dreg:s7], $0x5FFFF;
	_ =	strace $0x90000046  }
0xb2: {  	s29 =	simm.s32 $0x9;
	_ =	strace $0x80000048  }
0xb3: {  	_ =	swait.ge [sflag:s29], $0x1  }
0xb4: {  	[sflag:s29] =	ssyncadd.s32 $0xFFFFFFFF  }
0xb5: {  	_ =	strace $0x90000048  }
0xb6: {  	_ =	sfence  }
0xb7: {  	s30 =	sld [smem:$0x0];
	_ =	sdelay $0x2  }
0xb8: {  	s31 =	sshll.u32 s1, $0xD;
	s1 =	sshrl.u32 s1, $0x2  }
0xb9: {  	s3 =	sand.u32 $0x4000, s31;
	s1 =	sadd.s32 s1, s30  }
0xba: {  	s0 =	sor.u32 s3, s0;
	s1 =	sshll.u32 s1, $0x11  }
0xbb: {  	s0 =	sor.u32 s1, s0  }
0xbc: {  	s0 =	sadd.s32 $0x8F2B, s0  }
0xbd: {  	[sflag:s0] =	ssyncadd.remote.s32 $0x1  }
0xbe: {  	_ =	sfence.sel $0xFFFF  }
0xbf: {  	[dreg:$0x0] =	wrdreg $0xFFFFFFFF;
	(pc) =	sbr.abs _section_cstart, $3  }
0xc0: {  	[dreg:$0x1] =	wrdreg $0xFFFFFFFF  }
0xc1: {  	_ =	task.clear_ibuf [dreg:s7], $0x2FFFF;
	_ =	strace $0x9FFFFFFF  }
0xc2: {  	(tm) =	ssettm $0x7FFFFFFF  }
0xc3: {  	_ =	shalt  }
tec
execute0_lowered:
.L_overlay_start_1:
0x0: {  	(tag) =	ssettag $0x1  }
0x1: {  	s6 =	rddreg [dreg:$0x0]  }
0x2: {  	s2 =	rddreg [dreg:$0x1]  }
0x3: {  	s0 =	rddreg [dreg:$0x2]  }
0x4: {  	s3 =	simm.s32 $0x0;
	s4 =	srdreg.scid;
	s1 =	stileid.u32  }
0x5: {  	s10 =	simm.s32 $0x5;
	s11 =	simm.s32 $0x100;
	s12 =	simm.s32 $0x4100  }
0x6: {  	s13 =	simm.s32 $0x1;
	s14 =	simm.s32 $0x8100;
	s15 =	simm.s32 $0x2  }
0x7: {  	s16 =	simm.s32 $0x4;
	s17 =	simm.s32 $0x9100;
	s18 =	simm.s32 $0x3  }
0x8: {  	s19 =	simm.s32 $0x0;
	s4 =	sand.u32 $0x1, s4;
	s5 =	sshll.u32 s1, $0x1  }
0x9: {  	[smem:$0x7FF] =	sst s3;
	s7 =	ssub.s32 $0x2, s4;
	s8 =	sor.u32 s4, s5  }
0xa: {  	_ =	strace $0x80000047;
	s9 =	sshrl.u32 s7, $0x1;
	s5 =	smul.u32 $0x32, s8  }
0xb: {  	s4 =	sadd.s32 $0x400, s6;
	s6 =	sadd.s32 $0x300400, s6;
	s9 =	ssub.s32 s7, s9  }
0xc: {  	s7 =	smul.u32 $0xC0000, s8;
	s8 =	sadd.s32 $0x2, s5;
	s9 =	smax.u32 s9, $0x1  }
.LBB2_1:
0xd: {  	[tilespmem:s3], [sflag:$0x5] =	stream.linear.gather [hbm4b:s2+s3], $0x100, $0x38;
	[tilespmem:$0xA100] =	vst v63  }
0xe: {  	_ =	swait.ge [sflag:s10], $0x100  }
0xf: {  	[sflag:s10] =	ssyncset.done $0x0  }
0x10: {  	[sflag:s10] =	ssyncadd.s32 $0xFFFFFF00  }
0x11: {  	v0 =	vld [tilespmem:$0x0];
	_ =	sdelay $0x4  }
0x12: {  	(v2sf) =	vpush v0, $0x0;
	_ =	sdelay $0xe  }
0x13: {  	s20 =	spop (v2sf)  }
0x14: {  	s20 =	sshll.u32 s20, $0xC  }
0x15: {  	s20 =	sadd.s32 s7, s20  }
0x16: {  	s20 =	sshrl.u32 s20, $0x3  }
0x17: {  	s20 =	sadd.s32 s4, s20  }
0x18: {  	[tilespmem:s11], [sflag:$0x1] =	stream.linear.gather [hbm4b:s20+s3], $0x4000, $0x38;
	[tilespmem:$0xA100] =	vst v63  }
0x19: {  	s20 =	simm.s32 $0x0  }
.LBB2_2:
0x1a: {  	s23 =	sshll.u32 s20, $0x1  }
0x1b: {  	s21 =	sadd.s32 s23, s5  }
0x1c: {  	s21 =	sadd.s32 $0x1, s21  }
0x1d: {  	s22 =	smulhi.u32 $0x51EB851F, s21;
	_ =	sdelay $0x1  }
0x1e: {  	s22 =	sshrl.u32 s22, $0x3  }
0x1f: {  	s24 =	smul.u32 $0x19, s22;
	_ =	sdelay $0x1  }
0x20: {  	s21 =	ssub.s32 s21, s24  }
0x21: {  	v0 =	vld [tilespmem:s21+$0x0];
	_ =	sdelay $0x4  }
0x22: {  	(v2sf) =	vpush v0, $0x0;
	_ =	sdelay $0xe  }
0x23: {  	s26 =	smul.u32 $0x60000, s22;
	s25 =	spop (v2sf)  }
0x24: {  	s25 =	sshll.u32 s25, $0xC  }
0x25: {  	s24 =	sadd.s32 s26, s25  }
0x26: {  	s24 =	sshrl.u32 s24, $0x3  }
0x27: {  	s29 =	sadd.s32 s5, s23;
	s24 =	sadd.s32 s4, s24  }
0x28: {  	[tilespmem:s12], [sflag:$0x2] =	stream.linear.gather [hbm4b:s24+s3], $0x4000, $0x38;
	[tilespmem:$0xA100] =	vst v63  }
0x29: {  	s30 =	smulhi.u32 $0x51EB851F, s29;
	_ =	swait.ge [sflag:s13], $0x4000  }
0x2a: {  	p0 =	seq.s32 s20, $0x0;
	[sflag:s13] =	ssyncset.done $0x0  }
0x2b: {  	s26 =	simm.s32 @!p0 $0x3;
	s24 =	sshrl.u32 s30, $0x3;
	[sflag:s13] =	ssyncadd.s32 $0xFFFFC000  }
0x2c: {  	s28 =	smul.u32 $0x19, s24;
	_ =	swait.ge @!p0 [sflag:s26], $0x1000  }
0x2d: {  	[sflag:s26] =	ssyncset.done @!p0 $0x0  }
0x2e: {  	s25 =	ssub.s32 s29, s28;
	[sflag:s26] =	ssyncadd.s32 @!p0 $0xFFFFF000  }
0x2f: {  	s31 =	sor.u32 $0x60, s25;
	v0 =	vld [tilespmem:s25+$0x30]  }
0x30: {  	v1 =	vld [tilespmem:s31+$0x0]  }
0x31: {  	s29 =	sor.u32 $0xC0, s25;
	v2 =	vld [tilespmem:s25+$0x90]  }
0x32: {  	v3 =	vld [tilespmem:s29+$0x0];
	_ =	sdelay $0x1  }
0x33: {  	(v2sf) =	vpush v0, $0x0  }
0x34: {  	(v2sf) =	vpush v1, $0x0  }
0x35: {  	(v2sf) =	vpush v2, $0x0  }
0x36: {  	(v2sf) =	vpush v3, $0x0;
	_ =	sdelay $0xb  }
0x37: {  	s30 =	spop (v2sf)  }
0x38: {  	s28 =	spop (v2sf)  }
0x39: {  	s26 =	sshll.u32 s30, $0xE;
	s29 =	spop (v2sf)  }
0x3a: {  	s28 =	sshll.u32 s28, $0xE;
	s26 =	sshra.s32 s26, $0x2;
	s30 =	spop (v2sf)  }
0x3b: {  	s29 =	sshll.u32 s29, $0xE;
	s26 =	sor.u32 $0xD00, s26;
	s28 =	sshra.s32 s28, $0x2  }
0x3c: {  	s30 =	sshll.u32 s30, $0xE;
	s28 =	sor.u32 $0xD00, s28;
	s29 =	sshra.s32 s29, $0x2;
	v0 =	vmov s26  }
0x3d: {  	s26 =	sor.u32 $0xD00, s29;
	s31 =	sshra.s32 s30, $0x2;
	v3 =	vmov s28  }
0x3e: {  	s28 =	sor.u32 $0x900, s31;
	v1 =	vmov s26  }
0x3f: {  	v2 =	vmov s28  }
0x40: {  	s26 =	simm.s32 $0x0  }
0x41: {  	v4 =	vld.idx.msk [tilespmem:v0+s26+$0xFFFFF400 ss:$0x1], $0xffff  }
0x42: {  	v5 =	vld.idx.msk [tilespmem:v3+s26+$0xFFFFF400 ss:$0x1], $0xffff  }
0x43: {  	v6 =	vld.idx.msk [tilespmem:v1+s26+$0xFFFFF400 ss:$0x1], $0xffff  }
0x44: {  	v7 =	vld.idx.msk [tilespmem:v2+s26+$0xFFFFF800 ss:$0x1], $0xffff;
	_ =	sdelay $0x2  }
0x45: {  	v4 =	vmax.f32 v4, v5  }
0x46: {  	v4 =	vmax.f32 v4, v6  }
0x47: {  	v4 =	vmax.f32 v4, v7  }
0x48: {  	[tilespmem:s26+$0x8100] =	vst v4  }
0x49: {  	v4 =	vld.idx.msk [tilespmem:v0+s26+$0xFFFFF410 ss:$0x1], $0xffff  }
0x4a: {  	v5 =	vld.idx.msk [tilespmem:v3+s26+$0xFFFFF410 ss:$0x1], $0xffff  }
0x4b: {  	v6 =	vld.idx.msk [tilespmem:v1+s26+$0xFFFFF410 ss:$0x1], $0xffff  }
0x4c: {  	v7 =	vld.idx.msk [tilespmem:v2+s26+$0xFFFFF810 ss:$0x1], $0xffff;
	_ =	sdelay $0x2  }
0x4d: {  	v4 =	vmax.f32 v4, v5  }
0x4e: {  	v4 =	vmax.f32 v4, v6  }
0x4f: {  	v4 =	vmax.f32 v4, v7  }
0x50: {  	[tilespmem:s26+$0x8110] =	vst v4  }
0x51: {  	v4 =	vld.idx.msk [tilespmem:v0+s26+$0xFFFFF420 ss:$0x1], $0xffff  }
0x52: {  	v5 =	vld.idx.msk [tilespmem:v3+s26+$0xFFFFF420 ss:$0x1], $0xffff  }
0x53: {  	v6 =	vld.idx.msk [tilespmem:v1+s26+$0xFFFFF420 ss:$0x1], $0xffff  }
0x54: {  	v7 =	vld.idx.msk [tilespmem:v2+s26+$0xFFFFF820 ss:$0x1], $0xffff;
	_ =	sdelay $0x2  }
0x55: {  	v4 =	vmax.f32 v4, v5  }
0x56: {  	v4 =	vmax.f32 v4, v6  }
0x57: {  	v4 =	vmax.f32 v4, v7  }
0x58: {  	[tilespmem:s26+$0x8120] =	vst v4  }
0x59: {  	v4 =	vld.idx.msk [tilespmem:v0+s26+$0xFFFFF430 ss:$0x1], $0xffff  }
0x5a: {  	v5 =	vld.idx.msk [tilespmem:v3+s26+$0xFFFFF430 ss:$0x1], $0xffff  }
0x5b: {  	v6 =	vld.idx.msk [tilespmem:v1+s26+$0xFFFFF430 ss:$0x1], $0xffff  }
0x5c: {  	v7 =	vld.idx.msk [tilespmem:v2+s26+$0xFFFFF830 ss:$0x1], $0xffff;
	_ =	sdelay $0x2  }
0x5d: {  	v4 =	vmax.f32 v4, v5  }
0x5e: {  	v4 =	vmax.f32 v4, v6  }
0x5f: {  	v4 =	vmax.f32 v4, v7  }
0x60: {  	[tilespmem:s26+$0x8130] =	vst v4  }
0x61: {  	v4 =	vld.idx.msk [tilespmem:v0+s26+$0xFFFFF440 ss:$0x1], $0xffff  }
0x62: {  	v5 =	vld.idx.msk [tilespmem:v3+s26+$0xFFFFF440 ss:$0x1], $0xffff  }
0x63: {  	v6 =	vld.idx.msk [tilespmem:v1+s26+$0xFFFFF440 ss:$0x1], $0xffff  }
0x64: {  	v7 =	vld.idx.msk [tilespmem:v2+s26+$0xFFFFF840 ss:$0x1], $0xffff;
	_ =	sdelay $0x2  }
0x65: {  	v4 =	vmax.f32 v4, v5  }
0x66: {  	v4 =	vmax.f32 v4, v6  }
0x67: {  	v4 =	vmax.f32 v4, v7  }
0x68: {  	[tilespmem:s26+$0x8140] =	vst v4  }
0x69: {  	v4 =	vld.idx.msk [tilespmem:v0+s26+$0xFFFFF450 ss:$0x1], $0xffff  }
0x6a: {  	v5 =	vld.idx.msk [tilespmem:v3+s26+$0xFFFFF450 ss:$0x1], $0xffff  }
0x6b: {  	v6 =	vld.idx.msk [tilespmem:v1+s26+$0xFFFFF450 ss:$0x1], $0xffff  }
0x6c: {  	v7 =	vld.idx.msk [tilespmem:v2+s26+$0xFFFFF850 ss:$0x1], $0xffff;
	_ =	sdelay $0x2  }
0x6d: {  	v4 =	vmax.f32 v4, v5  }
0x6e: {  	v4 =	vmax.f32 v4, v6  }
0x6f: {  	v4 =	vmax.f32 v4, v7  }
0x70: {  	[tilespmem:s26+$0x8150] =	vst v4  }
0x71: {  	v4 =	vld.idx.msk [tilespmem:v0+s26+$0xFFFFF460 ss:$0x1], $0xffff  }
0x72: {  	v5 =	vld.idx.msk [tilespmem:v3+s26+$0xFFFFF460 ss:$0x1], $0xffff  }
0x73: {  	v6 =	vld.idx.msk [tilespmem:v1+s26+$0xFFFFF460 ss:$0x1], $0xffff  }
0x74: {  	v7 =	vld.idx.msk [tilespmem:v2+s26+$0xFFFFF860 ss:$0x1], $0xffff;
	_ =	sdelay $0x2  }
0x75: {  	v4 =	vmax.f32 v4, v5  }
0x76: {  	v4 =	vmax.f32 v4, v6  }
0x77: {  	v4 =	vmax.f32 v4, v7  }
0x78: {  	[tilespmem:s26+$0x8160] =	vst v4  }
0x79: {  	v4 =	vld.idx.msk [tilespmem:v0+s26+$0xFFFFF470 ss:$0x1], $0xffff  }
0x7a: {  	v5 =	vld.idx.msk [tilespmem:v3+s26+$0xFFFFF470 ss:$0x1], $0xffff  }
0x7b: {  	v6 =	vld.idx.msk [tilespmem:v1+s26+$0xFFFFF470 ss:$0x1], $0xffff  }
0x7c: {  	v7 =	vld.idx.msk [tilespmem:v2+s26+$0xFFFFF870 ss:$0x1], $0xffff;
	_ =	sdelay $0x2  }
0x7d: {  	v4 =	vmax.f32 v4, v5  }
0x7e: {  	v4 =	vmax.f32 v4, v6  }
0x7f: {  	v4 =	vmax.f32 v4, v7  }
0x80: {  	[tilespmem:s26+$0x8170] =	vst v4  }
0x81: {  	v4 =	vld.idx.msk [tilespmem:v0+s26+$0xFFFFF800 ss:$0x1], $0xffff  }
0x82: {  	v5 =	vld.idx.msk [tilespmem:v3+s26+$0xFFFFF800 ss:$0x1], $0xffff  }
0x83: {  	v6 =	vld.idx.msk [tilespmem:v1+s26+$0xFFFFF800 ss:$0x1], $0xffff  }
0x84: {  	v7 =	vld.idx.msk [tilespmem:v2+s26+$0xFFFFFC00 ss:$0x1], $0xffff;
	_ =	sdelay $0x2  }
0x85: {  	v4 =	vmax.f32 v4, v5  }
0x86: {  	v4 =	vmax.f32 v4, v6  }
0x87: {  	v4 =	vmax.f32 v4, v7  }
0x88: {  	[tilespmem:s26+$0x8500] =	vst v4  }
0x89: {  	v4 =	vld.idx.msk [tilespmem:v0+s26+$0xFFFFF810 ss:$0x1], $0xffff  }
0x8a: {  	v5 =	vld.idx.msk [tilespmem:v3+s26+$0xFFFFF810 ss:$0x1], $0xffff  }
0x8b: {  	v6 =	vld.idx.msk [tilespmem:v1+s26+$0xFFFFF810 ss:$0x1], $0xffff  }
0x8c: {  	v7 =	vld.idx.msk [tilespmem:v2+s26+$0xFFFFFC10 ss:$0x1], $0xffff;
	_ =	sdelay $0x2  }
0x8d: {  	v4 =	vmax.f32 v4, v5  }
0x8e: {  	v4 =	vmax.f32 v4, v6  }
0x8f: {  	v4 =	vmax.f32 v4, v7  }
0x90: {  	[tilespmem:s26+$0x8510] =	vst v4  }
0x91: {  	v4 =	vld.idx.msk [tilespmem:v0+s26+$0xFFFFF820 ss:$0x1], $0xffff  }
0x92: {  	v5 =	vld.idx.msk [tilespmem:v3+s26+$0xFFFFF820 ss:$0x1], $0xffff  }
0x93: {  	v6 =	vld.idx.msk [tilespmem:v1+s26+$0xFFFFF820 ss:$0x1], $0xffff  }
0x94: {  	v7 =	vld.idx.msk [tilespmem:v2+s26+$0xFFFFFC20 ss:$0x1], $0xffff;
	_ =	sdelay $0x2  }
0x95: {  	v4 =	vmax.f32 v4, v5  }
0x96: {  	v4 =	vmax.f32 v4, v6  }
0x97: {  	v4 =	vmax.f32 v4, v7  }
0x98: {  	[tilespmem:s26+$0x8520] =	vst v4  }
0x99: {  	v4 =	vld.idx.msk [tilespmem:v0+s26+$0xFFFFF830 ss:$0x1], $0xffff  }
0x9a: {  	v5 =	vld.idx.msk [tilespmem:v3+s26+$0xFFFFF830 ss:$0x1], $0xffff  }
0x9b: {  	v6 =	vld.idx.msk [tilespmem:v1+s26+$0xFFFFF830 ss:$0x1], $0xffff  }
0x9c: {  	v7 =	vld.idx.msk [tilespmem:v2+s26+$0xFFFFFC30 ss:$0x1], $0xffff;
	_ =	sdelay $0x2  }
0x9d: {  	v4 =	vmax.f32 v4, v5  }
0x9e: {  	v4 =	vmax.f32 v4, v6  }
0x9f: {  	v4 =	vmax.f32 v4, v7  }
0xa0: {  	[tilespmem:s26+$0x8530] =	vst v4  }
0xa1: {  	v4 =	vld.idx.msk [tilespmem:v0+s26+$0xFFFFF840 ss:$0x1], $0xffff  }
0xa2: {  	v5 =	vld.idx.msk [tilespmem:v3+s26+$0xFFFFF840 ss:$0x1], $0xffff  }
0xa3: {  	v6 =	vld.idx.msk [tilespmem:v1+s26+$0xFFFFF840 ss:$0x1], $0xffff  }
0xa4: {  	v7 =	vld.idx.msk [tilespmem:v2+s26+$0xFFFFFC40 ss:$0x1], $0xffff;
	_ =	sdelay $0x2  }
0xa5: {  	v4 =	vmax.f32 v4, v5  }
0xa6: {  	v4 =	vmax.f32 v4, v6  }
0xa7: {  	v4 =	vmax.f32 v4, v7  }
0xa8: {  	[tilespmem:s26+$0x8540] =	vst v4  }
0xa9: {  	v4 =	vld.idx.msk [tilespmem:v0+s26+$0xFFFFF850 ss:$0x1], $0xffff  }
0xaa: {  	v5 =	vld.idx.msk [tilespmem:v3+s26+$0xFFFFF850 ss:$0x1], $0xffff  }
0xab: {  	v6 =	vld.idx.msk [tilespmem:v1+s26+$0xFFFFF850 ss:$0x1], $0xffff  }
0xac: {  	v7 =	vld.idx.msk [tilespmem:v2+s26+$0xFFFFFC50 ss:$0x1], $0xffff;
	_ =	sdelay $0x2  }
0xad: {  	v4 =	vmax.f32 v4, v5  }
0xae: {  	v4 =	vmax.f32 v4, v6  }
0xaf: {  	v4 =	vmax.f32 v4, v7  }
0xb0: {  	[tilespmem:s26+$0x8550] =	vst v4  }
0xb1: {  	v4 =	vld.idx.msk [tilespmem:v0+s26+$0xFFFFF860 ss:$0x1], $0xffff  }
0xb2: {  	v5 =	vld.idx.msk [tilespmem:v3+s26+$0xFFFFF860 ss:$0x1], $0xffff  }
0xb3: {  	v6 =	vld.idx.msk [tilespmem:v1+s26+$0xFFFFF860 ss:$0x1], $0xffff  }
0xb4: {  	v7 =	vld.idx.msk [tilespmem:v2+s26+$0xFFFFFC60 ss:$0x1], $0xffff;
	_ =	sdelay $0x2  }
0xb5: {  	v4 =	vmax.f32 v4, v5  }
0xb6: {  	v4 =	vmax.f32 v4, v6  }
0xb7: {  	v4 =	vmax.f32 v4, v7  }
0xb8: {  	[tilespmem:s26+$0x8560] =	vst v4  }
0xb9: {  	v4 =	vld.idx.msk [tilespmem:v0+s26+$0xFFFFF870 ss:$0x1], $0xffff  }
0xba: {  	v5 =	vld.idx.msk [tilespmem:v3+s26+$0xFFFFF870 ss:$0x1], $0xffff  }
0xbb: {  	v6 =	vld.idx.msk [tilespmem:v1+s26+$0xFFFFF870 ss:$0x1], $0xffff  }
0xbc: {  	v7 =	vld.idx.msk [tilespmem:v2+s26+$0xFFFFFC70 ss:$0x1], $0xffff;
	_ =	sdelay $0x2  }
0xbd: {  	v4 =	vmax.f32 v4, v5  }
0xbe: {  	v4 =	vmax.f32 v4, v6  }
0xbf: {  	v4 =	vmax.f32 v4, v7  }
0xc0: {  	[tilespmem:s26+$0x8570] =	vst v4  }
0xc1: {  	v4 =	vld.idx.msk [tilespmem:v0+s26+$0xFFFFFC00 ss:$0x1], $0xffff  }
0xc2: {  	v5 =	vld.idx.msk [tilespmem:v3+s26+$0xFFFFFC00 ss:$0x1], $0xffff  }
0xc3: {  	v6 =	vld.idx.msk [tilespmem:v1+s26+$0xFFFFFC00 ss:$0x1], $0xffff  }
0xc4: {  	v7 =	vld.idx.msk [tilespmem:v2+s26+$0x0 ss:$0x1], $0xffff;
	_ =	sdelay $0x2  }
0xc5: {  	v4 =	vmax.f32 v4, v5  }
0xc6: {  	v4 =	vmax.f32 v4, v6  }
0xc7: {  	v4 =	vmax.f32 v4, v7  }
0xc8: {  	[tilespmem:s26+$0x8900] =	vst v4  }
0xc9: {  	v4 =	vld.idx.msk [tilespmem:v0+s26+$0xFFFFFC10 ss:$0x1], $0xffff  }
0xca: {  	v5 =	vld.idx.msk [tilespmem:v3+s26+$0xFFFFFC10 ss:$0x1], $0xffff  }
0xcb: {  	v6 =	vld.idx.msk [tilespmem:v1+s26+$0xFFFFFC10 ss:$0x1], $0xffff  }
0xcc: {  	v7 =	vld.idx.msk [tilespmem:v2+s26+$0x10 ss:$0x1], $0xffff;
	_ =	sdelay $0x2  }
0xcd: {  	v4 =	vmax.f32 v4, v5  }
0xce: {  	v4 =	vmax.f32 v4, v6  }
0xcf: {  	v4 =	vmax.f32 v4, v7  }
0xd0: {  	[tilespmem:s26+$0x8910] =	vst v4  }
0xd1: {  	v4 =	vld.idx.msk [tilespmem:v0+s26+$0xFFFFFC20 ss:$0x1], $0xffff  }
0xd2: {  	v5 =	vld.idx.msk [tilespmem:v3+s26+$0xFFFFFC20 ss:$0x1], $0xffff  }
0xd3: {  	v6 =	vld.idx.msk [tilespmem:v1+s26+$0xFFFFFC20 ss:$0x1], $0xffff  }
0xd4: {  	v7 =	vld.idx.msk [tilespmem:v2+s26+$0x20 ss:$0x1], $0xffff;
	_ =	sdelay $0x2  }
0xd5: {  	v4 =	vmax.f32 v4, v5  }
0xd6: {  	v4 =	vmax.f32 v4, v6  }
0xd7: {  	v4 =	vmax.f32 v4, v7  }
0xd8: {  	[tilespmem:s26+$0x8920] =	vst v4  }
0xd9: {  	v4 =	vld.idx.msk [tilespmem:v0+s26+$0xFFFFFC30 ss:$0x1], $0xffff  }
0xda: {  	v5 =	vld.idx.msk [tilespmem:v3+s26+$0xFFFFFC30 ss:$0x1], $0xffff  }
0xdb: {  	v6 =	vld.idx.msk [tilespmem:v1+s26+$0xFFFFFC30 ss:$0x1], $0xffff  }
0xdc: {  	v7 =	vld.idx.msk [tilespmem:v2+s26+$0x30 ss:$0x1], $0xffff;
	_ =	sdelay $0x2  }
0xdd: {  	v4 =	vmax.f32 v4, v5  }
0xde: {  	v4 =	vmax.f32 v4, v6  }
0xdf: {  	v4 =	vmax.f32 v4, v7  }
0xe0: {  	[tilespmem:s26+$0x8930] =	vst v4  }
0xe1: {  	v4 =	vld.idx.msk [tilespmem:v0+s26+$0xFFFFFC40 ss:$0x1], $0xffff  }
0xe2: {  	v5 =	vld.idx.msk [tilespmem:v3+s26+$0xFFFFFC40 ss:$0x1], $0xffff  }
0xe3: {  	v6 =	vld.idx.msk [tilespmem:v1+s26+$0xFFFFFC40 ss:$0x1], $0xffff  }
0xe4: {  	v7 =	vld.idx.msk [tilespmem:v2+s26+$0x40 ss:$0x1], $0xffff;
	_ =	sdelay $0x2  }
0xe5: {  	v4 =	vmax.f32 v4, v5  }
0xe6: {  	v4 =	vmax.f32 v4, v6  }
0xe7: {  	v4 =	vmax.f32 v4, v7  }
0xe8: {  	[tilespmem:s26+$0x8940] =	vst v4  }
0xe9: {  	v4 =	vld.idx.msk [tilespmem:v0+s26+$0xFFFFFC50 ss:$0x1], $0xffff  }
0xea: {  	v5 =	vld.idx.msk [tilespmem:v3+s26+$0xFFFFFC50 ss:$0x1], $0xffff  }
0xeb: {  	v6 =	vld.idx.msk [tilespmem:v1+s26+$0xFFFFFC50 ss:$0x1], $0xffff  }
0xec: {  	v7 =	vld.idx.msk [tilespmem:v2+s26+$0x50 ss:$0x1], $0xffff;
	_ =	sdelay $0x2  }
0xed: {  	v4 =	vmax.f32 v4, v5  }
0xee: {  	v4 =	vmax.f32 v4, v6  }
0xef: {  	v4 =	vmax.f32 v4, v7  }
0xf0: {  	[tilespmem:s26+$0x8950] =	vst v4  }
0xf1: {  	v4 =	vld.idx.msk [tilespmem:v0+s26+$0xFFFFFC60 ss:$0x1], $0xffff  }
0xf2: {  	v5 =	vld.idx.msk [tilespmem:v3+s26+$0xFFFFFC60 ss:$0x1], $0xffff  }
0xf3: {  	v6 =	vld.idx.msk [tilespmem:v1+s26+$0xFFFFFC60 ss:$0x1], $0xffff  }
0xf4: {  	s28 =	simm.s32 $0x200;
	v7 =	vld.idx.msk [tilespmem:v2+s26+$0x60 ss:$0x1], $0xffff  }
.LBB2_3:
0xf5: {  	_ = 	snop  }
0xf6: {  	p1 =	sne.s32 s28, $0xE00;
	s29 =	smov.u32 s28;
	s28 =	sadd.s32 $0x200, s28  }
0xf7: {  	v4 =	vmax.f32 v4, v5  }
0xf8: {  	v4 =	vmax.f32 v4, v6  }
0xf9: {  	v4 =	vmax.f32 v4, v7  }
0xfa: {  	[tilespmem:s26+$0x8960] =	vst v4  }
0xfb: {  	v4 =	vld.idx.msk [tilespmem:v0+s26+$0xFFFFFC70 ss:$0x1], $0xffff  }
0xfc: {  	v5 =	vld.idx.msk [tilespmem:v3+s26+$0xFFFFFC70 ss:$0x1], $0xffff  }
0xfd: {  	v6 =	vld.idx.msk [tilespmem:v1+s26+$0xFFFFFC70 ss:$0x1], $0xffff  }
0xfe: {  	v7 =	vld.idx.msk [tilespmem:v2+s26+$0x70 ss:$0x1], $0xffff;
	_ =	sdelay $0x3  }
0xff: {  	v4 =	vmax.f32 v4, v5  }
0x100: {  	v4 =	vmax.f32 v4, v6  }
0x101: {  	v4 =	vmax.f32 v4, v7  }
0x102: {  	[tilespmem:s26+$0x8970] =	vst v4  }
0x103: {  	v4 =	vld.idx.msk [tilespmem:v2+s26+$0x400 ss:$0x1], $0xff  }
0x104: {  	v5 =	vld.idx.msk [tilespmem:v1+s26+$0x0 ss:$0x1], $0xff  }
0x105: {  	v6 =	vld.idx.msk [tilespmem:v3+s26+$0x0 ss:$0x1], $0xff  }
0x106: {  	v7 =	vld.idx.msk [tilespmem:v3+s26+$0xFFFFFC70 ss:$0x1], $0xffff  }
0x107: {  	v8 =	vld.idx.msk [tilespmem:v0+s26+$0x0 ss:$0x1], $0xff  }
0x108: {  	v9 =	vld.idx.msk [tilespmem:v0+s26+$0xFFFFFC70 ss:$0x1], $0xffff  }
0x109: {  	v10 =	vld.idx.msk [tilespmem:v1+s26+$0xFFFFFC70 ss:$0x1], $0xffff  }
0x10a: {  	v11 =	vld.idx.msk [tilespmem:v2+s26+$0x70 ss:$0x1], $0xffff;
	_ =	sdelay $0x2  }
0x10b: {  	v6 =	vmax.f32 v8, v6  }
0x10c: {  	v7 =	vmax.f32 v9, v7;
	v5 =	vmax.f32 v6, v5  }
0x10d: {  	v6 =	vmax.f32 v7, v10;
	v4 =	vmax.f32 v5, v4  }
0x10e: {  	s29 =	sshra.s32 s29, $0x2;
	v5 =	vmax.f32 v6, v11;
	[tilespmem:s26+$0x8D00] =	vst.msk $0xff, v4  }
0x10f: {  	[tilespmem:s26+$0x8970] =	vst v5;
	s26 =	smov.u32 s29  }
0x110: {  	v4 =	vld.idx.msk [tilespmem:v0+s26+$0xFFFFF400 ss:$0x1], $0xffff  }
0x111: {  	v5 =	vld.idx.msk [tilespmem:v3+s26+$0xFFFFF400 ss:$0x1], $0xffff  }
0x112: {  	v6 =	vld.idx.msk [tilespmem:v1+s26+$0xFFFFF400 ss:$0x1], $0xffff  }
0x113: {  	v7 =	vld.idx.msk [tilespmem:v2+s26+$0xFFFFF800 ss:$0x1], $0xffff;
	_ =	sdelay $0x3  }
0x114: {  	v4 =	vmax.f32 v4, v5  }
0x115: {  	v4 =	vmax.f32 v4, v6  }
0x116: {  	v4 =	vmax.f32 v4, v7  }
0x117: {  	[tilespmem:s26+$0x8100] =	vst v4  }
0x118: {  	v4 =	vld.idx.msk [tilespmem:v0+s26+$0xFFFFF410 ss:$0x1], $0xffff  }
0x119: {  	v5 =	vld.idx.msk [tilespmem:v3+s26+$0xFFFFF410 ss:$0x1], $0xffff  }
0x11a: {  	v6 =	vld.idx.msk [tilespmem:v1+s26+$0xFFFFF410 ss:$0x1], $0xffff  }
0x11b: {  	v7 =	vld.idx.msk [tilespmem:v2+s26+$0xFFFFF810 ss:$0x1], $0xffff;
	_ =	sdelay $0x3  }
0x11c: {  	v4 =	vmax.f32 v4, v5  }
0x11d: {  	v4 =	vmax.f32 v4, v6  }
0x11e: {  	v4 =	vmax.f32 v4, v7  }
0x11f: {  	[tilespmem:s26+$0x8110] =	vst v4  }
0x120: {  	v4 =	vld.idx.msk [tilespmem:v0+s26+$0xFFFFF420 ss:$0x1], $0xffff  }
0x121: {  	v5 =	vld.idx.msk [tilespmem:v3+s26+$0xFFFFF420 ss:$0x1], $0xffff  }
0x122: {  	v6 =	vld.idx.msk [tilespmem:v1+s26+$0xFFFFF420 ss:$0x1], $0xffff  }
0x123: {  	v7 =	vld.idx.msk [tilespmem:v2+s26+$0xFFFFF820 ss:$0x1], $0xffff;
	_ =	sdelay $0x3  }
0x124: {  	v4 =	vmax.f32 v4, v5  }
0x125: {  	v4 =	vmax.f32 v4, v6  }
0x126: {  	v4 =	vmax.f32 v4, v7  }
0x127: {  	[tilespmem:s26+$0x8120] =	vst v4  }
0x128: {  	v4 =	vld.idx.msk [tilespmem:v0+s26+$0xFFFFF430 ss:$0x1], $0xffff  }
0x129: {  	v5 =	vld.idx.msk [tilespmem:v3+s26+$0xFFFFF430 ss:$0x1], $0xffff  }
0x12a: {  	v6 =	vld.idx.msk [tilespmem:v1+s26+$0xFFFFF430 ss:$0x1], $0xffff  }
0x12b: {  	v7 =	vld.idx.msk [tilespmem:v2+s26+$0xFFFFF830 ss:$0x1], $0xffff;
	_ =	sdelay $0x3  }
0x12c: {  	v4 =	vmax.f32 v4, v5  }
0x12d: {  	v4 =	vmax.f32 v4, v6  }
0x12e: {  	v4 =	vmax.f32 v4, v7  }
0x12f: {  	[tilespmem:s26+$0x8130] =	vst v4  }
0x130: {  	v4 =	vld.idx.msk [tilespmem:v0+s26+$0xFFFFF440 ss:$0x1], $0xffff  }
0x131: {  	v5 =	vld.idx.msk [tilespmem:v3+s26+$0xFFFFF440 ss:$0x1], $0xffff  }
0x132: {  	v6 =	vld.idx.msk [tilespmem:v1+s26+$0xFFFFF440 ss:$0x1], $0xffff  }
0x133: {  	v7 =	vld.idx.msk [tilespmem:v2+s26+$0xFFFFF840 ss:$0x1], $0xffff;
	_ =	sdelay $0x3  }
0x134: {  	v4 =	vmax.f32 v4, v5  }
0x135: {  	v4 =	vmax.f32 v4, v6  }
0x136: {  	v4 =	vmax.f32 v4, v7  }
0x137: {  	[tilespmem:s26+$0x8140] =	vst v4  }
0x138: {  	v4 =	vld.idx.msk [tilespmem:v0+s26+$0xFFFFF450 ss:$0x1], $0xffff  }
0x139: {  	v5 =	vld.idx.msk [tilespmem:v3+s26+$0xFFFFF450 ss:$0x1], $0xffff  }
0x13a: {  	v6 =	vld.idx.msk [tilespmem:v1+s26+$0xFFFFF450 ss:$0x1], $0xffff  }
0x13b: {  	v7 =	vld.idx.msk [tilespmem:v2+s26+$0xFFFFF850 ss:$0x1], $0xffff;
	_ =	sdelay $0x3  }
0x13c: {  	v4 =	vmax.f32 v4, v5  }
0x13d: {  	v4 =	vmax.f32 v4, v6  }
0x13e: {  	v4 =	vmax.f32 v4, v7  }
0x13f: {  	[tilespmem:s26+$0x8150] =	vst v4  }
0x140: {  	v4 =	vld.idx.msk [tilespmem:v0+s26+$0xFFFFF460 ss:$0x1], $0xffff  }
0x141: {  	v5 =	vld.idx.msk [tilespmem:v3+s26+$0xFFFFF460 ss:$0x1], $0xffff  }
0x142: {  	v6 =	vld.idx.msk [tilespmem:v1+s26+$0xFFFFF460 ss:$0x1], $0xffff  }
0x143: {  	v7 =	vld.idx.msk [tilespmem:v2+s26+$0xFFFFF860 ss:$0x1], $0xffff;
	_ =	sdelay $0x3  }
0x144: {  	v4 =	vmax.f32 v4, v5  }
0x145: {  	v4 =	vmax.f32 v4, v6  }
0x146: {  	v4 =	vmax.f32 v4, v7  }
0x147: {  	[tilespmem:s26+$0x8160] =	vst v4  }
0x148: {  	v4 =	vld.idx.msk [tilespmem:v0+s26+$0xFFFFF470 ss:$0x1], $0xffff  }
0x149: {  	v5 =	vld.idx.msk [tilespmem:v3+s26+$0xFFFFF470 ss:$0x1], $0xffff  }
0x14a: {  	v6 =	vld.idx.msk [tilespmem:v1+s26+$0xFFFFF470 ss:$0x1], $0xffff  }
0x14b: {  	v7 =	vld.idx.msk [tilespmem:v2+s26+$0xFFFFF870 ss:$0x1], $0xffff;
	_ =	sdelay $0x3  }
0x14c: {  	v4 =	vmax.f32 v4, v5  }
0x14d: {  	v4 =	vmax.f32 v4, v6  }
0x14e: {  	v4 =	vmax.f32 v4, v7  }
0x14f: {  	[tilespmem:s26+$0x8170] =	vst v4  }
0x150: {  	v4 =	vld.idx.msk [tilespmem:v0+s26+$0xFFFFF800 ss:$0x1], $0xffff  }
0x151: {  	v5 =	vld.idx.msk [tilespmem:v3+s26+$0xFFFFF800 ss:$0x1], $0xffff  }
0x152: {  	v6 =	vld.idx.msk [tilespmem:v1+s26+$0xFFFFF800 ss:$0x1], $0xffff  }
0x153: {  	v7 =	vld.idx.msk [tilespmem:v2+s26+$0xFFFFFC00 ss:$0x1], $0xffff;
	_ =	sdelay $0x3  }
0x154: {  	v4 =	vmax.f32 v4, v5  }
0x155: {  	v4 =	vmax.f32 v4, v6  }
0x156: {  	v4 =	vmax.f32 v4, v7  }
0x157: {  	[tilespmem:s26+$0x8500] =	vst v4  }
0x158: {  	v4 =	vld.idx.msk [tilespmem:v0+s26+$0xFFFFF810 ss:$0x1], $0xffff  }
0x159: {  	v5 =	vld.idx.msk [tilespmem:v3+s26+$0xFFFFF810 ss:$0x1], $0xffff  }
0x15a: {  	v6 =	vld.idx.msk [tilespmem:v1+s26+$0xFFFFF810 ss:$0x1], $0xffff  }
0x15b: {  	v7 =	vld.idx.msk [tilespmem:v2+s26+$0xFFFFFC10 ss:$0x1], $0xffff;
	_ =	sdelay $0x3  }
0x15c: {  	v4 =	vmax.f32 v4, v5  }
0x15d: {  	v4 =	vmax.f32 v4, v6  }
0x15e: {  	v4 =	vmax.f32 v4, v7  }
0x15f: {  	[tilespmem:s26+$0x8510] =	vst v4  }
0x160: {  	v4 =	vld.idx.msk [tilespmem:v0+s26+$0xFFFFF820 ss:$0x1], $0xffff  }
0x161: {  	v5 =	vld.idx.msk [tilespmem:v3+s26+$0xFFFFF820 ss:$0x1], $0xffff  }
0x162: {  	v6 =	vld.idx.msk [tilespmem:v1+s26+$0xFFFFF820 ss:$0x1], $0xffff  }
0x163: {  	v7 =	vld.idx.msk [tilespmem:v2+s26+$0xFFFFFC20 ss:$0x1], $0xffff;
	_ =	sdelay $0x3  }
0x164: {  	v4 =	vmax.f32 v4, v5  }
0x165: {  	v4 =	vmax.f32 v4, v6  }
0x166: {  	v4 =	vmax.f32 v4, v7  }
0x167: {  	[tilespmem:s26+$0x8520] =	vst v4  }
0x168: {  	v4 =	vld.idx.msk [tilespmem:v0+s26+$0xFFFFF830 ss:$0x1], $0xffff  }
0x169: {  	v5 =	vld.idx.msk [tilespmem:v3+s26+$0xFFFFF830 ss:$0x1], $0xffff  }
0x16a: {  	v6 =	vld.idx.msk [tilespmem:v1+s26+$0xFFFFF830 ss:$0x1], $0xffff  }
0x16b: {  	v7 =	vld.idx.msk [tilespmem:v2+s26+$0xFFFFFC30 ss:$0x1], $0xffff;
	_ =	sdelay $0x3  }
0x16c: {  	v4 =	vmax.f32 v4, v5  }
0x16d: {  	v4 =	vmax.f32 v4, v6  }
0x16e: {  	v4 =	vmax.f32 v4, v7  }
0x16f: {  	[tilespmem:s26+$0x8530] =	vst v4  }
0x170: {  	v4 =	vld.idx.msk [tilespmem:v0+s26+$0xFFFFF840 ss:$0x1], $0xffff  }
0x171: {  	v5 =	vld.idx.msk [tilespmem:v3+s26+$0xFFFFF840 ss:$0x1], $0xffff  }
0x172: {  	v6 =	vld.idx.msk [tilespmem:v1+s26+$0xFFFFF840 ss:$0x1], $0xffff  }
0x173: {  	v7 =	vld.idx.msk [tilespmem:v2+s26+$0xFFFFFC40 ss:$0x1], $0xffff;
	_ =	sdelay $0x3  }
0x174: {  	v4 =	vmax.f32 v4, v5  }
0x175: {  	v4 =	vmax.f32 v4, v6  }
0x176: {  	v4 =	vmax.f32 v4, v7  }
0x177: {  	[tilespmem:s26+$0x8540] =	vst v4  }
0x178: {  	v4 =	vld.idx.msk [tilespmem:v0+s26+$0xFFFFF850 ss:$0x1], $0xffff  }
0x179: {  	v5 =	vld.idx.msk [tilespmem:v3+s26+$0xFFFFF850 ss:$0x1], $0xffff  }
0x17a: {  	v6 =	vld.idx.msk [tilespmem:v1+s26+$0xFFFFF850 ss:$0x1], $0xffff  }
0x17b: {  	v7 =	vld.idx.msk [tilespmem:v2+s26+$0xFFFFFC50 ss:$0x1], $0xffff;
	_ =	sdelay $0x3  }
0x17c: {  	v4 =	vmax.f32 v4, v5  }
0x17d: {  	v4 =	vmax.f32 v4, v6  }
0x17e: {  	v4 =	vmax.f32 v4, v7  }
0x17f: {  	[tilespmem:s26+$0x8550] =	vst v4  }
0x180: {  	v4 =	vld.idx.msk [tilespmem:v0+s26+$0xFFFFF860 ss:$0x1], $0xffff  }
0x181: {  	v5 =	vld.idx.msk [tilespmem:v3+s26+$0xFFFFF860 ss:$0x1], $0xffff  }
0x182: {  	v6 =	vld.idx.msk [tilespmem:v1+s26+$0xFFFFF860 ss:$0x1], $0xffff  }
0x183: {  	v7 =	vld.idx.msk [tilespmem:v2+s26+$0xFFFFFC60 ss:$0x1], $0xffff;
	_ =	sdelay $0x3  }
0x184: {  	v4 =	vmax.f32 v4, v5  }
0x185: {  	v4 =	vmax.f32 v4, v6  }
0x186: {  	v4 =	vmax.f32 v4, v7  }
0x187: {  	[tilespmem:s26+$0x8560] =	vst v4  }
0x188: {  	v4 =	vld.idx.msk [tilespmem:v0+s26+$0xFFFFF870 ss:$0x1], $0xffff  }
0x189: {  	v5 =	vld.idx.msk [tilespmem:v3+s26+$0xFFFFF870 ss:$0x1], $0xffff  }
0x18a: {  	v6 =	vld.idx.msk [tilespmem:v1+s26+$0xFFFFF870 ss:$0x1], $0xffff  }
0x18b: {  	v7 =	vld.idx.msk [tilespmem:v2+s26+$0xFFFFFC70 ss:$0x1], $0xffff;
	_ =	sdelay $0x3  }
0x18c: {  	v4 =	vmax.f32 v4, v5  }
0x18d: {  	v4 =	vmax.f32 v4, v6  }
0x18e: {  	v4 =	vmax.f32 v4, v7  }
0x18f: {  	[tilespmem:s26+$0x8570] =	vst v4  }
0x190: {  	v4 =	vld.idx.msk [tilespmem:v0+s26+$0xFFFFFC00 ss:$0x1], $0xffff  }
0x191: {  	v5 =	vld.idx.msk [tilespmem:v3+s26+$0xFFFFFC00 ss:$0x1], $0xffff  }
0x192: {  	v6 =	vld.idx.msk [tilespmem:v1+s26+$0xFFFFFC00 ss:$0x1], $0xffff  }
0x193: {  	v7 =	vld.idx.msk [tilespmem:v2+s26+$0x0 ss:$0x1], $0xffff;
	_ =	sdelay $0x3  }
0x194: {  	v4 =	vmax.f32 v4, v5  }
0x195: {  	v4 =	vmax.f32 v4, v6  }
0x196: {  	v4 =	vmax.f32 v4, v7  }
0x197: {  	[tilespmem:s26+$0x8900] =	vst v4  }
0x198: {  	v4 =	vld.idx.msk [tilespmem:v0+s26+$0xFFFFFC10 ss:$0x1], $0xffff  }
0x199: {  	v5 =	vld.idx.msk [tilespmem:v3+s26+$0xFFFFFC10 ss:$0x1], $0xffff  }
0x19a: {  	v6 =	vld.idx.msk [tilespmem:v1+s26+$0xFFFFFC10 ss:$0x1], $0xffff  }
0x19b: {  	v7 =	vld.idx.msk [tilespmem:v2+s26+$0x10 ss:$0x1], $0xffff;
	_ =	sdelay $0x3  }
0x19c: {  	v4 =	vmax.f32 v4, v5  }
0x19d: {  	v4 =	vmax.f32 v4, v6  }
0x19e: {  	v4 =	vmax.f32 v4, v7  }
0x19f: {  	[tilespmem:s26+$0x8910] =	vst v4  }
0x1a0: {  	v4 =	vld.idx.msk [tilespmem:v0+s26+$0xFFFFFC20 ss:$0x1], $0xffff  }
0x1a1: {  	v5 =	vld.idx.msk [tilespmem:v3+s26+$0xFFFFFC20 ss:$0x1], $0xffff  }
0x1a2: {  	v6 =	vld.idx.msk [tilespmem:v1+s26+$0xFFFFFC20 ss:$0x1], $0xffff  }
0x1a3: {  	v7 =	vld.idx.msk [tilespmem:v2+s26+$0x20 ss:$0x1], $0xffff;
	_ =	sdelay $0x3  }
0x1a4: {  	v4 =	vmax.f32 v4, v5  }
0x1a5: {  	v4 =	vmax.f32 v4, v6  }
0x1a6: {  	v4 =	vmax.f32 v4, v7  }
0x1a7: {  	[tilespmem:s26+$0x8920] =	vst v4  }
0x1a8: {  	v4 =	vld.idx.msk [tilespmem:v0+s26+$0xFFFFFC30 ss:$0x1], $0xffff  }
0x1a9: {  	v5 =	vld.idx.msk [tilespmem:v3+s26+$0xFFFFFC30 ss:$0x1], $0xffff  }
0x1aa: {  	v6 =	vld.idx.msk [tilespmem:v1+s26+$0xFFFFFC30 ss:$0x1], $0xffff  }
0x1ab: {  	v7 =	vld.idx.msk [tilespmem:v2+s26+$0x30 ss:$0x1], $0xffff;
	_ =	sdelay $0x3  }
0x1ac: {  	v4 =	vmax.f32 v4, v5  }
0x1ad: {  	v4 =	vmax.f32 v4, v6  }
0x1ae: {  	v4 =	vmax.f32 v4, v7  }
0x1af: {  	[tilespmem:s26+$0x8930] =	vst v4  }
0x1b0: {  	v4 =	vld.idx.msk [tilespmem:v0+s26+$0xFFFFFC40 ss:$0x1], $0xffff  }
0x1b1: {  	v5 =	vld.idx.msk [tilespmem:v3+s26+$0xFFFFFC40 ss:$0x1], $0xffff  }
0x1b2: {  	v6 =	vld.idx.msk [tilespmem:v1+s26+$0xFFFFFC40 ss:$0x1], $0xffff  }
0x1b3: {  	v7 =	vld.idx.msk [tilespmem:v2+s26+$0x40 ss:$0x1], $0xffff;
	_ =	sdelay $0x3  }
0x1b4: {  	v4 =	vmax.f32 v4, v5  }
0x1b5: {  	v4 =	vmax.f32 v4, v6  }
0x1b6: {  	v4 =	vmax.f32 v4, v7  }
0x1b7: {  	[tilespmem:s26+$0x8940] =	vst v4  }
0x1b8: {  	v4 =	vld.idx.msk [tilespmem:v0+s26+$0xFFFFFC50 ss:$0x1], $0xffff  }
0x1b9: {  	v5 =	vld.idx.msk [tilespmem:v3+s26+$0xFFFFFC50 ss:$0x1], $0xffff  }
0x1ba: {  	v6 =	vld.idx.msk [tilespmem:v1+s26+$0xFFFFFC50 ss:$0x1], $0xffff  }
0x1bb: {  	v7 =	vld.idx.msk [tilespmem:v2+s26+$0x50 ss:$0x1], $0xffff;
	_ =	sdelay $0x3  }
0x1bc: {  	v4 =	vmax.f32 v4, v5  }
0x1bd: {  	v4 =	vmax.f32 v4, v6  }
0x1be: {  	v4 =	vmax.f32 v4, v7  }
.Ltmp0:
0x1bf: {  	[tilespmem:s26+$0x8950] =	vst v4;
	(pc) =	sbr.rel @p1 .LBB2_3-.Ltmp0, $4  }
0x1c0: {  	v4 =	vld.idx.msk [tilespmem:v0+s26+$0xFFFFFC60 ss:$0x1], $0xffff  }
0x1c1: {  	v5 =	vld.idx.msk [tilespmem:v3+s26+$0xFFFFFC60 ss:$0x1], $0xffff  }
0x1c2: {  	v6 =	vld.idx.msk [tilespmem:v1+s26+$0xFFFFFC60 ss:$0x1], $0xffff  }
0x1c3: {  	v7 =	vld.idx.msk [tilespmem:v2+s26+$0x60 ss:$0x1], $0xffff  }
0x1c4: {  	_ =	sdelay $0x1  }
0x1c5: {  	v4 =	vmax.f32 v4, v5  }
0x1c6: {  	v4 =	vmax.f32 v4, v6  }
0x1c7: {  	v4 =	vmax.f32 v4, v7  }
0x1c8: {  	[tilespmem:s26+$0x8960] =	vst v4  }
0x1c9: {  	v4 =	vld.idx.msk [tilespmem:v0+s26+$0xFFFFFC70 ss:$0x1], $0xffff  }
0x1ca: {  	v52 =	vld.idx.msk [tilespmem:v3+s26+$0xFFFFFC70 ss:$0x1], $0xffff  }
0x1cb: {  	v53 =	vld.idx.msk [tilespmem:v1+s26+$0xFFFFFC70 ss:$0x1], $0xffff  }
0x1cc: {  	v54 =	vld.idx.msk [tilespmem:v2+s26+$0x70 ss:$0x1], $0xffff;
	_ =	sdelay $0x2  }
0x1cd: {  	v4 =	vmax.f32 v4, v52  }
0x1ce: {  	v4 =	vmax.f32 v4, v53  }
0x1cf: {  	v4 =	vmax.f32 v4, v54  }
0x1d0: {  	[tilespmem:s26+$0x8970] =	vst v4  }
0x1d1: {  	v4 =	vld.idx.msk [tilespmem:v2+s26+$0x400 ss:$0x1], $0xff  }
0x1d2: {  	v55 =	vld.idx.msk [tilespmem:v1+s26+$0x0 ss:$0x1], $0xff  }
0x1d3: {  	v56 =	vld.idx.msk [tilespmem:v3+s26+$0x0 ss:$0x1], $0xff  }
0x1d4: {  	v57 =	vld.idx.msk [tilespmem:v3+s26+$0xFFFFFC70 ss:$0x1], $0xffff  }
0x1d5: {  	v58 =	vld.idx.msk [tilespmem:v0+s26+$0x0 ss:$0x1], $0xff  }
0x1d6: {  	v59 =	vld.idx.msk [tilespmem:v0+s26+$0xFFFFFC70 ss:$0x1], $0xffff  }
0x1d7: {  	v60 =	vld.idx.msk [tilespmem:v1+s26+$0xFFFFFC70 ss:$0x1], $0xffff  }
0x1d8: {  	v61 =	vld.idx.msk [tilespmem:v2+s26+$0x70 ss:$0x1], $0xffff;
	_ =	sdelay $0x1  }
0x1d9: {  	s24 =	smul.u32 $0x19000, s24;
	p1 =	sne.s32 s20, $0x18;
	v6 =	vmax.f32 v58, v56  }
.Ltmp1:
0x1da: {  	s25 =	sshll.u32 s25, $0xC;
	v0 =	vmax.f32 v59, v57;
	v62 =	vmax.f32 v6, v55;
	(pc) =	sbr.rel @p1 .LBB2_6-.Ltmp1, $4  }
0x1db: {  	s24 =	sadd.s32 s25, s24;
	v0 =	vmax.f32 v0, v60;
	v63 =	vmax.f32 v62, v4  }
0x1dc: {  	s24 =	sshrl.u32 s24, $0x3;
	v0 =	vmax.f32 v0, v61;
	[tilespmem:s26+$0x8D00] =	vst.msk $0xff, v63  }
0x1dd: {  	s24 =	sadd.s32 s6, s24;
	[tilespmem:s26+$0x8970] =	vst v0  }
0x1de: {  	[hbm4b:s24+s3] =	stream.linear.scatter [tilespmem:s14], [sflag:$0x3], $0x1000, $0x38;
	[tilespmem:$0xA100] =	vst v63  }
.Ltmp2:
0x1df: {  	(pc) =	sbr.rel .LBB2_7-.Ltmp2, $4  }
0x1e0: {  	_ = 	snop  }
0x1e1: {  	_ =	swait.ge [sflag:s15], $0x4000  }
0x1e2: {  	[sflag:s15] =	ssyncset.done $0x0  }
0x1e3: {  	[sflag:s15] =	ssyncadd.s32 $0xFFFFC000  }
.LBB2_6:
0x1e4: {  	s23 =	sadd.s32 s23, s8  }
0x1e5: {  	s24 =	smulhi.u32 $0x51EB851F, s23;
	_ =	sdelay $0x1  }
0x1e6: {  	s24 =	sshrl.u32 s24, $0x3  }
0x1e7: {  	s25 =	smul.u32 $0x19, s24;
	_ =	sdelay $0x1  }
0x1e8: {  	s23 =	ssub.s32 s23, s25  }
0x1e9: {  	v0 =	vld [tilespmem:s23+$0x0];
	_ =	sdelay $0x4  }
0x1ea: {  	(v2sf) =	vpush v0, $0x0;
	_ =	sdelay $0xe  }
0x1eb: {  	s30 =	smul.u32 $0x60000, s24;
	s31 =	spop (v2sf)  }
0x1ec: {  	s24 =	sshll.u32 s31, $0xC  }
0x1ed: {  	s23 =	sadd.s32 s30, s24  }
0x1ee: {  	s23 =	sshrl.u32 s23, $0x3  }
.Ltmp3:
0x1ef: {  	s23 =	sadd.s32 s4, s23;
	(pc) =	sbr.rel @p0 .LBB2_8-.Ltmp3, $4  }
0x1f0: {  	[tilespmem:s11], [sflag:$0x1] =	stream.linear.gather [hbm4b:s23+s3], $0x4000, $0x38;
	[tilespmem:$0xA100] =	vst v63  }
0x1f1: {  	_ =	swait.ge [sflag:s15], $0x4000  }
0x1f2: {  	[sflag:s15] =	ssyncset.done $0x0  }
0x1f3: {  	[sflag:s15] =	ssyncadd.s32 $0xFFFFC000  }
.LBB2_7:
0x1f4: {  	_ =	swait.ge [sflag:s16], $0x1000  }
0x1f5: {  	[sflag:s16] =	ssyncset.done $0x0  }
0x1f6: {  	[sflag:s16] =	ssyncadd.s32 $0xFFFFF000  }
.LBB2_8:
0x1f7: {  	v0 =	vld [tilespmem:s21+$0x30]  }
0x1f8: {  	v1 =	vld [tilespmem:s21+$0x60]  }
0x1f9: {  	v2 =	vld [tilespmem:s21+$0x90]  }
0x1fa: {  	v3 =	vld [tilespmem:s21+$0xC0];
	_ =	sdelay $0x1  }
0x1fb: {  	(v2sf) =	vpush v0, $0x0  }
0x1fc: {  	(v2sf) =	vpush v1, $0x0  }
0x1fd: {  	(v2sf) =	vpush v2, $0x0  }
0x1fe: {  	(v2sf) =	vpush v3, $0x0;
	_ =	sdelay $0xb  }
0x1ff: {  	s23 =	spop (v2sf)  }
0x200: {  	s24 =	spop (v2sf)  }
0x201: {  	s23 =	sshll.u32 s23, $0xE;
	s25 =	spop (v2sf)  }
0x202: {  	s24 =	sshll.u32 s24, $0xE;
	s23 =	sshra.s32 s23, $0x2;
	s26 =	spop (v2sf)  }
0x203: {  	s25 =	sshll.u32 s25, $0xE;
	s23 =	sadd.s32 $0x4D00, s23;
	s24 =	sshra.s32 s24, $0x2  }
0x204: {  	s26 =	sshll.u32 s26, $0xE;
	s24 =	sadd.s32 $0x4D00, s24;
	s25 =	sshra.s32 s25, $0x2;
	v0 =	vmov s23  }
0x205: {  	s29 =	sadd.s32 $0x4D00, s25;
	s30 =	sshra.s32 s26, $0x2;
	v3 =	vmov s24  }
0x206: {  	s31 =	sadd.s32 $0x4900, s30;
	v1 =	vmov s29  }
0x207: {  	v2 =	vmov s31  }
0x208: {  	s23 =	simm.s32 $0x0  }
0x209: {  	v4 =	vld.idx.msk [tilespmem:v0+s23+$0xFFFFF400 ss:$0x1], $0xffff  }
0x20a: {  	v5 =	vld.idx.msk [tilespmem:v3+s23+$0xFFFFF400 ss:$0x1], $0xffff  }
0x20b: {  	v6 =	vld.idx.msk [tilespmem:v1+s23+$0xFFFFF400 ss:$0x1], $0xffff  }
0x20c: {  	v7 =	vld.idx.msk [tilespmem:v2+s23+$0xFFFFF800 ss:$0x1], $0xffff;
	_ =	sdelay $0x2  }
0x20d: {  	v4 =	vmax.f32 v4, v5  }
0x20e: {  	v4 =	vmax.f32 v4, v6  }
0x20f: {  	v4 =	vmax.f32 v4, v7  }
0x210: {  	[tilespmem:s23+$0x9100] =	vst v4  }
0x211: {  	v4 =	vld.idx.msk [tilespmem:v0+s23+$0xFFFFF410 ss:$0x1], $0xffff  }
0x212: {  	v5 =	vld.idx.msk [tilespmem:v3+s23+$0xFFFFF410 ss:$0x1], $0xffff  }
0x213: {  	v6 =	vld.idx.msk [tilespmem:v1+s23+$0xFFFFF410 ss:$0x1], $0xffff  }
0x214: {  	v7 =	vld.idx.msk [tilespmem:v2+s23+$0xFFFFF810 ss:$0x1], $0xffff;
	_ =	sdelay $0x2  }
0x215: {  	v4 =	vmax.f32 v4, v5  }
0x216: {  	v4 =	vmax.f32 v4, v6  }
0x217: {  	v4 =	vmax.f32 v4, v7  }
0x218: {  	[tilespmem:s23+$0x9110] =	vst v4  }
0x219: {  	v4 =	vld.idx.msk [tilespmem:v0+s23+$0xFFFFF420 ss:$0x1], $0xffff  }
0x21a: {  	v5 =	vld.idx.msk [tilespmem:v3+s23+$0xFFFFF420 ss:$0x1], $0xffff  }
0x21b: {  	v6 =	vld.idx.msk [tilespmem:v1+s23+$0xFFFFF420 ss:$0x1], $0xffff  }
0x21c: {  	v7 =	vld.idx.msk [tilespmem:v2+s23+$0xFFFFF820 ss:$0x1], $0xffff;
	_ =	sdelay $0x2  }
0x21d: {  	v4 =	vmax.f32 v4, v5  }
0x21e: {  	v4 =	vmax.f32 v4, v6  }
0x21f: {  	v4 =	vmax.f32 v4, v7  }
0x220: {  	[tilespmem:s23+$0x9120] =	vst v4  }
0x221: {  	v4 =	vld.idx.msk [tilespmem:v0+s23+$0xFFFFF430 ss:$0x1], $0xffff  }
0x222: {  	v5 =	vld.idx.msk [tilespmem:v3+s23+$0xFFFFF430 ss:$0x1], $0xffff  }
0x223: {  	v6 =	vld.idx.msk [tilespmem:v1+s23+$0xFFFFF430 ss:$0x1], $0xffff  }
0x224: {  	v7 =	vld.idx.msk [tilespmem:v2+s23+$0xFFFFF830 ss:$0x1], $0xffff;
	_ =	sdelay $0x2  }
0x225: {  	v4 =	vmax.f32 v4, v5  }
0x226: {  	v4 =	vmax.f32 v4, v6  }
0x227: {  	v4 =	vmax.f32 v4, v7  }
0x228: {  	[tilespmem:s23+$0x9130] =	vst v4  }
0x229: {  	v4 =	vld.idx.msk [tilespmem:v0+s23+$0xFFFFF440 ss:$0x1], $0xffff  }
0x22a: {  	v5 =	vld.idx.msk [tilespmem:v3+s23+$0xFFFFF440 ss:$0x1], $0xffff  }
0x22b: {  	v6 =	vld.idx.msk [tilespmem:v1+s23+$0xFFFFF440 ss:$0x1], $0xffff  }
0x22c: {  	v7 =	vld.idx.msk [tilespmem:v2+s23+$0xFFFFF840 ss:$0x1], $0xffff;
	_ =	sdelay $0x2  }
0x22d: {  	v4 =	vmax.f32 v4, v5  }
0x22e: {  	v4 =	vmax.f32 v4, v6  }
0x22f: {  	v4 =	vmax.f32 v4, v7  }
0x230: {  	[tilespmem:s23+$0x9140] =	vst v4  }
0x231: {  	v4 =	vld.idx.msk [tilespmem:v0+s23+$0xFFFFF450 ss:$0x1], $0xffff  }
0x232: {  	v5 =	vld.idx.msk [tilespmem:v3+s23+$0xFFFFF450 ss:$0x1], $0xffff  }
0x233: {  	v6 =	vld.idx.msk [tilespmem:v1+s23+$0xFFFFF450 ss:$0x1], $0xffff  }
0x234: {  	v7 =	vld.idx.msk [tilespmem:v2+s23+$0xFFFFF850 ss:$0x1], $0xffff;
	_ =	sdelay $0x2  }
0x235: {  	v4 =	vmax.f32 v4, v5  }
0x236: {  	v4 =	vmax.f32 v4, v6  }
0x237: {  	v4 =	vmax.f32 v4, v7  }
0x238: {  	[tilespmem:s23+$0x9150] =	vst v4  }
0x239: {  	v4 =	vld.idx.msk [tilespmem:v0+s23+$0xFFFFF460 ss:$0x1], $0xffff  }
0x23a: {  	v5 =	vld.idx.msk [tilespmem:v3+s23+$0xFFFFF460 ss:$0x1], $0xffff  }
0x23b: {  	v6 =	vld.idx.msk [tilespmem:v1+s23+$0xFFFFF460 ss:$0x1], $0xffff  }
0x23c: {  	v7 =	vld.idx.msk [tilespmem:v2+s23+$0xFFFFF860 ss:$0x1], $0xffff;
	_ =	sdelay $0x2  }
0x23d: {  	v4 =	vmax.f32 v4, v5  }
0x23e: {  	v4 =	vmax.f32 v4, v6  }
0x23f: {  	v4 =	vmax.f32 v4, v7  }
0x240: {  	[tilespmem:s23+$0x9160] =	vst v4  }
0x241: {  	v4 =	vld.idx.msk [tilespmem:v0+s23+$0xFFFFF470 ss:$0x1], $0xffff  }
0x242: {  	v5 =	vld.idx.msk [tilespmem:v3+s23+$0xFFFFF470 ss:$0x1], $0xffff  }
0x243: {  	v6 =	vld.idx.msk [tilespmem:v1+s23+$0xFFFFF470 ss:$0x1], $0xffff  }
0x244: {  	v7 =	vld.idx.msk [tilespmem:v2+s23+$0xFFFFF870 ss:$0x1], $0xffff;
	_ =	sdelay $0x2  }
0x245: {  	v4 =	vmax.f32 v4, v5  }
0x246: {  	v4 =	vmax.f32 v4, v6  }
0x247: {  	v4 =	vmax.f32 v4, v7  }
0x248: {  	[tilespmem:s23+$0x9170] =	vst v4  }
0x249: {  	v4 =	vld.idx.msk [tilespmem:v0+s23+$0xFFFFF800 ss:$0x1], $0xffff  }
0x24a: {  	v5 =	vld.idx.msk [tilespmem:v3+s23+$0xFFFFF800 ss:$0x1], $0xffff  }
0x24b: {  	v6 =	vld.idx.msk [tilespmem:v1+s23+$0xFFFFF800 ss:$0x1], $0xffff  }
0x24c: {  	v7 =	vld.idx.msk [tilespmem:v2+s23+$0xFFFFFC00 ss:$0x1], $0xffff;
	_ =	sdelay $0x2  }
0x24d: {  	v4 =	vmax.f32 v4, v5  }
0x24e: {  	v4 =	vmax.f32 v4, v6  }
0x24f: {  	v4 =	vmax.f32 v4, v7  }
0x250: {  	[tilespmem:s23+$0x9500] =	vst v4  }
0x251: {  	v4 =	vld.idx.msk [tilespmem:v0+s23+$0xFFFFF810 ss:$0x1], $0xffff  }
0x252: {  	v5 =	vld.idx.msk [tilespmem:v3+s23+$0xFFFFF810 ss:$0x1], $0xffff  }
0x253: {  	v6 =	vld.idx.msk [tilespmem:v1+s23+$0xFFFFF810 ss:$0x1], $0xffff  }
0x254: {  	v7 =	vld.idx.msk [tilespmem:v2+s23+$0xFFFFFC10 ss:$0x1], $0xffff;
	_ =	sdelay $0x2  }
0x255: {  	v4 =	vmax.f32 v4, v5  }
0x256: {  	v4 =	vmax.f32 v4, v6  }
0x257: {  	v4 =	vmax.f32 v4, v7  }
0x258: {  	[tilespmem:s23+$0x9510] =	vst v4  }
0x259: {  	v4 =	vld.idx.msk [tilespmem:v0+s23+$0xFFFFF820 ss:$0x1], $0xffff  }
0x25a: {  	v5 =	vld.idx.msk [tilespmem:v3+s23+$0xFFFFF820 ss:$0x1], $0xffff  }
0x25b: {  	v6 =	vld.idx.msk [tilespmem:v1+s23+$0xFFFFF820 ss:$0x1], $0xffff  }
0x25c: {  	v7 =	vld.idx.msk [tilespmem:v2+s23+$0xFFFFFC20 ss:$0x1], $0xffff;
	_ =	sdelay $0x2  }
0x25d: {  	v4 =	vmax.f32 v4, v5  }
0x25e: {  	v4 =	vmax.f32 v4, v6  }
0x25f: {  	v4 =	vmax.f32 v4, v7  }
0x260: {  	[tilespmem:s23+$0x9520] =	vst v4  }
0x261: {  	v4 =	vld.idx.msk [tilespmem:v0+s23+$0xFFFFF830 ss:$0x1], $0xffff  }
0x262: {  	v5 =	vld.idx.msk [tilespmem:v3+s23+$0xFFFFF830 ss:$0x1], $0xffff  }
0x263: {  	v6 =	vld.idx.msk [tilespmem:v1+s23+$0xFFFFF830 ss:$0x1], $0xffff  }
0x264: {  	v7 =	vld.idx.msk [tilespmem:v2+s23+$0xFFFFFC30 ss:$0x1], $0xffff;
	_ =	sdelay $0x2  }
0x265: {  	v4 =	vmax.f32 v4, v5  }
0x266: {  	v4 =	vmax.f32 v4, v6  }
0x267: {  	v4 =	vmax.f32 v4, v7  }
0x268: {  	[tilespmem:s23+$0x9530] =	vst v4  }
0x269: {  	v4 =	vld.idx.msk [tilespmem:v0+s23+$0xFFFFF840 ss:$0x1], $0xffff  }
0x26a: {  	v5 =	vld.idx.msk [tilespmem:v3+s23+$0xFFFFF840 ss:$0x1], $0xffff  }
0x26b: {  	v6 =	vld.idx.msk [tilespmem:v1+s23+$0xFFFFF840 ss:$0x1], $0xffff  }
0x26c: {  	v7 =	vld.idx.msk [tilespmem:v2+s23+$0xFFFFFC40 ss:$0x1], $0xffff;
	_ =	sdelay $0x2  }
0x26d: {  	v4 =	vmax.f32 v4, v5  }
0x26e: {  	v4 =	vmax.f32 v4, v6  }
0x26f: {  	v4 =	vmax.f32 v4, v7  }
0x270: {  	[tilespmem:s23+$0x9540] =	vst v4  }
0x271: {  	v4 =	vld.idx.msk [tilespmem:v0+s23+$0xFFFFF850 ss:$0x1], $0xffff  }
0x272: {  	v5 =	vld.idx.msk [tilespmem:v3+s23+$0xFFFFF850 ss:$0x1], $0xffff  }
0x273: {  	v6 =	vld.idx.msk [tilespmem:v1+s23+$0xFFFFF850 ss:$0x1], $0xffff  }
0x274: {  	v7 =	vld.idx.msk [tilespmem:v2+s23+$0xFFFFFC50 ss:$0x1], $0xffff;
	_ =	sdelay $0x2  }
0x275: {  	v4 =	vmax.f32 v4, v5  }
0x276: {  	v4 =	vmax.f32 v4, v6  }
0x277: {  	v4 =	vmax.f32 v4, v7  }
0x278: {  	[tilespmem:s23+$0x9550] =	vst v4  }
0x279: {  	v4 =	vld.idx.msk [tilespmem:v0+s23+$0xFFFFF860 ss:$0x1], $0xffff  }
0x27a: {  	v5 =	vld.idx.msk [tilespmem:v3+s23+$0xFFFFF860 ss:$0x1], $0xffff  }
0x27b: {  	v6 =	vld.idx.msk [tilespmem:v1+s23+$0xFFFFF860 ss:$0x1], $0xffff  }
0x27c: {  	v7 =	vld.idx.msk [tilespmem:v2+s23+$0xFFFFFC60 ss:$0x1], $0xffff;
	_ =	sdelay $0x2  }
0x27d: {  	v4 =	vmax.f32 v4, v5  }
0x27e: {  	v4 =	vmax.f32 v4, v6  }
0x27f: {  	v4 =	vmax.f32 v4, v7  }
0x280: {  	[tilespmem:s23+$0x9560] =	vst v4  }
0x281: {  	v4 =	vld.idx.msk [tilespmem:v0+s23+$0xFFFFF870 ss:$0x1], $0xffff  }
0x282: {  	v5 =	vld.idx.msk [tilespmem:v3+s23+$0xFFFFF870 ss:$0x1], $0xffff  }
0x283: {  	v6 =	vld.idx.msk [tilespmem:v1+s23+$0xFFFFF870 ss:$0x1], $0xffff  }
0x284: {  	v7 =	vld.idx.msk [tilespmem:v2+s23+$0xFFFFFC70 ss:$0x1], $0xffff;
	_ =	sdelay $0x2  }
0x285: {  	v4 =	vmax.f32 v4, v5  }
0x286: {  	v4 =	vmax.f32 v4, v6  }
0x287: {  	v4 =	vmax.f32 v4, v7  }
0x288: {  	[tilespmem:s23+$0x9570] =	vst v4  }
0x289: {  	v4 =	vld.idx.msk [tilespmem:v0+s23+$0xFFFFFC00 ss:$0x1], $0xffff  }
0x28a: {  	v5 =	vld.idx.msk [tilespmem:v3+s23+$0xFFFFFC00 ss:$0x1], $0xffff  }
0x28b: {  	v6 =	vld.idx.msk [tilespmem:v1+s23+$0xFFFFFC00 ss:$0x1], $0xffff  }
0x28c: {  	v7 =	vld.idx.msk [tilespmem:v2+s23+$0x0 ss:$0x1], $0xffff;
	_ =	sdelay $0x2  }
0x28d: {  	v4 =	vmax.f32 v4, v5  }
0x28e: {  	v4 =	vmax.f32 v4, v6  }
0x28f: {  	v4 =	vmax.f32 v4, v7  }
0x290: {  	[tilespmem:s23+$0x9900] =	vst v4  }
0x291: {  	v4 =	vld.idx.msk [tilespmem:v0+s23+$0xFFFFFC10 ss:$0x1], $0xffff  }
0x292: {  	v5 =	vld.idx.msk [tilespmem:v3+s23+$0xFFFFFC10 ss:$0x1], $0xffff  }
0x293: {  	v6 =	vld.idx.msk [tilespmem:v1+s23+$0xFFFFFC10 ss:$0x1], $0xffff  }
0x294: {  	v7 =	vld.idx.msk [tilespmem:v2+s23+$0x10 ss:$0x1], $0xffff;
	_ =	sdelay $0x2  }
0x295: {  	v4 =	vmax.f32 v4, v5  }
0x296: {  	v4 =	vmax.f32 v4, v6  }
0x297: {  	v4 =	vmax.f32 v4, v7  }
0x298: {  	[tilespmem:s23+$0x9910] =	vst v4  }
0x299: {  	v4 =	vld.idx.msk [tilespmem:v0+s23+$0xFFFFFC20 ss:$0x1], $0xffff  }
0x29a: {  	v5 =	vld.idx.msk [tilespmem:v3+s23+$0xFFFFFC20 ss:$0x1], $0xffff  }
0x29b: {  	v6 =	vld.idx.msk [tilespmem:v1+s23+$0xFFFFFC20 ss:$0x1], $0xffff  }
0x29c: {  	v7 =	vld.idx.msk [tilespmem:v2+s23+$0x20 ss:$0x1], $0xffff;
	_ =	sdelay $0x2  }
0x29d: {  	v4 =	vmax.f32 v4, v5  }
0x29e: {  	v4 =	vmax.f32 v4, v6  }
0x29f: {  	v4 =	vmax.f32 v4, v7  }
0x2a0: {  	[tilespmem:s23+$0x9920] =	vst v4  }
0x2a1: {  	v4 =	vld.idx.msk [tilespmem:v0+s23+$0xFFFFFC30 ss:$0x1], $0xffff  }
0x2a2: {  	v5 =	vld.idx.msk [tilespmem:v3+s23+$0xFFFFFC30 ss:$0x1], $0xffff  }
0x2a3: {  	v6 =	vld.idx.msk [tilespmem:v1+s23+$0xFFFFFC30 ss:$0x1], $0xffff  }
0x2a4: {  	v7 =	vld.idx.msk [tilespmem:v2+s23+$0x30 ss:$0x1], $0xffff;
	_ =	sdelay $0x2  }
0x2a5: {  	v4 =	vmax.f32 v4, v5  }
0x2a6: {  	v4 =	vmax.f32 v4, v6  }
0x2a7: {  	v4 =	vmax.f32 v4, v7  }
0x2a8: {  	[tilespmem:s23+$0x9930] =	vst v4  }
0x2a9: {  	v4 =	vld.idx.msk [tilespmem:v0+s23+$0xFFFFFC40 ss:$0x1], $0xffff  }
0x2aa: {  	v5 =	vld.idx.msk [tilespmem:v3+s23+$0xFFFFFC40 ss:$0x1], $0xffff  }
0x2ab: {  	v6 =	vld.idx.msk [tilespmem:v1+s23+$0xFFFFFC40 ss:$0x1], $0xffff  }
0x2ac: {  	v7 =	vld.idx.msk [tilespmem:v2+s23+$0x40 ss:$0x1], $0xffff;
	_ =	sdelay $0x2  }
0x2ad: {  	v4 =	vmax.f32 v4, v5  }
0x2ae: {  	v4 =	vmax.f32 v4, v6  }
0x2af: {  	v4 =	vmax.f32 v4, v7  }
0x2b0: {  	[tilespmem:s23+$0x9940] =	vst v4  }
0x2b1: {  	v4 =	vld.idx.msk [tilespmem:v0+s23+$0xFFFFFC50 ss:$0x1], $0xffff  }
0x2b2: {  	v5 =	vld.idx.msk [tilespmem:v3+s23+$0xFFFFFC50 ss:$0x1], $0xffff  }
0x2b3: {  	v6 =	vld.idx.msk [tilespmem:v1+s23+$0xFFFFFC50 ss:$0x1], $0xffff  }
0x2b4: {  	v7 =	vld.idx.msk [tilespmem:v2+s23+$0x50 ss:$0x1], $0xffff;
	_ =	sdelay $0x2  }
0x2b5: {  	v4 =	vmax.f32 v4, v5  }
0x2b6: {  	v4 =	vmax.f32 v4, v6  }
0x2b7: {  	v4 =	vmax.f32 v4, v7  }
0x2b8: {  	[tilespmem:s23+$0x9950] =	vst v4  }
0x2b9: {  	v4 =	vld.idx.msk [tilespmem:v0+s23+$0xFFFFFC60 ss:$0x1], $0xffff  }
0x2ba: {  	v5 =	vld.idx.msk [tilespmem:v3+s23+$0xFFFFFC60 ss:$0x1], $0xffff  }
0x2bb: {  	v6 =	vld.idx.msk [tilespmem:v1+s23+$0xFFFFFC60 ss:$0x1], $0xffff  }
0x2bc: {  	s24 =	simm.s32 $0x200;
	v7 =	vld.idx.msk [tilespmem:v2+s23+$0x60 ss:$0x1], $0xffff  }
.LBB2_9:
0x2bd: {  	_ = 	snop  }
0x2be: {  	p0 =	sne.s32 s24, $0xE00;
	s25 =	smov.u32 s24;
	s24 =	sadd.s32 $0x200, s24  }
0x2bf: {  	v4 =	vmax.f32 v4, v5  }
0x2c0: {  	v4 =	vmax.f32 v4, v6  }
0x2c1: {  	v4 =	vmax.f32 v4, v7  }
0x2c2: {  	[tilespmem:s23+$0x9960] =	vst v4  }
0x2c3: {  	v4 =	vld.idx.msk [tilespmem:v0+s23+$0xFFFFFC70 ss:$0x1], $0xffff  }
0x2c4: {  	v5 =	vld.idx.msk [tilespmem:v3+s23+$0xFFFFFC70 ss:$0x1], $0xffff  }
0x2c5: {  	v6 =	vld.idx.msk [tilespmem:v1+s23+$0xFFFFFC70 ss:$0x1], $0xffff  }
0x2c6: {  	v7 =	vld.idx.msk [tilespmem:v2+s23+$0x70 ss:$0x1], $0xffff;
	_ =	sdelay $0x3  }
0x2c7: {  	v4 =	vmax.f32 v4, v5  }
0x2c8: {  	v4 =	vmax.f32 v4, v6  }
0x2c9: {  	v4 =	vmax.f32 v4, v7  }
0x2ca: {  	[tilespmem:s23+$0x9970] =	vst v4  }
0x2cb: {  	v4 =	vld.idx.msk [tilespmem:v2+s23+$0x400 ss:$0x1], $0xff  }
0x2cc: {  	v5 =	vld.idx.msk [tilespmem:v1+s23+$0x0 ss:$0x1], $0xff  }
0x2cd: {  	v6 =	vld.idx.msk [tilespmem:v3+s23+$0x0 ss:$0x1], $0xff  }
0x2ce: {  	v7 =	vld.idx.msk [tilespmem:v3+s23+$0xFFFFFC70 ss:$0x1], $0xffff  }
0x2cf: {  	v8 =	vld.idx.msk [tilespmem:v0+s23+$0x0 ss:$0x1], $0xff  }
0x2d0: {  	v9 =	vld.idx.msk [tilespmem:v0+s23+$0xFFFFFC70 ss:$0x1], $0xffff  }
0x2d1: {  	v10 =	vld.idx.msk [tilespmem:v1+s23+$0xFFFFFC70 ss:$0x1], $0xffff  }
0x2d2: {  	v11 =	vld.idx.msk [tilespmem:v2+s23+$0x70 ss:$0x1], $0xffff;
	_ =	sdelay $0x2  }
0x2d3: {  	v6 =	vmax.f32 v8, v6  }
0x2d4: {  	v7 =	vmax.f32 v9, v7;
	v5 =	vmax.f32 v6, v5  }
0x2d5: {  	v6 =	vmax.f32 v7, v10;
	v4 =	vmax.f32 v5, v4  }
0x2d6: {  	s25 =	sshra.s32 s25, $0x2;
	v5 =	vmax.f32 v6, v11;
	[tilespmem:s23+$0x9D00] =	vst.msk $0xff, v4  }
0x2d7: {  	[tilespmem:s23+$0x9970] =	vst v5;
	s23 =	smov.u32 s25  }
0x2d8: {  	v4 =	vld.idx.msk [tilespmem:v0+s23+$0xFFFFF400 ss:$0x1], $0xffff  }
0x2d9: {  	v5 =	vld.idx.msk [tilespmem:v3+s23+$0xFFFFF400 ss:$0x1], $0xffff  }
0x2da: {  	v6 =	vld.idx.msk [tilespmem:v1+s23+$0xFFFFF400 ss:$0x1], $0xffff  }
0x2db: {  	v7 =	vld.idx.msk [tilespmem:v2+s23+$0xFFFFF800 ss:$0x1], $0xffff;
	_ =	sdelay $0x3  }
0x2dc: {  	v4 =	vmax.f32 v4, v5  }
0x2dd: {  	v4 =	vmax.f32 v4, v6  }
0x2de: {  	v4 =	vmax.f32 v4, v7  }
0x2df: {  	[tilespmem:s23+$0x9100] =	vst v4  }
0x2e0: {  	v4 =	vld.idx.msk [tilespmem:v0+s23+$0xFFFFF410 ss:$0x1], $0xffff  }
0x2e1: {  	v5 =	vld.idx.msk [tilespmem:v3+s23+$0xFFFFF410 ss:$0x1], $0xffff  }
0x2e2: {  	v6 =	vld.idx.msk [tilespmem:v1+s23+$0xFFFFF410 ss:$0x1], $0xffff  }
0x2e3: {  	v7 =	vld.idx.msk [tilespmem:v2+s23+$0xFFFFF810 ss:$0x1], $0xffff;
	_ =	sdelay $0x3  }
0x2e4: {  	v4 =	vmax.f32 v4, v5  }
0x2e5: {  	v4 =	vmax.f32 v4, v6  }
0x2e6: {  	v4 =	vmax.f32 v4, v7  }
0x2e7: {  	[tilespmem:s23+$0x9110] =	vst v4  }
0x2e8: {  	v4 =	vld.idx.msk [tilespmem:v0+s23+$0xFFFFF420 ss:$0x1], $0xffff  }
0x2e9: {  	v5 =	vld.idx.msk [tilespmem:v3+s23+$0xFFFFF420 ss:$0x1], $0xffff  }
0x2ea: {  	v6 =	vld.idx.msk [tilespmem:v1+s23+$0xFFFFF420 ss:$0x1], $0xffff  }
0x2eb: {  	v7 =	vld.idx.msk [tilespmem:v2+s23+$0xFFFFF820 ss:$0x1], $0xffff;
	_ =	sdelay $0x3  }
0x2ec: {  	v4 =	vmax.f32 v4, v5  }
0x2ed: {  	v4 =	vmax.f32 v4, v6  }
0x2ee: {  	v4 =	vmax.f32 v4, v7  }
0x2ef: {  	[tilespmem:s23+$0x9120] =	vst v4  }
0x2f0: {  	v4 =	vld.idx.msk [tilespmem:v0+s23+$0xFFFFF430 ss:$0x1], $0xffff  }
0x2f1: {  	v5 =	vld.idx.msk [tilespmem:v3+s23+$0xFFFFF430 ss:$0x1], $0xffff  }
0x2f2: {  	v6 =	vld.idx.msk [tilespmem:v1+s23+$0xFFFFF430 ss:$0x1], $0xffff  }
0x2f3: {  	v7 =	vld.idx.msk [tilespmem:v2+s23+$0xFFFFF830 ss:$0x1], $0xffff;
	_ =	sdelay $0x3  }
0x2f4: {  	v4 =	vmax.f32 v4, v5  }
0x2f5: {  	v4 =	vmax.f32 v4, v6  }
0x2f6: {  	v4 =	vmax.f32 v4, v7  }
0x2f7: {  	[tilespmem:s23+$0x9130] =	vst v4  }
0x2f8: {  	v4 =	vld.idx.msk [tilespmem:v0+s23+$0xFFFFF440 ss:$0x1], $0xffff  }
0x2f9: {  	v5 =	vld.idx.msk [tilespmem:v3+s23+$0xFFFFF440 ss:$0x1], $0xffff  }
0x2fa: {  	v6 =	vld.idx.msk [tilespmem:v1+s23+$0xFFFFF440 ss:$0x1], $0xffff  }
0x2fb: {  	v7 =	vld.idx.msk [tilespmem:v2+s23+$0xFFFFF840 ss:$0x1], $0xffff;
	_ =	sdelay $0x3  }
0x2fc: {  	v4 =	vmax.f32 v4, v5  }
0x2fd: {  	v4 =	vmax.f32 v4, v6  }
0x2fe: {  	v4 =	vmax.f32 v4, v7  }
0x2ff: {  	[tilespmem:s23+$0x9140] =	vst v4  }
0x300: {  	v4 =	vld.idx.msk [tilespmem:v0+s23+$0xFFFFF450 ss:$0x1], $0xffff  }
0x301: {  	v5 =	vld.idx.msk [tilespmem:v3+s23+$0xFFFFF450 ss:$0x1], $0xffff  }
0x302: {  	v6 =	vld.idx.msk [tilespmem:v1+s23+$0xFFFFF450 ss:$0x1], $0xffff  }
0x303: {  	v7 =	vld.idx.msk [tilespmem:v2+s23+$0xFFFFF850 ss:$0x1], $0xffff;
	_ =	sdelay $0x3  }
0x304: {  	v4 =	vmax.f32 v4, v5  }
0x305: {  	v4 =	vmax.f32 v4, v6  }
0x306: {  	v4 =	vmax.f32 v4, v7  }
0x307: {  	[tilespmem:s23+$0x9150] =	vst v4  }
0x308: {  	v4 =	vld.idx.msk [tilespmem:v0+s23+$0xFFFFF460 ss:$0x1], $0xffff  }
0x309: {  	v5 =	vld.idx.msk [tilespmem:v3+s23+$0xFFFFF460 ss:$0x1], $0xffff  }
0x30a: {  	v6 =	vld.idx.msk [tilespmem:v1+s23+$0xFFFFF460 ss:$0x1], $0xffff  }
0x30b: {  	v7 =	vld.idx.msk [tilespmem:v2+s23+$0xFFFFF860 ss:$0x1], $0xffff;
	_ =	sdelay $0x3  }
0x30c: {  	v4 =	vmax.f32 v4, v5  }
0x30d: {  	v4 =	vmax.f32 v4, v6  }
0x30e: {  	v4 =	vmax.f32 v4, v7  }
0x30f: {  	[tilespmem:s23+$0x9160] =	vst v4  }
0x310: {  	v4 =	vld.idx.msk [tilespmem:v0+s23+$0xFFFFF470 ss:$0x1], $0xffff  }
0x311: {  	v5 =	vld.idx.msk [tilespmem:v3+s23+$0xFFFFF470 ss:$0x1], $0xffff  }
0x312: {  	v6 =	vld.idx.msk [tilespmem:v1+s23+$0xFFFFF470 ss:$0x1], $0xffff  }
0x313: {  	v7 =	vld.idx.msk [tilespmem:v2+s23+$0xFFFFF870 ss:$0x1], $0xffff;
	_ =	sdelay $0x3  }
0x314: {  	v4 =	vmax.f32 v4, v5  }
0x315: {  	v4 =	vmax.f32 v4, v6  }
0x316: {  	v4 =	vmax.f32 v4, v7  }
0x317: {  	[tilespmem:s23+$0x9170] =	vst v4  }
0x318: {  	v4 =	vld.idx.msk [tilespmem:v0+s23+$0xFFFFF800 ss:$0x1], $0xffff  }
0x319: {  	v5 =	vld.idx.msk [tilespmem:v3+s23+$0xFFFFF800 ss:$0x1], $0xffff  }
0x31a: {  	v6 =	vld.idx.msk [tilespmem:v1+s23+$0xFFFFF800 ss:$0x1], $0xffff  }
0x31b: {  	v7 =	vld.idx.msk [tilespmem:v2+s23+$0xFFFFFC00 ss:$0x1], $0xffff;
	_ =	sdelay $0x3  }
0x31c: {  	v4 =	vmax.f32 v4, v5  }
0x31d: {  	v4 =	vmax.f32 v4, v6  }
0x31e: {  	v4 =	vmax.f32 v4, v7  }
0x31f: {  	[tilespmem:s23+$0x9500] =	vst v4  }
0x320: {  	v4 =	vld.idx.msk [tilespmem:v0+s23+$0xFFFFF810 ss:$0x1], $0xffff  }
0x321: {  	v5 =	vld.idx.msk [tilespmem:v3+s23+$0xFFFFF810 ss:$0x1], $0xffff  }
0x322: {  	v6 =	vld.idx.msk [tilespmem:v1+s23+$0xFFFFF810 ss:$0x1], $0xffff  }
0x323: {  	v7 =	vld.idx.msk [tilespmem:v2+s23+$0xFFFFFC10 ss:$0x1], $0xffff;
	_ =	sdelay $0x3  }
0x324: {  	v4 =	vmax.f32 v4, v5  }
0x325: {  	v4 =	vmax.f32 v4, v6  }
0x326: {  	v4 =	vmax.f32 v4, v7  }
0x327: {  	[tilespmem:s23+$0x9510] =	vst v4  }
0x328: {  	v4 =	vld.idx.msk [tilespmem:v0+s23+$0xFFFFF820 ss:$0x1], $0xffff  }
0x329: {  	v5 =	vld.idx.msk [tilespmem:v3+s23+$0xFFFFF820 ss:$0x1], $0xffff  }
0x32a: {  	v6 =	vld.idx.msk [tilespmem:v1+s23+$0xFFFFF820 ss:$0x1], $0xffff  }
0x32b: {  	v7 =	vld.idx.msk [tilespmem:v2+s23+$0xFFFFFC20 ss:$0x1], $0xffff;
	_ =	sdelay $0x3  }
0x32c: {  	v4 =	vmax.f32 v4, v5  }
0x32d: {  	v4 =	vmax.f32 v4, v6  }
0x32e: {  	v4 =	vmax.f32 v4, v7  }
0x32f: {  	[tilespmem:s23+$0x9520] =	vst v4  }
0x330: {  	v4 =	vld.idx.msk [tilespmem:v0+s23+$0xFFFFF830 ss:$0x1], $0xffff  }
0x331: {  	v5 =	vld.idx.msk [tilespmem:v3+s23+$0xFFFFF830 ss:$0x1], $0xffff  }
0x332: {  	v6 =	vld.idx.msk [tilespmem:v1+s23+$0xFFFFF830 ss:$0x1], $0xffff  }
0x333: {  	v7 =	vld.idx.msk [tilespmem:v2+s23+$0xFFFFFC30 ss:$0x1], $0xffff;
	_ =	sdelay $0x3  }
0x334: {  	v4 =	vmax.f32 v4, v5  }
0x335: {  	v4 =	vmax.f32 v4, v6  }
0x336: {  	v4 =	vmax.f32 v4, v7  }
0x337: {  	[tilespmem:s23+$0x9530] =	vst v4  }
0x338: {  	v4 =	vld.idx.msk [tilespmem:v0+s23+$0xFFFFF840 ss:$0x1], $0xffff  }
0x339: {  	v5 =	vld.idx.msk [tilespmem:v3+s23+$0xFFFFF840 ss:$0x1], $0xffff  }
0x33a: {  	v6 =	vld.idx.msk [tilespmem:v1+s23+$0xFFFFF840 ss:$0x1], $0xffff  }
0x33b: {  	v7 =	vld.idx.msk [tilespmem:v2+s23+$0xFFFFFC40 ss:$0x1], $0xffff;
	_ =	sdelay $0x3  }
0x33c: {  	v4 =	vmax.f32 v4, v5  }
0x33d: {  	v4 =	vmax.f32 v4, v6  }
0x33e: {  	v4 =	vmax.f32 v4, v7  }
0x33f: {  	[tilespmem:s23+$0x9540] =	vst v4  }
0x340: {  	v4 =	vld.idx.msk [tilespmem:v0+s23+$0xFFFFF850 ss:$0x1], $0xffff  }
0x341: {  	v5 =	vld.idx.msk [tilespmem:v3+s23+$0xFFFFF850 ss:$0x1], $0xffff  }
0x342: {  	v6 =	vld.idx.msk [tilespmem:v1+s23+$0xFFFFF850 ss:$0x1], $0xffff  }
0x343: {  	v7 =	vld.idx.msk [tilespmem:v2+s23+$0xFFFFFC50 ss:$0x1], $0xffff;
	_ =	sdelay $0x3  }
0x344: {  	v4 =	vmax.f32 v4, v5  }
0x345: {  	v4 =	vmax.f32 v4, v6  }
0x346: {  	v4 =	vmax.f32 v4, v7  }
0x347: {  	[tilespmem:s23+$0x9550] =	vst v4  }
0x348: {  	v4 =	vld.idx.msk [tilespmem:v0+s23+$0xFFFFF860 ss:$0x1], $0xffff  }
0x349: {  	v5 =	vld.idx.msk [tilespmem:v3+s23+$0xFFFFF860 ss:$0x1], $0xffff  }
0x34a: {  	v6 =	vld.idx.msk [tilespmem:v1+s23+$0xFFFFF860 ss:$0x1], $0xffff  }
0x34b: {  	v7 =	vld.idx.msk [tilespmem:v2+s23+$0xFFFFFC60 ss:$0x1], $0xffff;
	_ =	sdelay $0x3  }
0x34c: {  	v4 =	vmax.f32 v4, v5  }
0x34d: {  	v4 =	vmax.f32 v4, v6  }
0x34e: {  	v4 =	vmax.f32 v4, v7  }
0x34f: {  	[tilespmem:s23+$0x9560] =	vst v4  }
0x350: {  	v4 =	vld.idx.msk [tilespmem:v0+s23+$0xFFFFF870 ss:$0x1], $0xffff  }
0x351: {  	v5 =	vld.idx.msk [tilespmem:v3+s23+$0xFFFFF870 ss:$0x1], $0xffff  }
0x352: {  	v6 =	vld.idx.msk [tilespmem:v1+s23+$0xFFFFF870 ss:$0x1], $0xffff  }
0x353: {  	v7 =	vld.idx.msk [tilespmem:v2+s23+$0xFFFFFC70 ss:$0x1], $0xffff;
	_ =	sdelay $0x3  }
0x354: {  	v4 =	vmax.f32 v4, v5  }
0x355: {  	v4 =	vmax.f32 v4, v6  }
0x356: {  	v4 =	vmax.f32 v4, v7  }
0x357: {  	[tilespmem:s23+$0x9570] =	vst v4  }
0x358: {  	v4 =	vld.idx.msk [tilespmem:v0+s23+$0xFFFFFC00 ss:$0x1], $0xffff  }
0x359: {  	v5 =	vld.idx.msk [tilespmem:v3+s23+$0xFFFFFC00 ss:$0x1], $0xffff  }
0x35a: {  	v6 =	vld.idx.msk [tilespmem:v1+s23+$0xFFFFFC00 ss:$0x1], $0xffff  }
0x35b: {  	v7 =	vld.idx.msk [tilespmem:v2+s23+$0x0 ss:$0x1], $0xffff;
	_ =	sdelay $0x3  }
0x35c: {  	v4 =	vmax.f32 v4, v5  }
0x35d: {  	v4 =	vmax.f32 v4, v6  }
0x35e: {  	v4 =	vmax.f32 v4, v7  }
0x35f: {  	[tilespmem:s23+$0x9900] =	vst v4  }
0x360: {  	v4 =	vld.idx.msk [tilespmem:v0+s23+$0xFFFFFC10 ss:$0x1], $0xffff  }
0x361: {  	v5 =	vld.idx.msk [tilespmem:v3+s23+$0xFFFFFC10 ss:$0x1], $0xffff  }
0x362: {  	v6 =	vld.idx.msk [tilespmem:v1+s23+$0xFFFFFC10 ss:$0x1], $0xffff  }
0x363: {  	v7 =	vld.idx.msk [tilespmem:v2+s23+$0x10 ss:$0x1], $0xffff;
	_ =	sdelay $0x3  }
0x364: {  	v4 =	vmax.f32 v4, v5  }
0x365: {  	v4 =	vmax.f32 v4, v6  }
0x366: {  	v4 =	vmax.f32 v4, v7  }
0x367: {  	[tilespmem:s23+$0x9910] =	vst v4  }
0x368: {  	v4 =	vld.idx.msk [tilespmem:v0+s23+$0xFFFFFC20 ss:$0x1], $0xffff  }
0x369: {  	v5 =	vld.idx.msk [tilespmem:v3+s23+$0xFFFFFC20 ss:$0x1], $0xffff  }
0x36a: {  	v6 =	vld.idx.msk [tilespmem:v1+s23+$0xFFFFFC20 ss:$0x1], $0xffff  }
0x36b: {  	v7 =	vld.idx.msk [tilespmem:v2+s23+$0x20 ss:$0x1], $0xffff;
	_ =	sdelay $0x3  }
0x36c: {  	v4 =	vmax.f32 v4, v5  }
0x36d: {  	v4 =	vmax.f32 v4, v6  }
0x36e: {  	v4 =	vmax.f32 v4, v7  }
0x36f: {  	[tilespmem:s23+$0x9920] =	vst v4  }
0x370: {  	v4 =	vld.idx.msk [tilespmem:v0+s23+$0xFFFFFC30 ss:$0x1], $0xffff  }
0x371: {  	v5 =	vld.idx.msk [tilespmem:v3+s23+$0xFFFFFC30 ss:$0x1], $0xffff  }
0x372: {  	v6 =	vld.idx.msk [tilespmem:v1+s23+$0xFFFFFC30 ss:$0x1], $0xffff  }
0x373: {  	v7 =	vld.idx.msk [tilespmem:v2+s23+$0x30 ss:$0x1], $0xffff;
	_ =	sdelay $0x3  }
0x374: {  	v4 =	vmax.f32 v4, v5  }
0x375: {  	v4 =	vmax.f32 v4, v6  }
0x376: {  	v4 =	vmax.f32 v4, v7  }
0x377: {  	[tilespmem:s23+$0x9930] =	vst v4  }
0x378: {  	v4 =	vld.idx.msk [tilespmem:v0+s23+$0xFFFFFC40 ss:$0x1], $0xffff  }
0x379: {  	v5 =	vld.idx.msk [tilespmem:v3+s23+$0xFFFFFC40 ss:$0x1], $0xffff  }
0x37a: {  	v6 =	vld.idx.msk [tilespmem:v1+s23+$0xFFFFFC40 ss:$0x1], $0xffff  }
0x37b: {  	v7 =	vld.idx.msk [tilespmem:v2+s23+$0x40 ss:$0x1], $0xffff;
	_ =	sdelay $0x3  }
0x37c: {  	v4 =	vmax.f32 v4, v5  }
0x37d: {  	v4 =	vmax.f32 v4, v6  }
0x37e: {  	v4 =	vmax.f32 v4, v7  }
0x37f: {  	[tilespmem:s23+$0x9940] =	vst v4  }
0x380: {  	v4 =	vld.idx.msk [tilespmem:v0+s23+$0xFFFFFC50 ss:$0x1], $0xffff  }
0x381: {  	v5 =	vld.idx.msk [tilespmem:v3+s23+$0xFFFFFC50 ss:$0x1], $0xffff  }
0x382: {  	v6 =	vld.idx.msk [tilespmem:v1+s23+$0xFFFFFC50 ss:$0x1], $0xffff  }
0x383: {  	v7 =	vld.idx.msk [tilespmem:v2+s23+$0x50 ss:$0x1], $0xffff;
	_ =	sdelay $0x3  }
0x384: {  	v4 =	vmax.f32 v4, v5  }
0x385: {  	v4 =	vmax.f32 v4, v6  }
0x386: {  	v4 =	vmax.f32 v4, v7  }
.Ltmp4:
0x387: {  	[tilespmem:s23+$0x9950] =	vst v4;
	(pc) =	sbr.rel @p0 .LBB2_9-.Ltmp4, $4  }
0x388: {  	v4 =	vld.idx.msk [tilespmem:v0+s23+$0xFFFFFC60 ss:$0x1], $0xffff  }
0x389: {  	v5 =	vld.idx.msk [tilespmem:v3+s23+$0xFFFFFC60 ss:$0x1], $0xffff  }
0x38a: {  	v6 =	vld.idx.msk [tilespmem:v1+s23+$0xFFFFFC60 ss:$0x1], $0xffff  }
0x38b: {  	v7 =	vld.idx.msk [tilespmem:v2+s23+$0x60 ss:$0x1], $0xffff  }
0x38c: {  	_ =	sdelay $0x1  }
0x38d: {  	v4 =	vmax.f32 v4, v5  }
0x38e: {  	v4 =	vmax.f32 v4, v6  }
0x38f: {  	v4 =	vmax.f32 v4, v7  }
0x390: {  	[tilespmem:s23+$0x9960] =	vst v4  }
0x391: {  	v4 =	vld.idx.msk [tilespmem:v0+s23+$0xFFFFFC70 ss:$0x1], $0xffff  }
0x392: {  	v52 =	vld.idx.msk [tilespmem:v3+s23+$0xFFFFFC70 ss:$0x1], $0xffff  }
0x393: {  	v53 =	vld.idx.msk [tilespmem:v1+s23+$0xFFFFFC70 ss:$0x1], $0xffff  }
0x394: {  	v54 =	vld.idx.msk [tilespmem:v2+s23+$0x70 ss:$0x1], $0xffff;
	_ =	sdelay $0x2  }
0x395: {  	v4 =	vmax.f32 v4, v52  }
0x396: {  	v4 =	vmax.f32 v4, v53  }
0x397: {  	v4 =	vmax.f32 v4, v54  }
0x398: {  	[tilespmem:s23+$0x9970] =	vst v4  }
0x399: {  	v4 =	vld.idx.msk [tilespmem:v2+s23+$0x400 ss:$0x1], $0xff  }
0x39a: {  	v55 =	vld.idx.msk [tilespmem:v1+s23+$0x0 ss:$0x1], $0xff  }
0x39b: {  	v56 =	vld.idx.msk [tilespmem:v3+s23+$0x0 ss:$0x1], $0xff  }
0x39c: {  	v57 =	vld.idx.msk [tilespmem:v3+s23+$0xFFFFFC70 ss:$0x1], $0xffff  }
0x39d: {  	v58 =	vld.idx.msk [tilespmem:v0+s23+$0x0 ss:$0x1], $0xff  }
0x39e: {  	v59 =	vld.idx.msk [tilespmem:v0+s23+$0xFFFFFC70 ss:$0x1], $0xffff  }
0x39f: {  	v60 =	vld.idx.msk [tilespmem:v1+s23+$0xFFFFFC70 ss:$0x1], $0xffff  }
0x3a0: {  	v61 =	vld.idx.msk [tilespmem:v2+s23+$0x70 ss:$0x1], $0xffff  }
0x3a1: {  	s20 =	sadd.s32 $0x1, s20  }
0x3a2: {  	s22 =	smul.u32 $0x19000, s22;
	p0 =	sne.s32 s20, $0x19;
	v6 =	vmax.f32 v58, v56  }
.Ltmp5:
0x3a3: {  	s21 =	sshll.u32 s21, $0xC;
	v0 =	vmax.f32 v59, v57;
	v62 =	vmax.f32 v6, v55;
	(pc) =	sbr.rel @p0 .LBB2_2-.Ltmp5, $4  }
0x3a4: {  	s21 =	sadd.s32 s21, s22;
	v0 =	vmax.f32 v0, v60;
	v63 =	vmax.f32 v62, v4  }
0x3a5: {  	s21 =	sshrl.u32 s21, $0x3;
	v0 =	vmax.f32 v0, v61;
	[tilespmem:s23+$0x9D00] =	vst.msk $0xff, v63  }
0x3a6: {  	s21 =	sadd.s32 s6, s21;
	[tilespmem:s23+$0x9970] =	vst v0  }
0x3a7: {  	[hbm4b:s21+s3] =	stream.linear.scatter [tilespmem:s17], [sflag:$0x4], $0x1000, $0x38;
	[tilespmem:$0xA100] =	vst v63  }
0x3a8: {  	s19 =	sadd.s32 $0x1, s19  }
0x3a9: {  	_ =	swait.ge [sflag:s18], $0x1000;
	p0 =	sne.s32 s19, s9  }
.Ltmp6:
0x3aa: {  	[sflag:s18] =	ssyncset.done $0x0;
	(pc) =	sbr.rel @p0 .LBB2_1-.Ltmp6, $4  }
0x3ab: {  	[sflag:s18] =	ssyncadd.s32 $0xFFFFF000  }
0x3ac: {  	_ =	swait.ge [sflag:s16], $0x1000  }
0x3ad: {  	[sflag:s16] =	ssyncset.done $0x0  }
0x3ae: {  	[sflag:s16] =	ssyncadd.s32 $0xFFFFF000  }
0x3af: {  	_ =	sfence.sel $0x180000  }
0x3b0: {  	[bflag:$0x0] =	sbarrier.arrive $0xFFFF  }
0x3b1: {  	p0 =	sne.s32 s1, $0x0;
	_ =	strace $0x90000047  }
0x3b2: {  	s0 =	sadd.s32 @!p0 $0x100000, s0;
	[bflag:$0x2] =	sbarrier.arrive $0xFFFF  }
0x3b3: {  	[sflag:s0] =	ssyncadd.tile.s32 @!p0 $0x1;
	_ =	shalt  }
.Lfunc_end2:
_tile_overlayer_lowered:
.L_overlay_start_2:
0x3b4: {  	(tag) =	ssettag $0x2  }
0x3b5: {  	s0 =	rddreg [dreg:$0x0];
	s2 =	stileid.u32  }
0x3b6: {  	s1 =	rddreg [dreg:$0x1];
	p0 =	sne.s32 s2, $0x0  }
0x3b7: {  	s3 =	rddreg [dreg:$0x2];
	[bflag:$0x3] =	sbarrier.arrive $0xFFFF;
	s2 =	simm.s32 @!p0 $0x1C05  }
0x3b8: {  	[timem:s3], [sflag:s2] =	dma.local @!p0 [hbm:s0], s1  }
0x3b9: {  	s0 =	simm.s32 @!p0 $0x5  }
0x3ba: {  	_ =	swait.ge @!p0 [sflag:s0], s1  }
0x3bb: {  	s1 =	ssub.s32 @!p0 $0x0, s1;
	[sflag:s0] =	ssyncset.done @!p0 $0x0  }
0x3bc: {  	[sflag:s0] =	ssyncadd.s32 @!p0 s1  }
0x3bd: {  	[bflag:$0x3] =	sbarrier.arrive $0xFFFF  }
0x3be: {  	_ =	shalt  }

</sc_bundles>
